<compile_context>
chip_gen: v7x
topology: tpu7x:2x2x1
jax: 0.10.2.dev20260603
libtpu: 0.0.44.dev20260713+nightly
codegen_flags: <defaults>
</compile_context>

<pallas_src>
import functools

import jax
import jax.numpy as jnp
from jax import lax
from jax.experimental import pallas as pl
from jax.experimental.pallas import tpu as pltpu
from jax.experimental.pallas import tpu_sc as plsc

G_ = 0.99
N_ = 2 * 4096 * 2048
NW_ = 32
ROWS_, COLS_ = 8192, 2048
RSHARD_ = ROWS_ // NW_
CROWS_ = 8
NCHUNK_ = RSHARD_ // CROWS_
HB_ = 65536

K99_99_ = int(round(0.9999 * N_)) - 1
K99_9_ = int(round(0.999 * N_)) - 1
K99_ = int(round(0.99 * N_)) - 1

_MESH = plsc.VectorSubcoreMesh(
    core_axis_name="c", subcore_axis_name="s", num_cores=2, num_subcores=16
)


def _zero_vmem(ref, nwords):
    z = jnp.zeros((16,), jnp.int32)

    def body(j, _):
        ref[pl.ds(j * 16, 16)] = z
        return 0

    lax.fori_loop(0, nwords // 16, body, 0, unroll=8)


def _start(x_hbm, buf_v, sem, base_row, ci):
    off = jnp.minimum(base_row + ci * CROWS_, ROWS_ - CROWS_)
    pltpu.async_copy(x_hbm.at[pl.ds(off, CROWS_), :], buf_v, sem)


def _wait(x_hbm, buf_v, sem):
    pltpu.make_async_copy(x_hbm.at[pl.ds(0, CROWS_), :], buf_v, sem).wait()


@functools.partial(
    pl.kernel,
    out_type=(
        jax.ShapeDtypeStruct((NW_, HB_), jnp.int32),
        jax.ShapeDtypeStruct((NW_, 16), jnp.int32),
    ),
    mesh=_MESH,
    compiler_params=pltpu.CompilerParams(needs_layout_passes=False),
    scratch_types=[
        pltpu.VMEM((2, CROWS_, COLS_), jnp.float32),
        pltpu.VMEM((HB_,), jnp.int32),
        pltpu.VMEM((16,), jnp.int32),
        pltpu.SemaphoreType.DMA,
        pltpu.SemaphoreType.DMA,
    ],
)
def _sc_hist(x_hbm, hist_hbm, max_hbm, buf_v, hist_v, max_v, sem0, sem1):
    wid = lax.axis_index("s") * 2 + lax.axis_index("c")
    base_row = wid * RSHARD_
    sems = (sem0, sem1)
    _start(x_hbm, buf_v.at[0], sem0, base_row, 0)
    _start(x_hbm, buf_v.at[1], sem1, base_row, 1)
    _zero_vmem(hist_v, HB_)
    ones = jnp.ones((16,), jnp.int32)

    def chunk_body(g, maxv):
        for b in range(2):
            ci = 2 * g + b
            _wait(x_hbm, buf_v.at[b], sems[b])
            for r in range(CROWS_):

                def vbody(i, mv, b=b, r=r):
                    v = buf_v[b, r, pl.ds(i * 16, 16)]
                    u = lax.bitcast_convert_type(v, jnp.int32) & 0x7FFFFFFF
                    plsc.addupdate_scatter(hist_v, [u >> 15], ones)
                    return jnp.maximum(mv, u)

                maxv = plsc.parallel_loop(
                    0, COLS_ // 16, 1, unroll=16, carry=maxv
                )(vbody)
            _start(x_hbm, buf_v.at[b], sems[b], base_row, ci + 2)
        return maxv

    maxv = lax.fori_loop(0, NCHUNK_ // 2, chunk_body, jnp.zeros((16,), jnp.int32))
    _wait(x_hbm, buf_v.at[0], sem0)
    _wait(x_hbm, buf_v.at[1], sem1)
    max_v[...] = maxv
    pltpu.sync_copy(max_v, max_hbm.at[wid])
    pltpu.sync_copy(hist_v, hist_hbm.at[wid])


def _cum_lanes(a):
    c = a
    sh = 1
    while sh < a.shape[-1]:
        z = jnp.zeros(a.shape[:-1] + (sh,), a.dtype)
        c = c + jnp.concatenate([z, c[..., :-sh]], axis=-1)
        sh *= 2
    return c


def _cum_rows(a):
    c = a
    sh = 1
    while sh < a.shape[0]:
        z = jnp.zeros((sh,) + a.shape[1:], a.dtype)
        c = c + jnp.concatenate([z, c[:-sh]], axis=0)
        sh *= 2
    return c


def _glue_body(hist_ref, max_ref, bufs_ref, o_ref):
    h = jnp.sum(hist_ref[...], axis=0)
    a = h.reshape(512, 128)
    rowcum = _cum_lanes(a)
    rs = rowcum[:, 127:]
    cum = rowcum + _cum_rows(rs) - rs
    maxu = jnp.max(max_ref[...])

    bits = [maxu]
    for kk in (K99_99_, K99_9_, K99_):
        b = jnp.sum((cum <= kk).astype(jnp.int32))
        bits.append((b << 15) | 0x4000)

    c = lax.broadcasted_iota(jnp.int32, (1, 128), 1)
    vbits = jnp.zeros((1, 128), jnp.int32)
    for t, w in enumerate(bits):
        vbits = jnp.where(c == t, w, vbits)
    vals = lax.bitcast_convert_type(vbits, jnp.float32)
    o_ref[...] = bufs_ref[...] * jnp.float32(G_) + vals * jnp.float32(1.0 - G_)


def _copy_body(x_ref, o_ref):
    o_ref[...] = x_ref[...]


def kernel(x, max_buf, p99_99_buf, p99_9_buf, p99_buf):
    xr = x.reshape(8192, 2048)
    hist, maxes = _sc_hist(xr)
    x_out = pl.pallas_call(
        _copy_body,
        grid=(16,),
        in_specs=[pl.BlockSpec((512, 2048), lambda i: (i, 0))],
        out_specs=pl.BlockSpec((512, 2048), lambda i: (i, 0)),
        out_shape=jax.ShapeDtypeStruct((8192, 2048), jnp.float32),
    )(xr).reshape(x.shape)
    bufs = jnp.zeros((1, 128), jnp.float32)
    bufs = bufs.at[0, 0].set(max_buf)
    bufs = bufs.at[0, 1].set(p99_99_buf)
    bufs = bufs.at[0, 2].set(p99_9_buf)
    bufs = bufs.at[0, 3].set(p99_buf)
    outv = pl.pallas_call(
        _glue_body,
        out_shape=jax.ShapeDtypeStruct((1, 128), jnp.float32),
    )(hist, maxes, bufs)
    return (x_out, outv[0, 0], outv[0, 1], outv[0, 2], outv[0, 3])

# --- scband reference (transcript-rebuilt; emitter-appended) ---
"""Pipeline reference for scband-percentile-observer-1614907703437 (READ-ONLY COPY).

The authoritative reference and input builder live on the scoring server;
editing this copy changes nothing except your own understanding.
"""

import jax, jax.numpy as jnp
import numpy as np

GAMMA = 0.99


def quantile_from_sorted(x_sorted, q):
    n = x_sorted.size
    k = int(round(q * n)) - 1
    return x_sorted.reshape(-1)[k]


def setup_inputs(seed: int = 0):
    key = jax.random.key(seed)
    x = jax.random.normal(key, (2, 4096, 2048), dtype=jnp.float32)
    return {
        "x": x,
        "max_buf": jnp.zeros((), dtype=jnp.float32),
        "p99_99_buf": jnp.zeros((), dtype=jnp.float32),
        "p99_9_buf": jnp.zeros((), dtype=jnp.float32),
        "p99_buf": jnp.zeros((), dtype=jnp.float32),
    }


def reference(x, max_buf, p99_99_buf, p99_9_buf, p99_buf):
    # training-mode observer: sort |x|, read percentiles, EMA-update buffers
    x_abs = jnp.sort(jnp.abs(x).reshape(-1))
    max_val = x_abs[-1]
    p99_99 = quantile_from_sorted(x_abs, 0.9999)
    p99_9 = quantile_from_sorted(x_abs, 0.999)
    p99 = quantile_from_sorted(x_abs, 0.99)
    new_max = max_buf * GAMMA + max_val * (1.0 - GAMMA)
    new_p99_99 = p99_99_buf * GAMMA + p99_99 * (1.0 - GAMMA)
    new_p99_9 = p99_9_buf * GAMMA + p99_9 * (1.0 - GAMMA)
    new_p99 = p99_buf * GAMMA + p99 * (1.0 - GAMMA)
    return (x, new_max, new_p99_99, new_p99_9, new_p99)

if __name__ == "__main__":
    import jax
    _d = setup_inputs()
    print(jax.jit(kernel)(*tuple(_d.values())))

</pallas_src>

<mosaic_0001>
#map = affine_map<(d0, d1) -> (0, 0)>
module attributes {stable_mosaic.version = 14 : i64} {
  func.func @_sc_hist(%arg0: i32, %arg1: i32, %arg2: memref<8192x2048xf32, #tpu.memory_space<hbm>>, %arg3: memref<32x65536xi32, #tpu.memory_space<hbm>>, %arg4: memref<32x16xi32, #tpu.memory_space<hbm>>, %arg5: memref<2x8x2048xf32, #tpu.memory_space<vmem>>, %arg6: memref<65536xi32, #tpu.memory_space<vmem>>, %arg7: memref<16xi32, #tpu.memory_space<vmem>>, %arg8: memref<!tpu.dma_semaphore, #tpu.memory_space<semaphore_mem>>, %arg9: memref<!tpu.dma_semaphore, #tpu.memory_space<semaphore_mem>>) attributes {dimension_semantics = [#tpu.dimension_semantics<core_parallel>, #tpu.dimension_semantics<subcore_parallel>], iteration_bounds = array<i64: 2, 16>, scalar_prefetch = 0 : i64, scratch_operands = 5 : i64, tpu.core_type = #tpu.core_type<sc_vector_subcore>, window_params = [{transform_indices = #map}, {transform_indices = #map}, {transform_indices = #map}]} {
    %mul3A = arith.constant 2 : i32
    %mul3A_0 = arith.muli %arg1, %mul3A : i32
    %add3A = arith.addi %mul3A_0, %arg0 : i32
    %mul3A_1 = arith.constant 256 : i32
    %mul3A_2 = arith.muli %add3A, %mul3A_1 : i32
    %add3A_3 = arith.constant 0 : i32
    %add3A_4 = arith.addi %mul3A_2, %add3A_3 : i32
    %min3A = arith.constant 8184 : i32
    %min3A_5 = arith.minsi %add3A_4, %min3A : i32
    %dma_start3A = arith.constant 0 : i32
    %dma_start3A_6 = arith.constant 0 : i32
    %dma_start3A_7 = arith.constant 0 : i32
    %dma_start3A_8 = tpu.memref_slice %arg5[%dma_start3A, %dma_start3A_6, %dma_start3A_7] : memref<2x8x2048xf32, #tpu.memory_space<vmem>> -> memref<1x8x2048xf32, #tpu.memory_space<vmem>>
    %dma_start3A_9 = tpu.memref_squeeze %dma_start3A_8 : memref<1x8x2048xf32, #tpu.memory_space<vmem>> -> memref<8x2048xf32, #tpu.memory_space<vmem>>
    %dma_start3A_10 = arith.constant 0 : i32
    %dma_start3A_11 = tpu.memref_slice %arg2[%min3A_5, %dma_start3A_10] : memref<8192x2048xf32, #tpu.memory_space<hbm>> -> memref<8x2048xf32, #tpu.memory_space<hbm>>
    %dma_start3A_12 = arith.constant 0 : i32
    %dma_start3A_13 = arith.constant 0 : i32
    %dma_start3A_14 = tpu.memref_slice %arg5[%dma_start3A, %dma_start3A_12, %dma_start3A_13] : memref<2x8x2048xf32, #tpu.memory_space<vmem>> -> memref<1x8x2048xf32, #tpu.memory_space<vmem>>
    %dma_start3A_15 = tpu.memref_squeeze %dma_start3A_14 : memref<1x8x2048xf32, #tpu.memory_space<vmem>> -> memref<8x2048xf32, #tpu.memory_space<vmem>>
    %dma_start3A_16 = arith.constant 0 : i32
    %dma_start3A_17 = tpu.memref_slice %arg2[%min3A_5, %dma_start3A_16] : memref<8192x2048xf32, #tpu.memory_space<hbm>> -> memref<8x2048xf32, #tpu.memory_space<hbm>>
    tpu.enqueue_dma source(%dma_start3A_17 : memref<8x2048xf32, #tpu.memory_space<hbm>>) target(%dma_start3A_15 : memref<8x2048xf32, #tpu.memory_space<vmem>>) target_semaphore(%arg8 : memref<!tpu.dma_semaphore, #tpu.memory_space<semaphore_mem>>)
    %add3A_18 = arith.constant 8 : i32
    %add3A_19 = arith.addi %mul3A_2, %add3A_18 : i32
    %min3A_20 = arith.constant 8184 : i32
    %min3A_21 = arith.minsi %add3A_19, %min3A_20 : i32
    %dma_start3A_22 = arith.constant 1 : i32
    %dma_start3A_23 = arith.constant 0 : i32
    %dma_start3A_24 = arith.constant 0 : i32
    %dma_start3A_25 = tpu.memref_slice %arg5[%dma_start3A_22, %dma_start3A_23, %dma_start3A_24] : memref<2x8x2048xf32, #tpu.memory_space<vmem>> -> memref<1x8x2048xf32, #tpu.memory_space<vmem>>
    %dma_start3A_26 = tpu.memref_squeeze %dma_start3A_25 : memref<1x8x2048xf32, #tpu.memory_space<vmem>> -> memref<8x2048xf32, #tpu.memory_space<vmem>>
    %dma_start3A_27 = arith.constant 0 : i32
    %dma_start3A_28 = tpu.memref_slice %arg2[%min3A_21, %dma_start3A_27] : memref<8192x2048xf32, #tpu.memory_space<hbm>> -> memref<8x2048xf32, #tpu.memory_space<hbm>>
    %dma_start3A_29 = arith.constant 0 : i32
    %dma_start3A_30 = arith.constant 0 : i32
    %dma_start3A_31 = tpu.memref_slice %arg5[%dma_start3A_22, %dma_start3A_29, %dma_start3A_30] : memref<2x8x2048xf32, #tpu.memory_space<vmem>> -> memref<1x8x2048xf32, #tpu.memory_space<vmem>>
    %dma_start3A_32 = tpu.memref_squeeze %dma_start3A_31 : memref<1x8x2048xf32, #tpu.memory_space<vmem>> -> memref<8x2048xf32, #tpu.memory_space<vmem>>
    %dma_start3A_33 = arith.constant 0 : i32
    %dma_start3A_34 = tpu.memref_slice %arg2[%min3A_21, %dma_start3A_33] : memref<8192x2048xf32, #tpu.memory_space<hbm>> -> memref<8x2048xf32, #tpu.memory_space<hbm>>
    tpu.enqueue_dma source(%dma_start3A_34 : memref<8x2048xf32, #tpu.memory_space<hbm>>) target(%dma_start3A_32 : memref<8x2048xf32, #tpu.memory_space<vmem>>) target_semaphore(%arg9 : memref<!tpu.dma_semaphore, #tpu.memory_space<semaphore_mem>>)
    %broadcast_in_dim3A = arith.constant 0 : i32
    %broadcast_in_dim3A_35 = vector.broadcast %broadcast_in_dim3A : i32 to vector<16xi32>
    %scan3A = arith.constant 0 : i32
    %scan3A_36 = arith.constant 0 : i32
    %scan3A_37 = arith.constant 4096 : i32
    %scan3A_38 = arith.addi %scan3A_36, %scan3A_37 : i32
    %scan3A_39 = arith.constant 8 : i32
    %scan3A_40 = scf.for %scan3A_82 = %scan3A_36 to %scan3A_38 step %scan3A_39 iter_args(%scan3A_83 = %scan3A) -> (i32)  : i32 {
      %mul3A_84 = arith.constant 16 : i32
      %mul3A_85 = arith.muli %scan3A_82, %mul3A_84 : i32
      %swap3A_86 = arith.index_cast %mul3A_85 : i32 to index
      %swap3A_87 = tpu.vector_load %arg6[%swap3A_86] {strides = array<i32>} : memref<65536xi32, #tpu.memory_space<vmem>>, vector<16xi32>,
      tpu.vector_store %arg6[%swap3A_86], %broadcast_in_dim3A_35 {strides = array<i32>} : memref<65536xi32, #tpu.memory_space<vmem>>, vector<16xi32>,
      %scan3A_88 = arith.constant 0 : i32
      %scan3A_89 = arith.constant 1 : i32
      %scan3A_90 = arith.addi %scan3A_82, %scan3A_89 : i32
      %mul3A_91 = arith.constant 16 : i32
      %mul3A_92 = arith.muli %scan3A_90, %mul3A_91 : i32
      %swap3A_93 = arith.index_cast %mul3A_92 : i32 to index
      %swap3A_94 = tpu.vector_load %arg6[%swap3A_93] {strides = array<i32>} : memref<65536xi32, #tpu.memory_space<vmem>>, vector<16xi32>,
      tpu.vector_store %arg6[%swap3A_93], %broadcast_in_dim3A_35 {strides = array<i32>} : memref<65536xi32, #tpu.memory_space<vmem>>, vector<16xi32>,
      %scan3A_95 = arith.constant 0 : i32
      %scan3A_96 = arith.constant 2 : i32
      %scan3A_97 = arith.addi %scan3A_82, %scan3A_96 : i32
      %mul3A_98 = arith.constant 16 : i32
      %mul3A_99 = arith.muli %scan3A_97, %mul3A_98 : i32
      %swap3A_100 = arith.index_cast %mul3A_99 : i32 to index
      %swap3A_101 = tpu.vector_load %arg6[%swap3A_100] {strides = array<i32>} : memref<65536xi32, #tpu.memory_space<vmem>>, vector<16xi32>,
      tpu.vector_store %arg6[%swap3A_100], %broadcast_in_dim3A_35 {strides = array<i32>} : memref<65536xi32, #tpu.memory_space<vmem>>, vector<16xi32>,
      %scan3A_102 = arith.constant 0 : i32
      %scan3A_103 = arith.constant 3 : i32
      %scan3A_104 = arith.addi %scan3A_82, %scan3A_103 : i32
      %mul3A_105 = arith.constant 16 : i32
      %mul3A_106 = arith.muli %scan3A_104, %mul3A_105 : i32
      %swap3A_107 = arith.index_cast %mul3A_106 : i32 to index
      %swap3A_108 = tpu.vector_load %arg6[%swap3A_107] {strides = array<i32>} : memref<65536xi32, #tpu.memory_space<vmem>>, vector<16xi32>,
      tpu.vector_store %arg6[%swap3A_107], %broadcast_in_dim3A_35 {strides = array<i32>} : memref<65536xi32, #tpu.memory_space<vmem>>, vector<16xi32>,
      %scan3A_109 = arith.constant 0 : i32
      %scan3A_110 = arith.constant 4 : i32
      %scan3A_111 = arith.addi %scan3A_82, %scan3A_110 : i32
      %mul3A_112 = arith.constant 16 : i32
      %mul3A_113 = arith.muli %scan3A_111, %mul3A_112 : i32
      %swap3A_114 = arith.index_cast %mul3A_113 : i32 to index
      %swap3A_115 = tpu.vector_load %arg6[%swap3A_114] {strides = array<i32>} : memref<65536xi32, #tpu.memory_space<vmem>>, vector<16xi32>,
      tpu.vector_store %arg6[%swap3A_114], %broadcast_in_dim3A_35 {strides = array<i32>} : memref<65536xi32, #tpu.memory_space<vmem>>, vector<16xi32>,
      %scan3A_116 = arith.constant 0 : i32
      %scan3A_117 = arith.constant 5 : i32
      %scan3A_118 = arith.addi %scan3A_82, %scan3A_117 : i32
      %mul3A_119 = arith.constant 16 : i32
      %mul3A_120 = arith.muli %scan3A_118, %mul3A_119 : i32
      %swap3A_121 = arith.index_cast %mul3A_120 : i32 to index
      %swap3A_122 = tpu.vector_load %arg6[%swap3A_121] {strides = array<i32>} : memref<65536xi32, #tpu.memory_space<vmem>>, vector<16xi32>,
      tpu.vector_store %arg6[%swap3A_121], %broadcast_in_dim3A_35 {strides = array<i32>} : memref<65536xi32, #tpu.memory_space<vmem>>, vector<16xi32>,
      %scan3A_123 = arith.constant 0 : i32
      %scan3A_124 = arith.constant 6 : i32
      %scan3A_125 = arith.addi %scan3A_82, %scan3A_124 : i32
      %mul3A_126 = arith.constant 16 : i32
      %mul3A_127 = arith.muli %scan3A_125, %mul3A_126 : i32
      %swap3A_128 = arith.index_cast %mul3A_127 : i32 to index
      %swap3A_129 = tpu.vector_load %arg6[%swap3A_128] {strides = array<i32>} : memref<65536xi32, #tpu.memory_space<vmem>>, vector<16xi32>,
      tpu.vector_store %arg6[%swap3A_128], %broadcast_in_dim3A_35 {strides = array<i32>} : memref<65536xi32, #tpu.memory_space<vmem>>, vector<16xi32>,
      %scan3A_130 = arith.constant 0 : i32
      %scan3A_131 = arith.constant 7 : i32
      %scan3A_132 = arith.addi %scan3A_82, %scan3A_131 : i32
      %mul3A_133 = arith.constant 16 : i32
      %mul3A_134 = arith.muli %scan3A_132, %mul3A_133 : i32
      %swap3A_135 = arith.index_cast %mul3A_134 : i32 to index
      %swap3A_136 = tpu.vector_load %arg6[%swap3A_135] {strides = array<i32>} : memref<65536xi32, #tpu.memory_space<vmem>>, vector<16xi32>,
      tpu.vector_store %arg6[%swap3A_135], %broadcast_in_dim3A_35 {strides = array<i32>} : memref<65536xi32, #tpu.memory_space<vmem>>, vector<16xi32>,
      %scan3A_137 = arith.constant 0 : i32
      scf.yield %scan3A_137 : i32
    }
    %scan3A_41 = arith.constant 4096 : i32
    %broadcast_in_dim3A_42 = arith.constant 1 : i32
    %broadcast_in_dim3A_43 = vector.broadcast %broadcast_in_dim3A_42 : i32 to vector<16xi32>
    %broadcast_in_dim3A_44 = arith.constant 0 : i32
    %broadcast_in_dim3A_45 = vector.broadcast %broadcast_in_dim3A_44 : i32 to vector<16xi32>
    %scan3A_46 = arith.constant 0 : i32
    %scan3A_47 = arith.constant 16 : i32
    %scan3A_48 = arith.addi %scan3A_46, %scan3A_47 : i32
    %scan3A_49 = arith.constant 1 : i32
    %scan3A_50 = scf.for %scan3A_82 = %scan3A_46 to %scan3A_48 step %scan3A_49 iter_args(%scan3A_83 = %broadcast_in_dim3A_45) -> (vector<16xi32>)  : i32 {
      %mul3A_84 = arith.constant 2 : i32
      %mul3A_85 = arith.muli %mul3A_84, %scan3A_82 : i32
      %add3A_86 = arith.constant 0 : i32
      %add3A_87 = arith.addi %mul3A_85, %add3A_86 : i32
      %dma_wait3A_88 = arith.constant 0 : i32
      %dma_wait3A_89 = arith.constant 0 : i32
      %dma_wait3A_90 = arith.constant 0 : i32
      %dma_wait3A_91 = tpu.memref_slice %arg5[%dma_wait3A_88, %dma_wait3A_89, %dma_wait3A_90] : memref<2x8x2048xf32, #tpu.memory_space<vmem>> -> memref<1x8x2048xf32, #tpu.memory_space<vmem>>
      %dma_wait3A_92 = tpu.memref_squeeze %dma_wait3A_91 : memref<1x8x2048xf32, #tpu.memory_space<vmem>> -> memref<8x2048xf32, #tpu.memory_space<vmem>>
      %dma_wait3A_93 = arith.constant 0 : i32
      %dma_wait3A_94 = arith.constant 0 : i32
      %dma_wait3A_95 = tpu.memref_slice %arg2[%dma_wait3A_93, %dma_wait3A_94] : memref<8192x2048xf32, #tpu.memory_space<hbm>> -> memref<8x2048xf32, #tpu.memory_space<hbm>>
      %dma_wait3A_96 = arith.constant 0 : i32
      %dma_wait3A_97 = arith.constant 0 : i32
      %dma_wait3A_98 = tpu.memref_slice %arg5[%dma_wait3A_88, %dma_wait3A_96, %dma_wait3A_97] : memref<2x8x2048xf32, #tpu.memory_space<vmem>> -> memref<1x8x2048xf32, #tpu.memory_space<vmem>>
      %dma_wait3A_99 = tpu.memref_squeeze %dma_wait3A_98 : memref<1x8x2048xf32, #tpu.memory_space<vmem>> -> memref<8x2048xf32, #tpu.memory_space<vmem>>
      %dma_wait3A_100 = arith.constant 0 : i32
      %dma_wait3A_101 = arith.constant 0 : i32
      %dma_wait3A_102 = tpu.memref_slice %arg2[%dma_wait3A_100, %dma_wait3A_101] : memref<8192x2048xf32, #tpu.memory_space<hbm>> -> memref<8x2048xf32, #tpu.memory_space<hbm>>
      tpu.wait_dma2 semaphore(%arg8 : memref<!tpu.dma_semaphore, #tpu.memory_space<semaphore_mem>>) src(%dma_wait3A_102 : memref<8x2048xf32, #tpu.memory_space<hbm>>) dst(%dma_wait3A_99 : memref<8x2048xf32, #tpu.memory_space<vmem>>)
      %parallel_loop3A = arith.constant 0 : i32
      %parallel_loop3A_103 = arith.constant 128 : i32
      %parallel_loop3A_104 = arith.constant 1 : i32
      %parallel_loop3A_105 = scf.for %parallel_loop3A_225 = %parallel_loop3A to %parallel_loop3A_103 step %parallel_loop3A_104 iter_args(%parallel_loop3A_226 = %scan3A_83) -> (vector<16xi32>)  : i32 {
        %parallel_loop3A_227 = arith.constant 16 : i32
        %parallel_loop3A_228 = arith.muli %parallel_loop3A_225, %parallel_loop3A_227 : i32
        %parallel_loop3A_229 = arith.constant 0 : i32
        %parallel_loop3A_230 = arith.constant 0 : i32
        %parallel_loop3A_231 = arith.index_cast %parallel_loop3A_229 : i32 to index
        %parallel_loop3A_232 = arith.index_cast %parallel_loop3A_230 : i32 to index
        %parallel_loop3A_233 = arith.index_cast %parallel_loop3A_228 : i32 to index
        %parallel_loop3A_234 = tpu.vector_load %arg5[%parallel_loop3A_231, %parallel_loop3A_232, %parallel_loop3A_233] {strides = array<i32>} : memref<2x8x2048xf32, #tpu.memory_space<vmem>>, vector<16xf32>,
        %parallel_loop3A_235 = tpu.bitcast %parallel_loop3A_234 : vector<16xf32> -> vector<16xi32>
        %parallel_loop3A_236 = arith.constant 2147483647 : i32
        %parallel_loop3A_237 = vector.broadcast %parallel_loop3A_236 : i32 to vector<16xi32>
        %parallel_loop3A_238 = arith.andi %parallel_loop3A_235, %parallel_loop3A_237 : vector<16xi32>
        %parallel_loop3A_239 = arith.constant 15 : i32
        %parallel_loop3A_240 = vector.broadcast %parallel_loop3A_239 : i32 to vector<16xi32>
        %parallel_loop3A_241 = arith.shrsi %parallel_loop3A_238, %parallel_loop3A_240 : vector<16xi32>
        tpu.vector_store_idx %arg6[%parallel_loop3A_241], %broadcast_in_dim3A_43 {add = true} : memref<65536xi32, #tpu.memory_space<vmem>>[vector<16xi32>], vector<16xi32>,
        %parallel_loop3A_242 = arith.maxsi %parallel_loop3A_226, %parallel_loop3A_238 : vector<16xi32>
        scf.yield %parallel_loop3A_242 : vector<16xi32>
      } {sc.loop_unroll_factor = 16 : i64, sc.parallel_access}
      %parallel_loop3A_106 = arith.constant 0 : i32
      %parallel_loop3A_107 = arith.constant 128 : i32
      %parallel_loop3A_108 = arith.constant 1 : i32
      %parallel_loop3A_109 = scf.for %parallel_loop3A_225 = %parallel_loop3A_106 to %parallel_loop3A_107 step %parallel_loop3A_108 iter_args(%parallel_loop3A_226 = %parallel_loop3A_105) -> (vector<16xi32>)  : i32 {
        %parallel_loop3A_227 = arith.constant 16 : i32
        %parallel_loop3A_228 = arith.muli %parallel_loop3A_225, %parallel_loop3A_227 : i32
        %parallel_loop3A_229 = arith.constant 0 : i32
        %parallel_loop3A_230 = arith.constant 1 : i32
        %parallel_loop3A_231 = arith.index_cast %parallel_loop3A_229 : i32 to index
        %parallel_loop3A_232 = arith.index_cast %parallel_loop3A_230 : i32 to index
        %parallel_loop3A_233 = arith.index_cast %parallel_loop3A_228 : i32 to index
        %parallel_loop3A_234 = tpu.vector_load %arg5[%parallel_loop3A_231, %parallel_loop3A_232, %parallel_loop3A_233] {strides = array<i32>} : memref<2x8x2048xf32, #tpu.memory_space<vmem>>, vector<16xf32>,
        %parallel_loop3A_235 = tpu.bitcast %parallel_loop3A_234 : vector<16xf32> -> vector<16xi32>
        %parallel_loop3A_236 = arith.constant 2147483647 : i32
        %parallel_loop3A_237 = vector.broadcast %parallel_loop3A_236 : i32 to vector<16xi32>
        %parallel_loop3A_238 = arith.andi %parallel_loop3A_235, %parallel_loop3A_237 : vector<16xi32>
        %parallel_loop3A_239 = arith.constant 15 : i32
        %parallel_loop3A_240 = vector.broadcast %parallel_loop3A_239 : i32 to vector<16xi32>
        %parallel_loop3A_241 = arith.shrsi %parallel_loop3A_238, %parallel_loop3A_240 : vector<16xi32>
        tpu.vector_store_idx %arg6[%parallel_loop3A_241], %broadcast_in_dim3A_43 {add = true} : memref<65536xi32, #tpu.memory_space<vmem>>[vector<16xi32>], vector<16xi32>,
        %parallel_loop3A_242 = arith.maxsi %parallel_loop3A_226, %parallel_loop3A_238 : vector<16xi32>
        scf.yield %parallel_loop3A_242 : vector<16xi32>
      } {sc.loop_unroll_factor = 16 : i64, sc.parallel_access}
      %parallel_loop3A_110 = arith.constant 0 : i32
      %parallel_loop3A_111 = arith.constant 128 : i32
      %parallel_loop3A_112 = arith.constant 1 : i32
      %parallel_loop3A_113 = scf.for %parallel_loop3A_225 = %parallel_loop3A_110 to %parallel_loop3A_111 step %parallel_loop3A_112 iter_args(%parallel_loop3A_226 = %parallel_loop3A_109) -> (vector<16xi32>)  : i32 {
        %parallel_loop3A_227 = arith.constant 16 : i32
        %parallel_loop3A_228 = arith.muli %parallel_loop3A_225, %parallel_loop3A_227 : i32
        %parallel_loop3A_229 = arith.constant 0 : i32
        %parallel_loop3A_230 = arith.constant 2 : i32
        %parallel_loop3A_231 = arith.index_cast %parallel_loop3A_229 : i32 to index
        %parallel_loop3A_232 = arith.index_cast %parallel_loop3A_230 : i32 to index
        %parallel_loop3A_233 = arith.index_cast %parallel_loop3A_228 : i32 to index
        %parallel_loop3A_234 = tpu.vector_load %arg5[%parallel_loop3A_231, %parallel_loop3A_232, %parallel_loop3A_233] {strides = array<i32>} : memref<2x8x2048xf32, #tpu.memory_space<vmem>>, vector<16xf32>,
        %parallel_loop3A_235 = tpu.bitcast %parallel_loop3A_234 : vector<16xf32> -> vector<16xi32>
        %parallel_loop3A_236 = arith.constant 2147483647 : i32
        %parallel_loop3A_237 = vector.broadcast %parallel_loop3A_236 : i32 to vector<16xi32>
        %parallel_loop3A_238 = arith.andi %parallel_loop3A_235, %parallel_loop3A_237 : vector<16xi32>
        %parallel_loop3A_239 = arith.constant 15 : i32
        %parallel_loop3A_240 = vector.broadcast %parallel_loop3A_239 : i32 to vector<16xi32>
        %parallel_loop3A_241 = arith.shrsi %parallel_loop3A_238, %parallel_loop3A_240 : vector<16xi32>
        tpu.vector_store_idx %arg6[%parallel_loop3A_241], %broadcast_in_dim3A_43 {add = true} : memref<65536xi32, #tpu.memory_space<vmem>>[vector<16xi32>], vector<16xi32>,
        %parallel_loop3A_242 = arith.maxsi %parallel_loop3A_226, %parallel_loop3A_238 : vector<16xi32>
        scf.yield %parallel_loop3A_242 : vector<16xi32>
      } {sc.loop_unroll_factor = 16 : i64, sc.parallel_access}
      %parallel_loop3A_114 = arith.constant 0 : i32
      %parallel_loop3A_115 = arith.constant 128 : i32
      %parallel_loop3A_116 = arith.constant 1 : i32
      %parallel_loop3A_117 = scf.for %parallel_loop3A_225 = %parallel_loop3A_114 to %parallel_loop3A_115 step %parallel_loop3A_116 iter_args(%parallel_loop3A_226 = %parallel_loop3A_113) -> (vector<16xi32>)  : i32 {
        %parallel_loop3A_227 = arith.constant 16 : i32
        %parallel_loop3A_228 = arith.muli %parallel_loop3A_225, %parallel_loop3A_227 : i32
        %parallel_loop3A_229 = arith.constant 0 : i32
        %parallel_loop3A_230 = arith.constant 3 : i32
        %parallel_loop3A_231 = arith.index_cast %parallel_loop3A_229 : i32 to index
        %parallel_loop3A_232 = arith.index_cast %parallel_loop3A_230 : i32 to index
        %parallel_loop3A_233 = arith.index_cast %parallel_loop3A_228 : i32 to index
        %parallel_loop3A_234 = tpu.vector_load %arg5[%parallel_loop3A_231, %parallel_loop3A_232, %parallel_loop3A_233] {strides = array<i32>} : memref<2x8x2048xf32, #tpu.memory_space<vmem>>, vector<16xf32>,
        %parallel_loop3A_235 = tpu.bitcast %parallel_loop3A_234 : vector<16xf32> -> vector<16xi32>
        %parallel_loop3A_236 = arith.constant 2147483647 : i32
        %parallel_loop3A_237 = vector.broadcast %parallel_loop3A_236 : i32 to vector<16xi32>
        %parallel_loop3A_238 = arith.andi %parallel_loop3A_235, %parallel_loop3A_237 : vector<16xi32>
        %parallel_loop3A_239 = arith.constant 15 : i32
        %parallel_loop3A_240 = vector.broadcast %parallel_loop3A_239 : i32 to vector<16xi32>
        %parallel_loop3A_241 = arith.shrsi %parallel_loop3A_238, %parallel_loop3A_240 : vector<16xi32>
        tpu.vector_store_idx %arg6[%parallel_loop3A_241], %broadcast_in_dim3A_43 {add = true} : memref<65536xi32, #tpu.memory_space<vmem>>[vector<16xi32>], vector<16xi32>,
        %parallel_loop3A_242 = arith.maxsi %parallel_loop3A_226, %parallel_loop3A_238 : vector<16xi32>
        scf.yield %parallel_loop3A_242 : vector<16xi32>
      } {sc.loop_unroll_factor = 16 : i64, sc.parallel_access}
      %parallel_loop3A_118 = arith.constant 0 : i32
      %parallel_loop3A_119 = arith.constant 128 : i32
      %parallel_loop3A_120 = arith.constant 1 : i32
      %parallel_loop3A_121 = scf.for %parallel_loop3A_225 = %parallel_loop3A_118 to %parallel_loop3A_119 step %parallel_loop3A_120 iter_args(%parallel_loop3A_226 = %parallel_loop3A_117) -> (vector<16xi32>)  : i32 {
        %parallel_loop3A_227 = arith.constant 16 : i32
        %parallel_loop3A_228 = arith.muli %parallel_loop3A_225, %parallel_loop3A_227 : i32
        %parallel_loop3A_229 = arith.constant 0 : i32
        %parallel_loop3A_230 = arith.constant 4 : i32
        %parallel_loop3A_231 = arith.index_cast %parallel_loop3A_229 : i32 to index
        %parallel_loop3A_232 = arith.index_cast %parallel_loop3A_230 : i32 to index
        %parallel_loop3A_233 = arith.index_cast %parallel_loop3A_228 : i32 to index
        %parallel_loop3A_234 = tpu.vector_load %arg5[%parallel_loop3A_231, %parallel_loop3A_232, %parallel_loop3A_233] {strides = array<i32>} : memref<2x8x2048xf32, #tpu.memory_space<vmem>>, vector<16xf32>,
        %parallel_loop3A_235 = tpu.bitcast %parallel_loop3A_234 : vector<16xf32> -> vector<16xi32>
        %parallel_loop3A_236 = arith.constant 2147483647 : i32
        %parallel_loop3A_237 = vector.broadcast %parallel_loop3A_236 : i32 to vector<16xi32>
        %parallel_loop3A_238 = arith.andi %parallel_loop3A_235, %parallel_loop3A_237 : vector<16xi32>
        %parallel_loop3A_239 = arith.constant 15 : i32
        %parallel_loop3A_240 = vector.broadcast %parallel_loop3A_239 : i32 to vector<16xi32>
        %parallel_loop3A_241 = arith.shrsi %parallel_loop3A_238, %parallel_loop3A_240 : vector<16xi32>
        tpu.vector_store_idx %arg6[%parallel_loop3A_241], %broadcast_in_dim3A_43 {add = true} : memref<65536xi32, #tpu.memory_space<vmem>>[vector<16xi32>], vector<16xi32>,
        %parallel_loop3A_242 = arith.maxsi %parallel_loop3A_226, %parallel_loop3A_238 : vector<16xi32>
        scf.yield %parallel_loop3A_242 : vector<16xi32>
      } {sc.loop_unroll_factor = 16 : i64, sc.parallel_access}
      %parallel_loop3A_122 = arith.constant 0 : i32
      %parallel_loop3A_123 = arith.constant 128 : i32
      %parallel_loop3A_124 = arith.constant 1 : i32
      %parallel_loop3A_125 = scf.for %parallel_loop3A_225 = %parallel_loop3A_122 to %parallel_loop3A_123 step %parallel_loop3A_124 iter_args(%parallel_loop3A_226 = %parallel_loop3A_121) -> (vector<16xi32>)  : i32 {
        %parallel_loop3A_227 = arith.constant 16 : i32
        %parallel_loop3A_228 = arith.muli %parallel_loop3A_225, %parallel_loop3A_227 : i32
        %parallel_loop3A_229 = arith.constant 0 : i32
        %parallel_loop3A_230 = arith.constant 5 : i32
        %parallel_loop3A_231 = arith.index_cast %parallel_loop3A_229 : i32 to index
        %parallel_loop3A_232 = arith.index_cast %parallel_loop3A_230 : i32 to index
        %parallel_loop3A_233 = arith.index_cast %parallel_loop3A_228 : i32 to index
        %parallel_loop3A_234 = tpu.vector_load %arg5[%parallel_loop3A_231, %parallel_loop3A_232, %parallel_loop3A_233] {strides = array<i32>} : memref<2x8x2048xf32, #tpu.memory_space<vmem>>, vector<16xf32>,
        %parallel_loop3A_235 = tpu.bitcast %parallel_loop3A_234 : vector<16xf32> -> vector<16xi32>
        %parallel_loop3A_236 = arith.constant 2147483647 : i32
        %parallel_loop3A_237 = vector.broadcast %parallel_loop3A_236 : i32 to vector<16xi32>
        %parallel_loop3A_238 = arith.andi %parallel_loop3A_235, %parallel_loop3A_237 : vector<16xi32>
        %parallel_loop3A_239 = arith.constant 15 : i32
        %parallel_loop3A_240 = vector.broadcast %parallel_loop3A_239 : i32 to vector<16xi32>
        %parallel_loop3A_241 = arith.shrsi %parallel_loop3A_238, %parallel_loop3A_240 : vector<16xi32>
        tpu.vector_store_idx %arg6[%parallel_loop3A_241], %broadcast_in_dim3A_43 {add = true} : memref<65536xi32, #tpu.memory_space<vmem>>[vector<16xi32>], vector<16xi32>,
        %parallel_loop3A_242 = arith.maxsi %parallel_loop3A_226, %parallel_loop3A_238 : vector<16xi32>
        scf.yield %parallel_loop3A_242 : vector<16xi32>
      } {sc.loop_unroll_factor = 16 : i64, sc.parallel_access}
      %parallel_loop3A_126 = arith.constant 0 : i32
      %parallel_loop3A_127 = arith.constant 128 : i32
      %parallel_loop3A_128 = arith.constant 1 : i32
      %parallel_loop3A_129 = scf.for %parallel_loop3A_225 = %parallel_loop3A_126 to %parallel_loop3A_127 step %parallel_loop3A_128 iter_args(%parallel_loop3A_226 = %parallel_loop3A_125) -> (vector<16xi32>)  : i32 {
        %parallel_loop3A_227 = arith.constant 16 : i32
        %parallel_loop3A_228 = arith.muli %parallel_loop3A_225, %parallel_loop3A_227 : i32
        %parallel_loop3A_229 = arith.constant 0 : i32
        %parallel_loop3A_230 = arith.constant 6 : i32
        %parallel_loop3A_231 = arith.index_cast %parallel_loop3A_229 : i32 to index
        %parallel_loop3A_232 = arith.index_cast %parallel_loop3A_230 : i32 to index
        %parallel_loop3A_233 = arith.index_cast %parallel_loop3A_228 : i32 to index
        %parallel_loop3A_234 = tpu.vector_load %arg5[%parallel_loop3A_231, %parallel_loop3A_232, %parallel_loop3A_233] {strides = array<i32>} : memref<2x8x2048xf32, #tpu.memory_space<vmem>>, vector<16xf32>,
        %parallel_loop3A_235 = tpu.bitcast %parallel_loop3A_234 : vector<16xf32> -> vector<16xi32>
        %parallel_loop3A_236 = arith.constant 2147483647 : i32
        %parallel_loop3A_237 = vector.broadcast %parallel_loop3A_236 : i32 to vector<16xi32>
        %parallel_loop3A_238 = arith.andi %parallel_loop3A_235, %parallel_loop3A_237 : vector<16xi32>
        %parallel_loop3A_239 = arith.constant 15 : i32
        %parallel_loop3A_240 = vector.broadcast %parallel_loop3A_239 : i32 to vector<16xi32>
        %parallel_loop3A_241 = arith.shrsi %parallel_loop3A_238, %parallel_loop3A_240 : vector<16xi32>
        tpu.vector_store_idx %arg6[%parallel_loop3A_241], %broadcast_in_dim3A_43 {add = true} : memref<65536xi32, #tpu.memory_space<vmem>>[vector<16xi32>], vector<16xi32>,
        %parallel_loop3A_242 = arith.maxsi %parallel_loop3A_226, %parallel_loop3A_238 : vector<16xi32>
        scf.yield %parallel_loop3A_242 : vector<16xi32>
      } {sc.loop_unroll_factor = 16 : i64, sc.parallel_access}
      %parallel_loop3A_130 = arith.constant 0 : i32
      %parallel_loop3A_131 = arith.constant 128 : i32
      %parallel_loop3A_132 = arith.constant 1 : i32
      %parallel_loop3A_133 = scf.for %parallel_loop3A_225 = %parallel_loop3A_130 to %parallel_loop3A_131 step %parallel_loop3A_132 iter_args(%parallel_loop3A_226 = %parallel_loop3A_129) -> (vector<16xi32>)  : i32 {
        %parallel_loop3A_227 = arith.constant 16 : i32
        %parallel_loop3A_228 = arith.muli %parallel_loop3A_225, %parallel_loop3A_227 : i32
        %parallel_loop3A_229 = arith.constant 0 : i32
        %parallel_loop3A_230 = arith.constant 7 : i32
        %parallel_loop3A_231 = arith.index_cast %parallel_loop3A_229 : i32 to index
        %parallel_loop3A_232 = arith.index_cast %parallel_loop3A_230 : i32 to index
        %parallel_loop3A_233 = arith.index_cast %parallel_loop3A_228 : i32 to index
        %parallel_loop3A_234 = tpu.vector_load %arg5[%parallel_loop3A_231, %parallel_loop3A_232, %parallel_loop3A_233] {strides = array<i32>} : memref<2x8x2048xf32, #tpu.memory_space<vmem>>, vector<16xf32>,
        %parallel_loop3A_235 = tpu.bitcast %parallel_loop3A_234 : vector<16xf32> -> vector<16xi32>
        %parallel_loop3A_236 = arith.constant 2147483647 : i32
        %parallel_loop3A_237 = vector.broadcast %parallel_loop3A_236 : i32 to vector<16xi32>
        %parallel_loop3A_238 = arith.andi %parallel_loop3A_235, %parallel_loop3A_237 : vector<16xi32>
        %parallel_loop3A_239 = arith.constant 15 : i32
        %parallel_loop3A_240 = vector.broadcast %parallel_loop3A_239 : i32 to vector<16xi32>
        %parallel_loop3A_241 = arith.shrsi %parallel_loop3A_238, %parallel_loop3A_240 : vector<16xi32>
        tpu.vector_store_idx %arg6[%parallel_loop3A_241], %broadcast_in_dim3A_43 {add = true} : memref<65536xi32, #tpu.memory_space<vmem>>[vector<16xi32>], vector<16xi32>,
        %parallel_loop3A_242 = arith.maxsi %parallel_loop3A_226, %parallel_loop3A_238 : vector<16xi32>
        scf.yield %parallel_loop3A_242 : vector<16xi32>
      } {sc.loop_unroll_factor = 16 : i64, sc.parallel_access}
      %add3A_134 = arith.constant 2 : i32
      %add3A_135 = arith.addi %add3A_87, %add3A_134 : i32
      %mul3A_136 = arith.constant 8 : i32
      %mul3A_137 = arith.muli %add3A_135, %mul3A_136 : i32
      %add3A_138 = arith.addi %mul3A_2, %mul3A_137 : i32
      %min3A_139 = arith.constant 8184 : i32
      %min3A_140 = arith.minsi %add3A_138, %min3A_139 : i32
      %dma_start3A_141 = arith.constant 0 : i32
      %dma_start3A_142 = arith.constant 0 : i32
      %dma_start3A_143 = arith.constant 0 : i32
      %dma_start3A_144 = tpu.memref_slice %arg5[%dma_start3A_141, %dma_start3A_142, %dma_start3A_143] : memref<2x8x2048xf32, #tpu.memory_space<vmem>> -> memref<1x8x2048xf32, #tpu.memory_space<vmem>>
      %dma_start3A_145 = tpu.memref_squeeze %dma_start3A_144 : memref<1x8x2048xf32, #tpu.memory_space<vmem>> -> memref<8x2048xf32, #tpu.memory_space<vmem>>
      %dma_start3A_146 = arith.constant 0 : i32
      %dma_start3A_147 = tpu.memref_slice %arg2[%min3A_140, %dma_start3A_146] : memref<8192x2048xf32, #tpu.memory_space<hbm>> -> memref<8x2048xf32, #tpu.memory_space<hbm>>
      %dma_start3A_148 = arith.constant 0 : i32
      %dma_start3A_149 = arith.constant 0 : i32
      %dma_start3A_150 = tpu.memref_slice %arg5[%dma_start3A_141, %dma_start3A_148, %dma_start3A_149] : memref<2x8x2048xf32, #tpu.memory_space<vmem>> -> memref<1x8x2048xf32, #tpu.memory_space<vmem>>
      %dma_start3A_151 = tpu.memref_squeeze %dma_start3A_150 : memref<1x8x2048xf32, #tpu.memory_space<vmem>> -> memref<8x2048xf32, #tpu.memory_space<vmem>>
      %dma_start3A_152 = arith.constant 0 : i32
      %dma_start3A_153 = tpu.memref_slice %arg2[%min3A_140, %dma_start3A_152] : memref<8192x2048xf32, #tpu.memory_space<hbm>> -> memref<8x2048xf32, #tpu.memory_space<hbm>>
      tpu.enqueue_dma source(%dma_start3A_153 : memref<8x2048xf32, #tpu.memory_space<hbm>>) target(%dma_start3A_151 : memref<8x2048xf32, #tpu.memory_space<vmem>>) target_semaphore(%arg8 : memref<!tpu.dma_semaphore, #tpu.memory_space<semaphore_mem>>)
      %mul3A_154 = arith.constant 2 : i32
      %mul3A_155 = arith.muli %mul3A_154, %scan3A_82 : i32
      %add3A_156 = arith.constant 1 : i32
      %add3A_157 = arith.addi %mul3A_155, %add3A_156 : i32
      %dma_wait3A_158 = arith.constant 1 : i32
      %dma_wait3A_159 = arith.constant 0 : i32
      %dma_wait3A_160 = arith.constant 0 : i32
      %dma_wait3A_161 = tpu.memref_slice %arg5[%dma_wait3A_158, %dma_wait3A_159, %dma_wait3A_160] : memref<2x8x2048xf32, #tpu.memory_space<vmem>> -> memref<1x8x2048xf32, #tpu.memory_space<vmem>>
      %dma_wait3A_162 = tpu.memref_squeeze %dma_wait3A_161 : memref<1x8x2048xf32, #tpu.memory_space<vmem>> -> memref<8x2048xf32, #tpu.memory_space<vmem>>
      %dma_wait3A_163 = arith.constant 0 : i32
      %dma_wait3A_164 = arith.constant 0 : i32
      %dma_wait3A_165 = tpu.memref_slice %arg2[%dma_wait3A_163, %dma_wait3A_164] : memref<8192x2048xf32, #tpu.memory_space<hbm>> -> memref<8x2048xf32, #tpu.memory_space<hbm>>
      %dma_wait3A_166 = arith.constant 0 : i32
      %dma_wait3A_167 = arith.constant 0 : i32
      %dma_wait3A_168 = tpu.memref_slice %arg5[%dma_wait3A_158, %dma_wait3A_166, %dma_wait3A_167] : memref<2x8x2048xf32, #tpu.memory_space<vmem>> -> memref<1x8x2048xf32, #tpu.memory_space<vmem>>
      %dma_wait3A_169 = tpu.memref_squeeze %dma_wait3A_168 : memref<1x8x2048xf32, #tpu.memory_space<vmem>> -> memref<8x2048xf32, #tpu.memory_space<vmem>>
      %dma_wait3A_170 = arith.constant 0 : i32
      %dma_wait3A_171 = arith.constant 0 : i32
      %dma_wait3A_172 = tpu.memref_slice %arg2[%dma_wait3A_170, %dma_wait3A_171] : memref<8192x2048xf32, #tpu.memory_space<hbm>> -> memref<8x2048xf32, #tpu.memory_space<hbm>>
      tpu.wait_dma2 semaphore(%arg9 : memref<!tpu.dma_semaphore, #tpu.memory_space<semaphore_mem>>) src(%dma_wait3A_172 : memref<8x2048xf32, #tpu.memory_space<hbm>>) dst(%dma_wait3A_169 : memref<8x2048xf32, #tpu.memory_space<vmem>>)
      %parallel_loop3A_173 = arith.constant 0 : i32
      %parallel_loop3A_174 = arith.constant 128 : i32
      %parallel_loop3A_175 = arith.constant 1 : i32
      %parallel_loop3A_176 = scf.for %parallel_loop3A_225 = %parallel_loop3A_173 to %parallel_loop3A_174 step %parallel_loop3A_175 iter_args(%parallel_loop3A_226 = %parallel_loop3A_133) -> (vector<16xi32>)  : i32 {
        %parallel_loop3A_227 = arith.constant 16 : i32
        %parallel_loop3A_228 = arith.muli %parallel_loop3A_225, %parallel_loop3A_227 : i32
        %parallel_loop3A_229 = arith.constant 1 : i32
        %parallel_loop3A_230 = arith.constant 0 : i32
        %parallel_loop3A_231 = arith.index_cast %parallel_loop3A_229 : i32 to index
        %parallel_loop3A_232 = arith.index_cast %parallel_loop3A_230 : i32 to index
        %parallel_loop3A_233 = arith.index_cast %parallel_loop3A_228 : i32 to index
        %parallel_loop3A_234 = tpu.vector_load %arg5[%parallel_loop3A_231, %parallel_loop3A_232, %parallel_loop3A_233] {strides = array<i32>} : memref<2x8x2048xf32, #tpu.memory_space<vmem>>, vector<16xf32>,
        %parallel_loop3A_235 = tpu.bitcast %parallel_loop3A_234 : vector<16xf32> -> vector<16xi32>
        %parallel_loop3A_236 = arith.constant 2147483647 : i32
        %parallel_loop3A_237 = vector.broadcast %parallel_loop3A_236 : i32 to vector<16xi32>
        %parallel_loop3A_238 = arith.andi %parallel_loop3A_235, %parallel_loop3A_237 : vector<16xi32>
        %parallel_loop3A_239 = arith.constant 15 : i32
        %parallel_loop3A_240 = vector.broadcast %parallel_loop3A_239 : i32 to vector<16xi32>
        %parallel_loop3A_241 = arith.shrsi %parallel_loop3A_238, %parallel_loop3A_240 : vector<16xi32>
        tpu.vector_store_idx %arg6[%parallel_loop3A_241], %broadcast_in_dim3A_43 {add = true} : memref<65536xi32, #tpu.memory_space<vmem>>[vector<16xi32>], vector<16xi32>,
        %parallel_loop3A_242 = arith.maxsi %parallel_loop3A_226, %parallel_loop3A_238 : vector<16xi32>
        scf.yield %parallel_loop3A_242 : vector<16xi32>
      } {sc.loop_unroll_factor = 16 : i64, sc.parallel_access}
      %parallel_loop3A_177 = arith.constant 0 : i32
      %parallel_loop3A_178 = arith.constant 128 : i32
      %parallel_loop3A_179 = arith.constant 1 : i32
      %parallel_loop3A_180 = scf.for %parallel_loop3A_225 = %parallel_loop3A_177 to %parallel_loop3A_178 step %parallel_loop3A_179 iter_args(%parallel_loop3A_226 = %parallel_loop3A_176) -> (vector<16xi32>)  : i32 {
        %parallel_loop3A_227 = arith.constant 16 : i32
        %parallel_loop3A_228 = arith.muli %parallel_loop3A_225, %parallel_loop3A_227 : i32
        %parallel_loop3A_229 = arith.constant 1 : i32
        %parallel_loop3A_230 = arith.constant 1 : i32
        %parallel_loop3A_231 = arith.index_cast %parallel_loop3A_229 : i32 to index
        %parallel_loop3A_232 = arith.index_cast %parallel_loop3A_230 : i32 to index
        %parallel_loop3A_233 = arith.index_cast %parallel_loop3A_228 : i32 to index
        %parallel_loop3A_234 = tpu.vector_load %arg5[%parallel_loop3A_231, %parallel_loop3A_232, %parallel_loop3A_233] {strides = array<i32>} : memref<2x8x2048xf32, #tpu.memory_space<vmem>>, vector<16xf32>,
        %parallel_loop3A_235 = tpu.bitcast %parallel_loop3A_234 : vector<16xf32> -> vector<16xi32>
        %parallel_loop3A_236 = arith.constant 2147483647 : i32
        %parallel_loop3A_237 = vector.broadcast %parallel_loop3A_236 : i32 to vector<16xi32>
        %parallel_loop3A_238 = arith.andi %parallel_loop3A_235, %parallel_loop3A_237 : vector<16xi32>
        %parallel_loop3A_239 = arith.constant 15 : i32
        %parallel_loop3A_240 = vector.broadcast %parallel_loop3A_239 : i32 to vector<16xi32>
        %parallel_loop3A_241 = arith.shrsi %parallel_loop3A_238, %parallel_loop3A_240 : vector<16xi32>
        tpu.vector_store_idx %arg6[%parallel_loop3A_241], %broadcast_in_dim3A_43 {add = true} : memref<65536xi32, #tpu.memory_space<vmem>>[vector<16xi32>], vector<16xi32>,
        %parallel_loop3A_242 = arith.maxsi %parallel_loop3A_226, %parallel_loop3A_238 : vector<16xi32>
        scf.yield %parallel_loop3A_242 : vector<16xi32>
      } {sc.loop_unroll_factor = 16 : i64, sc.parallel_access}
      %parallel_loop3A_181 = arith.constant 0 : i32
      %parallel_loop3A_182 = arith.constant 128 : i32
      %parallel_loop3A_183 = arith.constant 1 : i32
      %parallel_loop3A_184 = scf.for %parallel_loop3A_225 = %parallel_loop3A_181 to %parallel_loop3A_182 step %parallel_loop3A_183 iter_args(%parallel_loop3A_226 = %parallel_loop3A_180) -> (vector<16xi32>)  : i32 {
        %parallel_loop3A_227 = arith.constant 16 : i32
        %parallel_loop3A_228 = arith.muli %parallel_loop3A_225, %parallel_loop3A_227 : i32
        %parallel_loop3A_229 = arith.constant 1 : i32
        %parallel_loop3A_230 = arith.constant 2 : i32
        %parallel_loop3A_231 = arith.index_cast %parallel_loop3A_229 : i32 to index
        %parallel_loop3A_232 = arith.index_cast %parallel_loop3A_230 : i32 to index
        %parallel_loop3A_233 = arith.index_cast %parallel_loop3A_228 : i32 to index
        %parallel_loop3A_234 = tpu.vector_load %arg5[%parallel_loop3A_231, %parallel_loop3A_232, %parallel_loop3A_233] {strides = array<i32>} : memref<2x8x2048xf32, #tpu.memory_space<vmem>>, vector<16xf32>,
        %parallel_loop3A_235 = tpu.bitcast %parallel_loop3A_234 : vector<16xf32> -> vector<16xi32>
        %parallel_loop3A_236 = arith.constant 2147483647 : i32
        %parallel_loop3A_237 = vector.broadcast %parallel_loop3A_236 : i32 to vector<16xi32>
        %parallel_loop3A_238 = arith.andi %parallel_loop3A_235, %parallel_loop3A_237 : vector<16xi32>
        %parallel_loop3A_239 = arith.constant 15 : i32
        %parallel_loop3A_240 = vector.broadcast %parallel_loop3A_239 : i32 to vector<16xi32>
        %parallel_loop3A_241 = arith.shrsi %parallel_loop3A_238, %parallel_loop3A_240 : vector<16xi32>
        tpu.vector_store_idx %arg6[%parallel_loop3A_241], %broadcast_in_dim3A_43 {add = true} : memref<65536xi32, #tpu.memory_space<vmem>>[vector<16xi32>], vector<16xi32>,
        %parallel_loop3A_242 = arith.maxsi %parallel_loop3A_226, %parallel_loop3A_238 : vector<16xi32>
        scf.yield %parallel_loop3A_242 : vector<16xi32>
      } {sc.loop_unroll_factor = 16 : i64, sc.parallel_access}
      %parallel_loop3A_185 = arith.constant 0 : i32
      %parallel_loop3A_186 = arith.constant 128 : i32
      %parallel_loop3A_187 = arith.constant 1 : i32
      %parallel_loop3A_188 = scf.for %parallel_loop3A_225 = %parallel_loop3A_185 to %parallel_loop3A_186 step %parallel_loop3A_187 iter_args(%parallel_loop3A_226 = %parallel_loop3A_184) -> (vector<16xi32>)  : i32 {
        %parallel_loop3A_227 = arith.constant 16 : i32
        %parallel_loop3A_228 = arith.muli %parallel_loop3A_225, %parallel_loop3A_227 : i32
        %parallel_loop3A_229 = arith.constant 1 : i32
        %parallel_loop3A_230 = arith.constant 3 : i32
        %parallel_loop3A_231 = arith.index_cast %parallel_loop3A_229 : i32 to index
        %parallel_loop3A_232 = arith.index_cast %parallel_loop3A_230 : i32 to index
        %parallel_loop3A_233 = arith.index_cast %parallel_loop3A_228 : i32 to index
        %parallel_loop3A_234 = tpu.vector_load %arg5[%parallel_loop3A_231, %parallel_loop3A_232, %parallel_loop3A_233] {strides = array<i32>} : memref<2x8x2048xf32, #tpu.memory_space<vmem>>, vector<16xf32>,
        %parallel_loop3A_235 = tpu.bitcast %parallel_loop3A_234 : vector<16xf32> -> vector<16xi32>
        %parallel_loop3A_236 = arith.constant 2147483647 : i32
        %parallel_loop3A_237 = vector.broadcast %parallel_loop3A_236 : i32 to vector<16xi32>
        %parallel_loop3A_238 = arith.andi %parallel_loop3A_235, %parallel_loop3A_237 : vector<16xi32>
        %parallel_loop3A_239 = arith.constant 15 : i32
        %parallel_loop3A_240 = vector.broadcast %parallel_loop3A_239 : i32 to vector<16xi32>
        %parallel_loop3A_241 = arith.shrsi %parallel_loop3A_238, %parallel_loop3A_240 : vector<16xi32>
        tpu.vector_store_idx %arg6[%parallel_loop3A_241], %broadcast_in_dim3A_43 {add = true} : memref<65536xi32, #tpu.memory_space<vmem>>[vector<16xi32>], vector<16xi32>,
        %parallel_loop3A_242 = arith.maxsi %parallel_loop3A_226, %parallel_loop3A_238 : vector<16xi32>
        scf.yield %parallel_loop3A_242 : vector<16xi32>
      } {sc.loop_unroll_factor = 16 : i64, sc.parallel_access}
      %parallel_loop3A_189 = arith.constant 0 : i32
      %parallel_loop3A_190 = arith.constant 128 : i32
      %parallel_loop3A_191 = arith.constant 1 : i32
      %parallel_loop3A_192 = scf.for %parallel_loop3A_225 = %parallel_loop3A_189 to %parallel_loop3A_190 step %parallel_loop3A_191 iter_args(%parallel_loop3A_226 = %parallel_loop3A_188) -> (vector<16xi32>)  : i32 {
        %parallel_loop3A_227 = arith.constant 16 : i32
        %parallel_loop3A_228 = arith.muli %parallel_loop3A_225, %parallel_loop3A_227 : i32
        %parallel_loop3A_229 = arith.constant 1 : i32
        %parallel_loop3A_230 = arith.constant 4 : i32
        %parallel_loop3A_231 = arith.index_cast %parallel_loop3A_229 : i32 to index
        %parallel_loop3A_232 = arith.index_cast %parallel_loop3A_230 : i32 to index
        %parallel_loop3A_233 = arith.index_cast %parallel_loop3A_228 : i32 to index
        %parallel_loop3A_234 = tpu.vector_load %arg5[%parallel_loop3A_231, %parallel_loop3A_232, %parallel_loop3A_233] {strides = array<i32>} : memref<2x8x2048xf32, #tpu.memory_space<vmem>>, vector<16xf32>,
        %parallel_loop3A_235 = tpu.bitcast %parallel_loop3A_234 : vector<16xf32> -> vector<16xi32>
        %parallel_loop3A_236 = arith.constant 2147483647 : i32
        %parallel_loop3A_237 = vector.broadcast %parallel_loop3A_236 : i32 to vector<16xi32>
        %parallel_loop3A_238 = arith.andi %parallel_loop3A_235, %parallel_loop3A_237 : vector<16xi32>
        %parallel_loop3A_239 = arith.constant 15 : i32
        %parallel_loop3A_240 = vector.broadcast %parallel_loop3A_239 : i32 to vector<16xi32>
        %parallel_loop3A_241 = arith.shrsi %parallel_loop3A_238, %parallel_loop3A_240 : vector<16xi32>
        tpu.vector_store_idx %arg6[%parallel_loop3A_241], %broadcast_in_dim3A_43 {add = true} : memref<65536xi32, #tpu.memory_space<vmem>>[vector<16xi32>], vector<16xi32>,
        %parallel_loop3A_242 = arith.maxsi %parallel_loop3A_226, %parallel_loop3A_238 : vector<16xi32>
        scf.yield %parallel_loop3A_242 : vector<16xi32>
      } {sc.loop_unroll_factor = 16 : i64, sc.parallel_access}
      %parallel_loop3A_193 = arith.constant 0 : i32
      %parallel_loop3A_194 = arith.constant 128 : i32
      %parallel_loop3A_195 = arith.constant 1 : i32
      %parallel_loop3A_196 = scf.for %parallel_loop3A_225 = %parallel_loop3A_193 to %parallel_loop3A_194 step %parallel_loop3A_195 iter_args(%parallel_loop3A_226 = %parallel_loop3A_192) -> (vector<16xi32>)  : i32 {
        %parallel_loop3A_227 = arith.constant 16 : i32
        %parallel_loop3A_228 = arith.muli %parallel_loop3A_225, %parallel_loop3A_227 : i32
        %parallel_loop3A_229 = arith.constant 1 : i32
        %parallel_loop3A_230 = arith.constant 5 : i32
        %parallel_loop3A_231 = arith.index_cast %parallel_loop3A_229 : i32 to index
        %parallel_loop3A_232 = arith.index_cast %parallel_loop3A_230 : i32 to index
        %parallel_loop3A_233 = arith.index_cast %parallel_loop3A_228 : i32 to index
        %parallel_loop3A_234 = tpu.vector_load %arg5[%parallel_loop3A_231, %parallel_loop3A_232, %parallel_loop3A_233] {strides = array<i32>} : memref<2x8x2048xf32, #tpu.memory_space<vmem>>, vector<16xf32>,
        %parallel_loop3A_235 = tpu.bitcast %parallel_loop3A_234 : vector<16xf32> -> vector<16xi32>
        %parallel_loop3A_236 = arith.constant 2147483647 : i32
        %parallel_loop3A_237 = vector.broadcast %parallel_loop3A_236 : i32 to vector<16xi32>
        %parallel_loop3A_238 = arith.andi %parallel_loop3A_235, %parallel_loop3A_237 : vector<16xi32>
        %parallel_loop3A_239 = arith.constant 15 : i32
        %parallel_loop3A_240 = vector.broadcast %parallel_loop3A_239 : i32 to vector<16xi32>
        %parallel_loop3A_241 = arith.shrsi %parallel_loop3A_238, %parallel_loop3A_240 : vector<16xi32>
        tpu.vector_store_idx %arg6[%parallel_loop3A_241], %broadcast_in_dim3A_43 {add = true} : memref<65536xi32, #tpu.memory_space<vmem>>[vector<16xi32>], vector<16xi32>,
        %parallel_loop3A_242 = arith.maxsi %parallel_loop3A_226, %parallel_loop3A_238 : vector<16xi32>
        scf.yield %parallel_loop3A_242 : vector<16xi32>
      } {sc.loop_unroll_factor = 16 : i64, sc.parallel_access}
      %parallel_loop3A_197 = arith.constant 0 : i32
      %parallel_loop3A_198 = arith.constant 128 : i32
      %parallel_loop3A_199 = arith.constant 1 : i32
      %parallel_loop3A_200 = scf.for %parallel_loop3A_225 = %parallel_loop3A_197 to %parallel_loop3A_198 step %parallel_loop3A_199 iter_args(%parallel_loop3A_226 = %parallel_loop3A_196) -> (vector<16xi32>)  : i32 {
        %parallel_loop3A_227 = arith.constant 16 : i32
        %parallel_loop3A_228 = arith.muli %parallel_loop3A_225, %parallel_loop3A_227 : i32
        %parallel_loop3A_229 = arith.constant 1 : i32
        %parallel_loop3A_230 = arith.constant 6 : i32
        %parallel_loop3A_231 = arith.index_cast %parallel_loop3A_229 : i32 to index
        %parallel_loop3A_232 = arith.index_cast %parallel_loop3A_230 : i32 to index
        %parallel_loop3A_233 = arith.index_cast %parallel_loop3A_228 : i32 to index
        %parallel_loop3A_234 = tpu.vector_load %arg5[%parallel_loop3A_231, %parallel_loop3A_232, %parallel_loop3A_233] {strides = array<i32>} : memref<2x8x2048xf32, #tpu.memory_space<vmem>>, vector<16xf32>,
        %parallel_loop3A_235 = tpu.bitcast %parallel_loop3A_234 : vector<16xf32> -> vector<16xi32>
        %parallel_loop3A_236 = arith.constant 2147483647 : i32
        %parallel_loop3A_237 = vector.broadcast %parallel_loop3A_236 : i32 to vector<16xi32>
        %parallel_loop3A_238 = arith.andi %parallel_loop3A_235, %parallel_loop3A_237 : vector<16xi32>
        %parallel_loop3A_239 = arith.constant 15 : i32
        %parallel_loop3A_240 = vector.broadcast %parallel_loop3A_239 : i32 to vector<16xi32>
        %parallel_loop3A_241 = arith.shrsi %parallel_loop3A_238, %parallel_loop3A_240 : vector<16xi32>
        tpu.vector_store_idx %arg6[%parallel_loop3A_241], %broadcast_in_dim3A_43 {add = true} : memref<65536xi32, #tpu.memory_space<vmem>>[vector<16xi32>], vector<16xi32>,
        %parallel_loop3A_242 = arith.maxsi %parallel_loop3A_226, %parallel_loop3A_238 : vector<16xi32>
        scf.yield %parallel_loop3A_242 : vector<16xi32>
      } {sc.loop_unroll_factor = 16 : i64, sc.parallel_access}
      %parallel_loop3A_201 = arith.constant 0 : i32
      %parallel_loop3A_202 = arith.constant 128 : i32
      %parallel_loop3A_203 = arith.constant 1 : i32
      %parallel_loop3A_204 = scf.for %parallel_loop3A_225 = %parallel_loop3A_201 to %parallel_loop3A_202 step %parallel_loop3A_203 iter_args(%parallel_loop3A_226 = %parallel_loop3A_200) -> (vector<16xi32>)  : i32 {
        %parallel_loop3A_227 = arith.constant 16 : i32
        %parallel_loop3A_228 = arith.muli %parallel_loop3A_225, %parallel_loop3A_227 : i32
        %parallel_loop3A_229 = arith.constant 1 : i32
        %parallel_loop3A_230 = arith.constant 7 : i32
        %parallel_loop3A_231 = arith.index_cast %parallel_loop3A_229 : i32 to index
        %parallel_loop3A_232 = arith.index_cast %parallel_loop3A_230 : i32 to index
        %parallel_loop3A_233 = arith.index_cast %parallel_loop3A_228 : i32 to index
        %parallel_loop3A_234 = tpu.vector_load %arg5[%parallel_loop3A_231, %parallel_loop3A_232, %parallel_loop3A_233] {strides = array<i32>} : memref<2x8x2048xf32, #tpu.memory_space<vmem>>, vector<16xf32>,
        %parallel_loop3A_235 = tpu.bitcast %parallel_loop3A_234 : vector<16xf32> -> vector<16xi32>
        %parallel_loop3A_236 = arith.constant 2147483647 : i32
        %parallel_loop3A_237 = vector.broadcast %parallel_loop3A_236 : i32 to vector<16xi32>
        %parallel_loop3A_238 = arith.andi %parallel_loop3A_235, %parallel_loop3A_237 : vector<16xi32>
        %parallel_loop3A_239 = arith.constant 15 : i32
        %parallel_loop3A_240 = vector.broadcast %parallel_loop3A_239 : i32 to vector<16xi32>
        %parallel_loop3A_241 = arith.shrsi %parallel_loop3A_238, %parallel_loop3A_240 : vector<16xi32>
        tpu.vector_store_idx %arg6[%parallel_loop3A_241], %broadcast_in_dim3A_43 {add = true} : memref<65536xi32, #tpu.memory_space<vmem>>[vector<16xi32>], vector<16xi32>,
        %parallel_loop3A_242 = arith.maxsi %parallel_loop3A_226, %parallel_loop3A_238 : vector<16xi32>
        scf.yield %parallel_loop3A_242 : vector<16xi32>
      } {sc.loop_unroll_factor = 16 : i64, sc.parallel_access}
      %add3A_205 = arith.constant 2 : i32
      %add3A_206 = arith.addi %add3A_157, %add3A_205 : i32
      %mul3A_207 = arith.constant 8 : i32
      %mul3A_208 = arith.muli %add3A_206, %mul3A_207 : i32
      %add3A_209 = arith.addi %mul3A_2, %mul3A_208 : i32
      %min3A_210 = arith.constant 8184 : i32
      %min3A_211 = arith.minsi %add3A_209, %min3A_210 : i32
      %dma_start3A_212 = arith.constant 1 : i32
      %dma_start3A_213 = arith.constant 0 : i32
      %dma_start3A_214 = arith.constant 0 : i32
      %dma_start3A_215 = tpu.memref_slice %arg5[%dma_start3A_212, %dma_start3A_213, %dma_start3A_214] : memref<2x8x2048xf32, #tpu.memory_space<vmem>> -> memref<1x8x2048xf32, #tpu.memory_space<vmem>>
      %dma_start3A_216 = tpu.memref_squeeze %dma_start3A_215 : memref<1x8x2048xf32, #tpu.memory_space<vmem>> -> memref<8x2048xf32, #tpu.memory_space<vmem>>
      %dma_start3A_217 = arith.constant 0 : i32
      %dma_start3A_218 = tpu.memref_slice %arg2[%min3A_211, %dma_start3A_217] : memref<8192x2048xf32, #tpu.memory_space<hbm>> -> memref<8x2048xf32, #tpu.memory_space<hbm>>
      %dma_start3A_219 = arith.constant 0 : i32
      %dma_start3A_220 = arith.constant 0 : i32
      %dma_start3A_221 = tpu.memref_slice %arg5[%dma_start3A_212, %dma_start3A_219, %dma_start3A_220] : memref<2x8x2048xf32, #tpu.memory_space<vmem>> -> memref<1x8x2048xf32, #tpu.memory_space<vmem>>
      %dma_start3A_222 = tpu.memref_squeeze %dma_start3A_221 : memref<1x8x2048xf32, #tpu.memory_space<vmem>> -> memref<8x2048xf32, #tpu.memory_space<vmem>>
      %dma_start3A_223 = arith.constant 0 : i32
      %dma_start3A_224 = tpu.memref_slice %arg2[%min3A_211, %dma_start3A_223] : memref<8192x2048xf32, #tpu.memory_space<hbm>> -> memref<8x2048xf32, #tpu.memory_space<hbm>>
      tpu.enqueue_dma source(%dma_start3A_224 : memref<8x2048xf32, #tpu.memory_space<hbm>>) target(%dma_start3A_222 : memref<8x2048xf32, #tpu.memory_space<vmem>>) target_semaphore(%arg9 : memref<!tpu.dma_semaphore, #tpu.memory_space<semaphore_mem>>)
      scf.yield %parallel_loop3A_204 : vector<16xi32>
    }
    %scan3A_51 = arith.constant 16 : i32
    %dma_wait3A = arith.constant 0 : i32
    %dma_wait3A_52 = arith.constant 0 : i32
    %dma_wait3A_53 = arith.constant 0 : i32
    %dma_wait3A_54 = tpu.memref_slice %arg5[%dma_wait3A, %dma_wait3A_52, %dma_wait3A_53] : memref<2x8x2048xf32, #tpu.memory_space<vmem>> -> memref<1x8x2048xf32, #tpu.memory_space<vmem>>
    %dma_wait3A_55 = tpu.memref_squeeze %dma_wait3A_54 : memref<1x8x2048xf32, #tpu.memory_space<vmem>> -> memref<8x2048xf32, #tpu.memory_space<vmem>>
    %dma_wait3A_56 = arith.constant 0 : i32
    %dma_wait3A_57 = arith.constant 0 : i32
    %dma_wait3A_58 = tpu.memref_slice %arg2[%dma_wait3A_56, %dma_wait3A_57] : memref<8192x2048xf32, #tpu.memory_space<hbm>> -> memref<8x2048xf32, #tpu.memory_space<hbm>>
    %dma_wait3A_59 = arith.constant 0 : i32
    %dma_wait3A_60 = arith.constant 0 : i32
    %dma_wait3A_61 = tpu.memref_slice %arg5[%dma_wait3A, %dma_wait3A_59, %dma_wait3A_60] : memref<2x8x2048xf32, #tpu.memory_space<vmem>> -> memref<1x8x2048xf32, #tpu.memory_space<vmem>>
    %dma_wait3A_62 = tpu.memref_squeeze %dma_wait3A_61 : memref<1x8x2048xf32, #tpu.memory_space<vmem>> -> memref<8x2048xf32, #tpu.memory_space<vmem>>
    %dma_wait3A_63 = arith.constant 0 : i32
    %dma_wait3A_64 = arith.constant 0 : i32
    %dma_wait3A_65 = tpu.memref_slice %arg2[%dma_wait3A_63, %dma_wait3A_64] : memref<8192x2048xf32, #tpu.memory_space<hbm>> -> memref<8x2048xf32, #tpu.memory_space<hbm>>
    tpu.wait_dma2 semaphore(%arg8 : memref<!tpu.dma_semaphore, #tpu.memory_space<semaphore_mem>>) src(%dma_wait3A_65 : memref<8x2048xf32, #tpu.memory_space<hbm>>) dst(%dma_wait3A_62 : memref<8x2048xf32, #tpu.memory_space<vmem>>)
    %dma_wait3A_66 = arith.constant 1 : i32
    %dma_wait3A_67 = arith.constant 0 : i32
    %dma_wait3A_68 = arith.constant 0 : i32
    %dma_wait3A_69 = tpu.memref_slice %arg5[%dma_wait3A_66, %dma_wait3A_67, %dma_wait3A_68] : memref<2x8x2048xf32, #tpu.memory_space<vmem>> -> memref<1x8x2048xf32, #tpu.memory_space<vmem>>
    %dma_wait3A_70 = tpu.memref_squeeze %dma_wait3A_69 : memref<1x8x2048xf32, #tpu.memory_space<vmem>> -> memref<8x2048xf32, #tpu.memory_space<vmem>>
    %dma_wait3A_71 = arith.constant 0 : i32
    %dma_wait3A_72 = arith.constant 0 : i32
    %dma_wait3A_73 = tpu.memref_slice %arg2[%dma_wait3A_71, %dma_wait3A_72] : memref<8192x2048xf32, #tpu.memory_space<hbm>> -> memref<8x2048xf32, #tpu.memory_space<hbm>>
    %dma_wait3A_74 = arith.constant 0 : i32
    %dma_wait3A_75 = arith.constant 0 : i32
    %dma_wait3A_76 = tpu.memref_slice %arg5[%dma_wait3A_66, %dma_wait3A_74, %dma_wait3A_75] : memref<2x8x2048xf32, #tpu.memory_space<vmem>> -> memref<1x8x2048xf32, #tpu.memory_space<vmem>>
    %dma_wait3A_77 = tpu.memref_squeeze %dma_wait3A_76 : memref<1x8x2048xf32, #tpu.memory_space<vmem>> -> memref<8x2048xf32, #tpu.memory_space<vmem>>
    %dma_wait3A_78 = arith.constant 0 : i32
    %dma_wait3A_79 = arith.constant 0 : i32
    %dma_wait3A_80 = tpu.memref_slice %arg2[%dma_wait3A_78, %dma_wait3A_79] : memref<8192x2048xf32, #tpu.memory_space<hbm>> -> memref<8x2048xf32, #tpu.memory_space<hbm>>
    tpu.wait_dma2 semaphore(%arg9 : memref<!tpu.dma_semaphore, #tpu.memory_space<semaphore_mem>>) src(%dma_wait3A_80 : memref<8x2048xf32, #tpu.memory_space<hbm>>) dst(%dma_wait3A_77 : memref<8x2048xf32, #tpu.memory_space<vmem>>)
    %swap3A = arith.constant 0 : index
    %swap3A_81 = tpu.vector_load %arg7[%swap3A] {strides = array<i32>} : memref<16xi32, #tpu.memory_space<vmem>>, vector<16xi32>,
    tpu.vector_store %arg7[%swap3A], %scan3A_50 {strides = array<i32>} : memref<16xi32, #tpu.memory_space<vmem>>, vector<16xi32>,
    "tpu.region"() ({
      %run_scoped3A = tpu.sem_alloc : memref<!tpu.dma_semaphore, #tpu.memory_space<semaphore_mem>>
      %dma_start3A_82 = arith.constant 0 : i32
      %dma_start3A_83 = tpu.memref_slice %arg4[%add3A, %dma_start3A_82] : memref<32x16xi32, #tpu.memory_space<hbm>> -> memref<1x16xi32, #tpu.memory_space<hbm>>
      %dma_start3A_84 = tpu.memref_squeeze %dma_start3A_83 : memref<1x16xi32, #tpu.memory_space<hbm>> -> memref<16xi32, #tpu.memory_space<hbm>>
      %dma_start3A_85 = arith.constant 0 : i32
      %dma_start3A_86 = tpu.memref_slice %arg4[%add3A, %dma_start3A_85] : memref<32x16xi32, #tpu.memory_space<hbm>> -> memref<1x16xi32, #tpu.memory_space<hbm>>
      %dma_start3A_87 = tpu.memref_squeeze %dma_start3A_86 : memref<1x16xi32, #tpu.memory_space<hbm>> -> memref<16xi32, #tpu.memory_space<hbm>>
      tpu.enqueue_dma source(%arg7 : memref<16xi32, #tpu.memory_space<vmem>>) target(%dma_start3A_87 : memref<16xi32, #tpu.memory_space<hbm>>) target_semaphore(%run_scoped3A : memref<!tpu.dma_semaphore, #tpu.memory_space<semaphore_mem>>)
      %dma_wait3A_88 = arith.constant 0 : i32
      %dma_wait3A_89 = tpu.memref_slice %arg4[%add3A, %dma_wait3A_88] : memref<32x16xi32, #tpu.memory_space<hbm>> -> memref<1x16xi32, #tpu.memory_space<hbm>>
      %dma_wait3A_90 = tpu.memref_squeeze %dma_wait3A_89 : memref<1x16xi32, #tpu.memory_space<hbm>> -> memref<16xi32, #tpu.memory_space<hbm>>
      %dma_wait3A_91 = arith.constant 0 : i32
      %dma_wait3A_92 = tpu.memref_slice %arg4[%add3A, %dma_wait3A_91] : memref<32x16xi32, #tpu.memory_space<hbm>> -> memref<1x16xi32, #tpu.memory_space<hbm>>
      %dma_wait3A_93 = tpu.memref_squeeze %dma_wait3A_92 : memref<1x16xi32, #tpu.memory_space<hbm>> -> memref<16xi32, #tpu.memory_space<hbm>>
      tpu.wait_dma2 semaphore(%run_scoped3A : memref<!tpu.dma_semaphore, #tpu.memory_space<semaphore_mem>>) src(%arg7 : memref<16xi32, #tpu.memory_space<vmem>>) dst(%dma_wait3A_93 : memref<16xi32, #tpu.memory_space<hbm>>)
      tpu.yield
    }) : () -> ()
    "tpu.region"() ({
      %run_scoped3A = tpu.sem_alloc : memref<!tpu.dma_semaphore, #tpu.memory_space<semaphore_mem>>
      %dma_start3A_82 = arith.constant 0 : i32
      %dma_start3A_83 = tpu.memref_slice %arg3[%add3A, %dma_start3A_82] : memref<32x65536xi32, #tpu.memory_space<hbm>> -> memref<1x65536xi32, #tpu.memory_space<hbm>>
      %dma_start3A_84 = tpu.memref_squeeze %dma_start3A_83 : memref<1x65536xi32, #tpu.memory_space<hbm>> -> memref<65536xi32, #tpu.memory_space<hbm>>
      %dma_start3A_85 = arith.constant 0 : i32
      %dma_start3A_86 = tpu.memref_slice %arg3[%add3A, %dma_start3A_85] : memref<32x65536xi32, #tpu.memory_space<hbm>> -> memref<1x65536xi32, #tpu.memory_space<hbm>>
      %dma_start3A_87 = tpu.memref_squeeze %dma_start3A_86 : memref<1x65536xi32, #tpu.memory_space<hbm>> -> memref<65536xi32, #tpu.memory_space<hbm>>
      tpu.enqueue_dma source(%arg6 : memref<65536xi32, #tpu.memory_space<vmem>>) target(%dma_start3A_87 : memref<65536xi32, #tpu.memory_space<hbm>>) target_semaphore(%run_scoped3A : memref<!tpu.dma_semaphore, #tpu.memory_space<semaphore_mem>>)
      %dma_wait3A_88 = arith.constant 0 : i32
      %dma_wait3A_89 = tpu.memref_slice %arg3[%add3A, %dma_wait3A_88] : memref<32x65536xi32, #tpu.memory_space<hbm>> -> memref<1x65536xi32, #tpu.memory_space<hbm>>
      %dma_wait3A_90 = tpu.memref_squeeze %dma_wait3A_89 : memref<1x65536xi32, #tpu.memory_space<hbm>> -> memref<65536xi32, #tpu.memory_space<hbm>>
      %dma_wait3A_91 = arith.constant 0 : i32
      %dma_wait3A_92 = tpu.memref_slice %arg3[%add3A, %dma_wait3A_91] : memref<32x65536xi32, #tpu.memory_space<hbm>> -> memref<1x65536xi32, #tpu.memory_space<hbm>>
      %dma_wait3A_93 = tpu.memref_squeeze %dma_wait3A_92 : memref<1x65536xi32, #tpu.memory_space<hbm>> -> memref<65536xi32, #tpu.memory_space<hbm>>
      tpu.wait_dma2 semaphore(%run_scoped3A : memref<!tpu.dma_semaphore, #tpu.memory_space<semaphore_mem>>) src(%arg6 : memref<65536xi32, #tpu.memory_space<vmem>>) dst(%dma_wait3A_93 : memref<65536xi32, #tpu.memory_space<hbm>>)
      tpu.yield
    }) : () -> ()
    return
  }
}

module attributes {stable_mosaic.version = 14 : i64} {
  func.func @_copy_body(%arg0: i32, %arg1: memref<512x2048xf32, #tpu.memory_space<vmem>>, %arg2: memref<512x2048xf32, #tpu.memory_space<vmem>>) attributes {dimension_semantics = [#tpu.dimension_semantics<arbitrary>], iteration_bounds = array<i64: 16>, scalar_prefetch = 0 : i64, scratch_operands = 0 : i64, tpu.core_type = #tpu.core_type<tc>, window_params = [{transform_indices = @transform_0, window_bounds = array<i64: 512, 2048>}, {transform_indices = @transform_1, window_bounds = array<i64: 512, 2048>}]} {
    %get3A = arith.constant 0 : index
    %get3A_0 = arith.constant 0 : index
    %get3A_1 = vector.load %arg1[%get3A, %get3A_0] : memref<512x2048xf32, #tpu.memory_space<vmem>>, vector<512x2048xf32>
    %swap3A = arith.constant 0 : index
    %swap3A_2 = arith.constant 0 : index
    %swap3A_3 = vector.load %arg2[%swap3A, %swap3A_2] : memref<512x2048xf32, #tpu.memory_space<vmem>>, vector<512x2048xf32>
    tpu.vector_store %arg2[%swap3A, %swap3A_2], %get3A_1 {strides = array<i32>} : memref<512x2048xf32, #tpu.memory_space<vmem>>, vector<512x2048xf32>,
    return
  }
  func.func @transform_0(%arg0: i32) -> (i32, i32) {
    %c0_i32 = arith.constant 0 : i32
    %c0_i32_0 = arith.constant 0 : i32
    return %arg0, %c0_i32 : i32, i32
  }
  func.func @transform_1(%arg0: i32) -> (i32, i32) {
    %c0_i32 = arith.constant 0 : i32
    %c0_i32_0 = arith.constant 0 : i32
    return %arg0, %c0_i32 : i32, i32
  }
}

module attributes {stable_mosaic.version = 14 : i64} {
  func.func @_glue_body(%arg0: memref<32x65536xi32, #tpu.memory_space<vmem>>, %arg1: memref<32x16xi32, #tpu.memory_space<vmem>>, %arg2: memref<1x128xf32, #tpu.memory_space<vmem>>, %arg3: memref<1x128xf32, #tpu.memory_space<vmem>>) attributes {dimension_semantics = [], scalar_prefetch = 0 : i64, scratch_operands = 0 : i64, tpu.core_type = #tpu.core_type<tc>} {
    %get3A = arith.constant 0 : index
    %get3A_0 = arith.constant 0 : index
    %get3A_1 = vector.load %arg0[%get3A, %get3A_0] : memref<32x65536xi32, #tpu.memory_space<vmem>>, vector<32x65536xi32>
    %reduce_sum3A = arith.constant dense<0> : vector<65536xi32>
    %reduce_sum3A_2 = vector.multi_reduction <add>, %get3A_1, %reduce_sum3A [0] : vector<32x65536xi32> to vector<65536xi32>
    %reshape3A = vector.shape_cast %reduce_sum3A_2 : vector<65536xi32> to vector<512x128xi32>
    %broadcast_in_dim3A = arith.constant 0 : i32
    %broadcast_in_dim3A_3 = vector.broadcast %broadcast_in_dim3A : i32 to vector<512x1xi32>
    %slice3A = vector.extract_strided_slice %reshape3A {offsets = [0, 0], sizes = [512, 127], strides = [1, 1]} : vector<512x128xi32> to vector<512x127xi32>
    %concatenate3A = tpu.concatenate %broadcast_in_dim3A_3, %slice3A in 1 : vector<512x1xi32>, vector<512x127xi32> -> vector<512x128xi32>
    %add3A = arith.addi %reshape3A, %concatenate3A : vector<512x128xi32>
    %broadcast_in_dim3A_4 = arith.constant 0 : i32
    %broadcast_in_dim3A_5 = vector.broadcast %broadcast_in_dim3A_4 : i32 to vector<512x2xi32>
    %slice3A_6 = vector.extract_strided_slice %add3A {offsets = [0, 0], sizes = [512, 126], strides = [1, 1]} : vector<512x128xi32> to vector<512x126xi32>
    %concatenate3A_7 = tpu.concatenate %broadcast_in_dim3A_5, %slice3A_6 in 1 : vector<512x2xi32>, vector<512x126xi32> -> vector<512x128xi32>
    %add3A_8 = arith.addi %add3A, %concatenate3A_7 : vector<512x128xi32>
    %broadcast_in_dim3A_9 = arith.constant 0 : i32
    %broadcast_in_dim3A_10 = vector.broadcast %broadcast_in_dim3A_9 : i32 to vector<512x4xi32>
    %slice3A_11 = vector.extract_strided_slice %add3A_8 {offsets = [0, 0], sizes = [512, 124], strides = [1, 1]} : vector<512x128xi32> to vector<512x124xi32>
    %concatenate3A_12 = tpu.concatenate %broadcast_in_dim3A_10, %slice3A_11 in 1 : vector<512x4xi32>, vector<512x124xi32> -> vector<512x128xi32>
    %add3A_13 = arith.addi %add3A_8, %concatenate3A_12 : vector<512x128xi32>
    %broadcast_in_dim3A_14 = arith.constant 0 : i32
    %broadcast_in_dim3A_15 = vector.broadcast %broadcast_in_dim3A_14 : i32 to vector<512x8xi32>
    %slice3A_16 = vector.extract_strided_slice %add3A_13 {offsets = [0, 0], sizes = [512, 120], strides = [1, 1]} : vector<512x128xi32> to vector<512x120xi32>
    %concatenate3A_17 = tpu.concatenate %broadcast_in_dim3A_15, %slice3A_16 in 1 : vector<512x8xi32>, vector<512x120xi32> -> vector<512x128xi32>
    %add3A_18 = arith.addi %add3A_13, %concatenate3A_17 : vector<512x128xi32>
    %broadcast_in_dim3A_19 = arith.constant 0 : i32
    %broadcast_in_dim3A_20 = vector.broadcast %broadcast_in_dim3A_19 : i32 to vector<512x16xi32>
    %slice3A_21 = vector.extract_strided_slice %add3A_18 {offsets = [0, 0], sizes = [512, 112], strides = [1, 1]} : vector<512x128xi32> to vector<512x112xi32>
    %concatenate3A_22 = tpu.concatenate %broadcast_in_dim3A_20, %slice3A_21 in 1 : vector<512x16xi32>, vector<512x112xi32> -> vector<512x128xi32>
    %add3A_23 = arith.addi %add3A_18, %concatenate3A_22 : vector<512x128xi32>
    %broadcast_in_dim3A_24 = arith.constant 0 : i32
    %broadcast_in_dim3A_25 = vector.broadcast %broadcast_in_dim3A_24 : i32 to vector<512x32xi32>
    %slice3A_26 = vector.extract_strided_slice %add3A_23 {offsets = [0, 0], sizes = [512, 96], strides = [1, 1]} : vector<512x128xi32> to vector<512x96xi32>
    %concatenate3A_27 = tpu.concatenate %broadcast_in_dim3A_25, %slice3A_26 in 1 : vector<512x32xi32>, vector<512x96xi32> -> vector<512x128xi32>
    %add3A_28 = arith.addi %add3A_23, %concatenate3A_27 : vector<512x128xi32>
    %broadcast_in_dim3A_29 = arith.constant 0 : i32
    %broadcast_in_dim3A_30 = vector.broadcast %broadcast_in_dim3A_29 : i32 to vector<512x64xi32>
    %slice3A_31 = vector.extract_strided_slice %add3A_28 {offsets = [0, 0], sizes = [512, 64], strides = [1, 1]} : vector<512x128xi32> to vector<512x64xi32>
    %concatenate3A_32 = tpu.concatenate %broadcast_in_dim3A_30, %slice3A_31 in 1 : vector<512x64xi32>, vector<512x64xi32> -> vector<512x128xi32>
    %add3A_33 = arith.addi %add3A_28, %concatenate3A_32 : vector<512x128xi32>
    %slice3A_34 = vector.extract_strided_slice %add3A_33 {offsets = [0, 127], sizes = [512, 1], strides = [1, 1]} : vector<512x128xi32> to vector<512x1xi32>
    %broadcast_in_dim3A_35 = arith.constant 0 : i32
    %broadcast_in_dim3A_36 = vector.broadcast %broadcast_in_dim3A_35 : i32 to vector<1x1xi32>
    %slice3A_37 = vector.extract_strided_slice %slice3A_34 {offsets = [0, 0], sizes = [511, 1], strides = [1, 1]} : vector<512x1xi32> to vector<511x1xi32>
    %concatenate3A_38 = tpu.concatenate %broadcast_in_dim3A_36, %slice3A_37 in 0 : vector<1x1xi32>, vector<511x1xi32> -> vector<512x1xi32>
    %add3A_39 = arith.addi %slice3A_34, %concatenate3A_38 : vector<512x1xi32>
    %broadcast_in_dim3A_40 = arith.constant 0 : i32
    %broadcast_in_dim3A_41 = vector.broadcast %broadcast_in_dim3A_40 : i32 to vector<2x1xi32>
    %slice3A_42 = vector.extract_strided_slice %add3A_39 {offsets = [0, 0], sizes = [510, 1], strides = [1, 1]} : vector<512x1xi32> to vector<510x1xi32>
    %concatenate3A_43 = tpu.concatenate %broadcast_in_dim3A_41, %slice3A_42 in 0 : vector<2x1xi32>, vector<510x1xi32> -> vector<512x1xi32>
    %add3A_44 = arith.addi %add3A_39, %concatenate3A_43 : vector<512x1xi32>
    %broadcast_in_dim3A_45 = arith.constant 0 : i32
    %broadcast_in_dim3A_46 = vector.broadcast %broadcast_in_dim3A_45 : i32 to vector<4x1xi32>
    %slice3A_47 = vector.extract_strided_slice %add3A_44 {offsets = [0, 0], sizes = [508, 1], strides = [1, 1]} : vector<512x1xi32> to vector<508x1xi32>
    %concatenate3A_48 = tpu.concatenate %broadcast_in_dim3A_46, %slice3A_47 in 0 : vector<4x1xi32>, vector<508x1xi32> -> vector<512x1xi32>
    %add3A_49 = arith.addi %add3A_44, %concatenate3A_48 : vector<512x1xi32>
    %broadcast_in_dim3A_50 = arith.constant 0 : i32
    %broadcast_in_dim3A_51 = vector.broadcast %broadcast_in_dim3A_50 : i32 to vector<8x1xi32>
    %slice3A_52 = vector.extract_strided_slice %add3A_49 {offsets = [0, 0], sizes = [504, 1], strides = [1, 1]} : vector<512x1xi32> to vector<504x1xi32>
    %concatenate3A_53 = tpu.concatenate %broadcast_in_dim3A_51, %slice3A_52 in 0 : vector<8x1xi32>, vector<504x1xi32> -> vector<512x1xi32>
    %add3A_54 = arith.addi %add3A_49, %concatenate3A_53 : vector<512x1xi32>
    %broadcast_in_dim3A_55 = arith.constant 0 : i32
    %broadcast_in_dim3A_56 = vector.broadcast %broadcast_in_dim3A_55 : i32 to vector<16x1xi32>
    %slice3A_57 = vector.extract_strided_slice %add3A_54 {offsets = [0, 0], sizes = [496, 1], strides = [1, 1]} : vector<512x1xi32> to vector<496x1xi32>
    %concatenate3A_58 = tpu.concatenate %broadcast_in_dim3A_56, %slice3A_57 in 0 : vector<16x1xi32>, vector<496x1xi32> -> vector<512x1xi32>
    %add3A_59 = arith.addi %add3A_54, %concatenate3A_58 : vector<512x1xi32>
    %broadcast_in_dim3A_60 = arith.constant 0 : i32
    %broadcast_in_dim3A_61 = vector.broadcast %broadcast_in_dim3A_60 : i32 to vector<32x1xi32>
    %slice3A_62 = vector.extract_strided_slice %add3A_59 {offsets = [0, 0], sizes = [480, 1], strides = [1, 1]} : vector<512x1xi32> to vector<480x1xi32>
    %concatenate3A_63 = tpu.concatenate %broadcast_in_dim3A_61, %slice3A_62 in 0 : vector<32x1xi32>, vector<480x1xi32> -> vector<512x1xi32>
    %add3A_64 = arith.addi %add3A_59, %concatenate3A_63 : vector<512x1xi32>
    %broadcast_in_dim3A_65 = arith.constant 0 : i32
    %broadcast_in_dim3A_66 = vector.broadcast %broadcast_in_dim3A_65 : i32 to vector<64x1xi32>
    %slice3A_67 = vector.extract_strided_slice %add3A_64 {offsets = [0, 0], sizes = [448, 1], strides = [1, 1]} : vector<512x1xi32> to vector<448x1xi32>
    %concatenate3A_68 = tpu.concatenate %broadcast_in_dim3A_66, %slice3A_67 in 0 : vector<64x1xi32>, vector<448x1xi32> -> vector<512x1xi32>
    %add3A_69 = arith.addi %add3A_64, %concatenate3A_68 : vector<512x1xi32>
    %broadcast_in_dim3A_70 = arith.constant 0 : i32
    %broadcast_in_dim3A_71 = vector.broadcast %broadcast_in_dim3A_70 : i32 to vector<128x1xi32>
    %slice3A_72 = vector.extract_strided_slice %add3A_69 {offsets = [0, 0], sizes = [384, 1], strides = [1, 1]} : vector<512x1xi32> to vector<384x1xi32>
    %concatenate3A_73 = tpu.concatenate %broadcast_in_dim3A_71, %slice3A_72 in 0 : vector<128x1xi32>, vector<384x1xi32> -> vector<512x1xi32>
    %add3A_74 = arith.addi %add3A_69, %concatenate3A_73 : vector<512x1xi32>
    %broadcast_in_dim3A_75 = arith.constant 0 : i32
    %broadcast_in_dim3A_76 = vector.broadcast %broadcast_in_dim3A_75 : i32 to vector<256x1xi32>
    %slice3A_77 = vector.extract_strided_slice %add3A_74 {offsets = [0, 0], sizes = [256, 1], strides = [1, 1]} : vector<512x1xi32> to vector<256x1xi32>
    %concatenate3A_78 = tpu.concatenate %broadcast_in_dim3A_76, %slice3A_77 in 0 : vector<256x1xi32>, vector<256x1xi32> -> vector<512x1xi32>
    %add3A_79 = arith.addi %add3A_74, %concatenate3A_78 : vector<512x1xi32>
    %add3A_80 = vector.broadcast %add3A_79 : vector<512x1xi32> to vector<512x128xi32>
    %add3A_81 = arith.addi %add3A_33, %add3A_80 : vector<512x128xi32>
    %sub3A = vector.broadcast %slice3A_34 : vector<512x1xi32> to vector<512x128xi32>
    %sub3A_82 = arith.subi %add3A_81, %sub3A : vector<512x128xi32>
    %get3A_83 = arith.constant 0 : index
    %get3A_84 = arith.constant 0 : index
    %get3A_85 = vector.load %arg1[%get3A_83, %get3A_84] : memref<32x16xi32, #tpu.memory_space<vmem>>, vector<32x16xi32>
    %reduce_max3A = vector.shape_cast %get3A_85 : vector<32x16xi32> to vector<1x32x16xi32>
    %reduce_max3A_86 = arith.constant dense<-2147483648> : vector<1xi32>
    %reduce_max3A_87 = vector.multi_reduction <maxsi>, %reduce_max3A, %reduce_max3A_86 [1, 2] : vector<1x32x16xi32> to vector<1xi32>
    %reduce_max3A_88 = vector.shape_cast %reduce_max3A_87 : vector<1xi32> to vector<1x1x1xi32>
    %reduce_max3A_89 = vector.extract %reduce_max3A_88[0, 0, 0] : i32 from vector<1x1x1xi32>
    %le3A = arith.constant 16775537 : i32
    %le3A_90 = vector.broadcast %le3A : i32 to vector<512x128xi32>
    %le3A_91 = arith.cmpi sle, %sub3A_82, %le3A_90 : vector<512x128xi32>
    %convert_element_type3A = arith.extui %le3A_91 : vector<512x128xi1> to vector<512x128xi32>
    %reduce_sum3A_92 = vector.shape_cast %convert_element_type3A : vector<512x128xi32> to vector<1x512x128xi32>
    %reduce_sum3A_93 = arith.constant dense<0> : vector<1xi32>
    %reduce_sum3A_94 = vector.multi_reduction <add>, %reduce_sum3A_92, %reduce_sum3A_93 [1, 2] : vector<1x512x128xi32> to vector<1xi32>
    %reduce_sum3A_95 = vector.shape_cast %reduce_sum3A_94 : vector<1xi32> to vector<1x1x1xi32>
    %reduce_sum3A_96 = vector.extract %reduce_sum3A_95[0, 0, 0] : i32 from vector<1x1x1xi32>
    %shift_left3A = arith.constant 15 : i32
    %shift_left3A_97 = arith.shli %reduce_sum3A_96, %shift_left3A : i32
    %or3A = arith.constant 16384 : i32
    %or3A_98 = arith.ori %shift_left3A_97, %or3A : i32
    %le3A_99 = arith.constant 16760438 : i32
    %le3A_100 = vector.broadcast %le3A_99 : i32 to vector<512x128xi32>
    %le3A_101 = arith.cmpi sle, %sub3A_82, %le3A_100 : vector<512x128xi32>
    %convert_element_type3A_102 = arith.extui %le3A_101 : vector<512x128xi1> to vector<512x128xi32>
    %reduce_sum3A_103 = vector.shape_cast %convert_element_type3A_102 : vector<512x128xi32> to vector<1x512x128xi32>
    %reduce_sum3A_104 = arith.constant dense<0> : vector<1xi32>
    %reduce_sum3A_105 = vector.multi_reduction <add>, %reduce_sum3A_103, %reduce_sum3A_104 [1, 2] : vector<1x512x128xi32> to vector<1xi32>
    %reduce_sum3A_106 = vector.shape_cast %reduce_sum3A_105 : vector<1xi32> to vector<1x1x1xi32>
    %reduce_sum3A_107 = vector.extract %reduce_sum3A_106[0, 0, 0] : i32 from vector<1x1x1xi32>
    %shift_left3A_108 = arith.constant 15 : i32
    %shift_left3A_109 = arith.shli %reduce_sum3A_107, %shift_left3A_108 : i32
    %or3A_110 = arith.constant 16384 : i32
    %or3A_111 = arith.ori %shift_left3A_109, %or3A_110 : i32
    %le3A_112 = arith.constant 16609443 : i32
    %le3A_113 = vector.broadcast %le3A_112 : i32 to vector<512x128xi32>
    %le3A_114 = arith.cmpi sle, %sub3A_82, %le3A_113 : vector<512x128xi32>
    %convert_element_type3A_115 = arith.extui %le3A_114 : vector<512x128xi1> to vector<512x128xi32>
    %reduce_sum3A_116 = vector.shape_cast %convert_element_type3A_115 : vector<512x128xi32> to vector<1x512x128xi32>
    %reduce_sum3A_117 = arith.constant dense<0> : vector<1xi32>
    %reduce_sum3A_118 = vector.multi_reduction <add>, %reduce_sum3A_116, %reduce_sum3A_117 [1, 2] : vector<1x512x128xi32> to vector<1xi32>
    %reduce_sum3A_119 = vector.shape_cast %reduce_sum3A_118 : vector<1xi32> to vector<1x1x1xi32>
    %reduce_sum3A_120 = vector.extract %reduce_sum3A_119[0, 0, 0] : i32 from vector<1x1x1xi32>
    %shift_left3A_121 = arith.constant 15 : i32
    %shift_left3A_122 = arith.shli %reduce_sum3A_120, %shift_left3A_121 : i32
    %or3A_123 = arith.constant 16384 : i32
    %or3A_124 = arith.ori %shift_left3A_122, %or3A_123 : i32
    %iota3A = tpu.iota {dimensions = array<i32: 1>} : vector<1x128xi32>
    %broadcast_in_dim3A_125 = arith.constant 0 : i32
    %broadcast_in_dim3A_126 = vector.broadcast %broadcast_in_dim3A_125 : i32 to vector<1x128xi32>
    %eq3A = arith.constant 0 : i32
    %eq3A_127 = vector.broadcast %eq3A : i32 to vector<1x128xi32>
    %eq3A_128 = arith.cmpi eq, %iota3A, %eq3A_127 : vector<1x128xi32>
    %broadcast_in_dim3A_129 = vector.broadcast %reduce_max3A_89 : i32 to vector<1x128xi32>
    %select_n3A = arith.select %eq3A_128, %broadcast_in_dim3A_129, %broadcast_in_dim3A_126 : vector<1x128xi1>, vector<1x128xi32>
    %eq3A_130 = arith.constant 1 : i32
    %eq3A_131 = vector.broadcast %eq3A_130 : i32 to vector<1x128xi32>
    %eq3A_132 = arith.cmpi eq, %iota3A, %eq3A_131 : vector<1x128xi32>
    %broadcast_in_dim3A_133 = vector.broadcast %or3A_98 : i32 to vector<1x128xi32>
    %select_n3A_134 = arith.select %eq3A_132, %broadcast_in_dim3A_133, %select_n3A : vector<1x128xi1>, vector<1x128xi32>
    %eq3A_135 = arith.constant 2 : i32
    %eq3A_136 = vector.broadcast %eq3A_135 : i32 to vector<1x128xi32>
    %eq3A_137 = arith.cmpi eq, %iota3A, %eq3A_136 : vector<1x128xi32>
    %broadcast_in_dim3A_138 = vector.broadcast %or3A_111 : i32 to vector<1x128xi32>
    %select_n3A_139 = arith.select %eq3A_137, %broadcast_in_dim3A_138, %select_n3A_134 : vector<1x128xi1>, vector<1x128xi32>
    %eq3A_140 = arith.constant 3 : i32
    %eq3A_141 = vector.broadcast %eq3A_140 : i32 to vector<1x128xi32>
    %eq3A_142 = arith.cmpi eq, %iota3A, %eq3A_141 : vector<1x128xi32>
    %broadcast_in_dim3A_143 = vector.broadcast %or3A_124 : i32 to vector<1x128xi32>
    %select_n3A_144 = arith.select %eq3A_142, %broadcast_in_dim3A_143, %select_n3A_139 : vector<1x128xi1>, vector<1x128xi32>
    %bitcast_convert_type3A = tpu.bitcast %select_n3A_144 : vector<1x128xi32> -> vector<1x128xf32>
    %get3A_145 = arith.constant 0 : index
    %get3A_146 = arith.constant 0 : index
    %get3A_147 = vector.load %arg2[%get3A_145, %get3A_146] : memref<1x128xf32, #tpu.memory_space<vmem>>, vector<1x128xf32>
    %mul3A = arith.constant 9.900000e-01 : f32
    %mul3A_148 = vector.broadcast %mul3A : f32 to vector<1x128xf32>
    %mul3A_149 = arith.mulf %get3A_147, %mul3A_148 : vector<1x128xf32>
    %mul3A_150 = arith.constant 0.00999999977 : f32
    %mul3A_151 = vector.broadcast %mul3A_150 : f32 to vector<1x128xf32>
    %mul3A_152 = arith.mulf %bitcast_convert_type3A, %mul3A_151 : vector<1x128xf32>
    %add3A_153 = arith.addf %mul3A_149, %mul3A_152 : vector<1x128xf32>
    %swap3A = arith.constant 0 : index
    %swap3A_154 = arith.constant 0 : index
    %swap3A_155 = vector.load %arg3[%swap3A, %swap3A_154] : memref<1x128xf32, #tpu.memory_space<vmem>>, vector<1x128xf32>
    tpu.vector_store %arg3[%swap3A, %swap3A_154], %add3A_153 {strides = array<i32>} : memref<1x128xf32, #tpu.memory_space<vmem>>, vector<1x128xf32>,
    return
  }
}

</mosaic_0001>

<sc_bundles>
// kernel: kernel.5.cloned.1.call-start
scs
__scs_entry_jumppad:
0x0: {  	(pc) =	sbr.rel $0x88, $3  }
0x1: {  	(tag) =	ssettag $0x0;
	lr =	simm.s32 $0x1  }
0x2: {  	[smem:$0x3F9C] =	sst lr;
	_ =	strace $0xD0000000  }
0x3: {  	_ = 	snop  }
0x4: {  	_ = 	snop  }
0x5: {  	_ = 	snop  }
0x6: {  	_ = 	snop  }
0x7: {  	_ = 	snop  }
__scs_overlays_trampoline_lowered:
0x8: {  	[smem:$0x3FAB] =	sst s0  }
0x9: {  	[smem:$0x3FAC] =	sst s1  }
0xa: {  	[smem:$0x3FAD] =	sst s2  }
0xb: {  	[smem:$0x3FAE] =	sst s3  }
0xc: {  	[smem:$0x3FAF] =	sst s4  }
0xd: {  	[smem:$0x3FB0] =	sst s5  }
0xe: {  	[smem:$0x3FB1] =	sst s6  }
0xf: {  	[smem:$0x3FB2] =	sst s7  }
0x10: {  	[smem:$0x3FB3] =	sst s8  }
0x11: {  	[smem:$0x3FB4] =	sst s9;
	s0 =	simm.s32 @!p0 $0x0  }
0x12: {  	s1 =	sld [smem:$0x3F9A];
	s0 =	simm.s32 @p0 $0x1  }
0x13: {  	[smem:$0x3FB5] =	sst s0;
	s0 =	simm.s32 @!p1 $0x0  }
0x14: {  	s2 =	sld [smem:$0x3F99];
	s0 =	simm.s32 @p1 $0x1  }
0x15: {  	[smem:$0x3FB6] =	sst s0;
	s0 =	simm.s32 @!p2 $0x0  }
0x16: {  	s3 =	sld [smem:$0x3FDB];
	s0 =	simm.s32 @p2 $0x1  }
0x17: {  	s4 =	simm.s32 $0x1BF5;
	[smem:$0x3FB8] =	sst s0  }
0x18: {  	s0 =	sld [smem:$0x3F9B];
	_ =	swait.ge [sflag:s4], $0x0  }
0x19: {  	s7 =	sld [smem:$0x3F9C]  }
0x1a: {  	s8 =	sadd.s32 $0xFFFFE003, lr  }
0x1b: {  	s9 =	sadd.s32 $0xFFFFFEF7, lr;
	s5 =	simm.s32 $0xFFFFFFFF;
	p2 =	slt.u32 s8, $0xFFFFF086  }
0x1c: {  	p1 =	slt.u32 s9, $0xF7A;
	s5 =	simm.s32 @!p2 $0x0  }
0x1d: {  	s5 =	simm.s32 @p1 $0x1;
	p0 =	seq.s32 s7, s2  }
0x1e: {  	s7 =	smul.u32 @!p0 $0xF7A, s2;
	p2 =	seq.s32 @!p0 s5, $0x0  }
0x1f: {  	s9 =	smul.u32 $0xF7A, s1;
	s8 =	simm.s32 @!p0 $0x1BF5;
	p2 =	por !p2, p0  }
0x20: {  	[sflag:s8] =	ssyncset.s32 @!p0 $0xFFFFF086;
	s6 =	sadd.s32 @!p0 s3, s7;
	s7 =	simm.s32 @!p0 $0x108  }
0x21: {  	s3 =	sadd.s32 s3, s9;
	s6 =	sadd.s32 @!p0 $0x88, s6;
	s7 =	simm.s32 @p2 $0x1082  }
0x22: {  	[simem:s7], [sflag:s8] =	dma.local @!p0 [hbm:s6], $0xF7A  }
0x23: {  	s9 =	sor.u32 $0xD0000000, s2;
	s6 =	simm.s32 $0x108;
	_ =	swait.ge @!p0 [sflag:s8], $0x0  }
0x24: {  	s3 =	sadd.s32 $0x88, s3;
	s6 =	simm.s32 @!p1 $0x1082;
	[sflag:s4] =	ssyncset.s32 $0xFFFFF086  }
0x25: {  	[simem:s6], [sflag:s4] =	dma.local [hbm:s3], $0xF7A  }
0x26: {  	[smem:$0x3F9C] =	sst s1;
	(tag) =	ssettag s2;
	_ =	strace s9  }
0x27: {  	s1 =	sld [smem:$0x3FAC]  }
0x28: {  	s2 =	sld [smem:$0x3FAD]  }
0x29: {  	s4 =	sld [smem:$0x3FAF]  }
0x2a: {  	p0 =	seq.s32 s5, $0x0;
	s5 =	sld [smem:$0x3FB0]  }
0x2b: {  	s6 =	sld [smem:$0x3FB1]  }
0x2c: {  	s7 =	sld [smem:$0x3FB2]  }
0x2d: {  	s3 =	simm.s32 $0x108;
	s8 =	sld [smem:$0x3FB3]  }
0x2e: {  	s3 =	simm.s32 @!p0 $0x1082;
	s9 =	sld [smem:$0x3FB4]  }
0x2f: {  	lr =	sadd.s32 s0, s3;
	s0 =	sld [smem:$0x3FAB]  }
0x30: {  	s3 =	sld [smem:$0x3FAE]  }
0x31: {  	[smem:$0x3FB7] =	sst s10  }
0x32: {  	s10 =	sld [smem:$0x3FB5];
	_ =	sdelay $0x3  }
0x33: {  	p0 =	seq.s32 s10, $0x1;
	s10 =	sld [smem:$0x3FB7];
	_ =	sdelay $0x3  }
0x34: {  	[smem:$0x3FB7] =	sst s10  }
0x35: {  	s10 =	sld [smem:$0x3FB6];
	_ =	sdelay $0x3  }
0x36: {  	p1 =	seq.s32 s10, $0x1;
	s10 =	sld [smem:$0x3FB7];
	_ =	sdelay $0x3  }
0x37: {  	[smem:$0x3FB7] =	sst s10  }
0x38: {  	s10 =	sld [smem:$0x3FB8]  }
0x39: {  	_ = 	snop;
	(pc) =	sbr.ind lr, $3  }
0x3a: {  	_ = 	snop  }
0x3b: {  	_ = 	snop  }
0x3c: {  	p2 =	seq.s32 s10, $0x1;
	s10 =	sld [smem:$0x3FB7]  }
0x3d: {  	_ =	shalt  }
0x3e: {  	_ =	shalt  }
0x3f: {  	_ =	shalt  }
0x40: {  	_ =	shalt  }
0x41: {  	_ =	shalt  }
0x42: {  	_ =	shalt  }
0x43: {  	_ =	shalt  }
0x44: {  	_ =	shalt  }
0x45: {  	_ =	shalt  }
0x46: {  	_ =	shalt  }
0x47: {  	_ =	shalt  }
0x48: {  	_ =	shalt  }
0x49: {  	_ =	shalt  }
0x4a: {  	_ =	shalt  }
0x4b: {  	_ =	shalt  }
0x4c: {  	_ =	shalt  }
0x4d: {  	_ =	shalt  }
0x4e: {  	_ =	shalt  }
0x4f: {  	_ =	shalt  }
0x50: {  	_ =	shalt  }
0x51: {  	_ =	shalt  }
0x52: {  	_ =	shalt  }
0x53: {  	_ =	shalt  }
0x54: {  	_ =	shalt  }
0x55: {  	_ =	shalt  }
0x56: {  	_ =	shalt  }
0x57: {  	_ =	shalt  }
0x58: {  	_ =	shalt  }
0x59: {  	_ =	shalt  }
0x5a: {  	_ =	shalt  }
0x5b: {  	_ =	shalt  }
0x5c: {  	_ =	shalt  }
0x5d: {  	_ =	shalt  }
0x5e: {  	_ =	shalt  }
0x5f: {  	_ =	shalt  }
0x60: {  	_ =	shalt  }
0x61: {  	_ =	shalt  }
0x62: {  	_ =	shalt  }
0x63: {  	_ =	shalt  }
0x64: {  	_ =	shalt  }
0x65: {  	_ =	shalt  }
0x66: {  	_ =	shalt  }
0x67: {  	_ =	shalt  }
0x68: {  	_ =	shalt  }
0x69: {  	_ =	shalt  }
0x6a: {  	_ =	shalt  }
0x6b: {  	_ =	shalt  }
0x6c: {  	_ =	shalt  }
0x6d: {  	_ =	shalt  }
0x6e: {  	_ =	shalt  }
0x6f: {  	_ =	shalt  }
0x70: {  	_ =	shalt  }
0x71: {  	_ =	shalt  }
0x72: {  	_ =	shalt  }
0x73: {  	_ =	shalt  }
0x74: {  	_ =	shalt  }
0x75: {  	_ =	shalt  }
0x76: {  	_ =	shalt  }
0x77: {  	_ =	shalt  }
0x78: {  	_ =	shalt  }
0x79: {  	_ =	shalt  }
0x7a: {  	_ =	shalt  }
0x7b: {  	_ =	shalt  }
0x7c: {  	_ =	shalt  }
0x7d: {  	_ =	shalt  }
0x7e: {  	_ =	shalt  }
0x7f: {  	_ =	shalt  }
0x80: {  	_ =	shalt  }
0x81: {  	_ =	shalt  }
0x82: {  	_ =	shalt  }
0x83: {  	_ =	shalt  }
0x84: {  	_ =	shalt  }
0x85: {  	_ =	shalt  }
0x86: {  	_ =	shalt  }
0x87: {  	_ =	shalt  }
.Lfunc_end0:
.L_simem_size_0:
called_computation_lowered:
.L_overlay_start_0:
0x88: {  	s2 =	sld [smem:$0x3FD9]  }
0x89: {  	s3 =	sld [smem:$0x3FFE];
	_ =	sdelay $0x1  }
0x8a: {  	s1 =	srdreg.scid  }
0x8b: {  	s0 =	sand.u32 $0x1, s1  }
0x8c: {  	s17 =	sshll.u32 s0, $0xA;
	s2 =	sadd.s32 s3, s2  }
0x8d: {  	s2 =	sadd.s32 s2, s17  }
0x8e: {  	[smem:$0x3FC3] =	sst s2  }
0x8f: {  	_ = 	snop  }
0x90: {  	s2 =	sld [smem:$0x3FC9];
	(tm) =	ssettm $0x1  }
0x91: {  	s18 =	sld [smem:$0x3FFB];
	_ =	sdelay $0x3  }
0x92: {  	_ =	strace s18  }
0x93: {  	s3 =	sld [smem:$0x3FFC];
	_ =	sdelay $0x3  }
0x94: {  	_ =	strace s3  }
0x95: {  	s3 =	sld [smem:$0x3FFD];
	_ =	sdelay $0x3  }
0x96: {  	_ =	strace s3  }
0x97: {  	_ =	strace $0x8FFFFFFF  }
0x98: {  	s19 =	sld [smem:$0x3FDB];
	_ =	sdelay $0x1  }
0x99: {  	s4 =	simm.s32 $_scs_section_size  }
0x9a: {  	s5 =	simm.s32 $_size__tile_overlayer_lowered;
	s6 =	simm.s32 $_tile_overlayer_lowered  }
0x9b: {  	s22 =	simm.s32 $0x1BFF;
	s21 =	sshll.u32 s6, $0x1;
	s3 =	sadd.s32 s4, s19  }
0x9c: {  	s7 =	simm.s32 $0x0;
	s20 =	sshll.u32 s5, $0x1;
	s5 =	sadd.s32 s21, s3  }
0x9d: {  	[timem:s7], [sflag:s22] =	dma.local [hbm:s5], s20  }
0x9e: {  	_ =	swait.ge [sflag:s22], s20  }
0x9f: {  	s4 =	ssub.s32 $0x0, s20;
	[sflag:s22] =	ssyncset.done $0x0  }
0xa0: {  	[sflag:s22] =	ssyncadd.s32 s4;
	_ =	sdelay $0x1  }
0xa1: {  	s23 =	simm.s32 $0x1B8B  }
0xa2: {  	_ =	swait.ge [sflag:s23], $0x1  }
0xa3: {  	[sflag:s23] =	ssyncset.done $0x0  }
0xa4: {  	s25 =	simm.s32 $0x1B8E;
	s24 =	sld [smem:$0x3FFE];
	[sflag:s23] =	ssyncadd.s32 $0xFFFFFFFF  }
0xa5: {  	s26 =	simm.s32 $execute0_lowered;
	[smem:$0x3FD2] =	sst s25  }
0xa6: {  	s5 =	sshll.u32 s26, $0x1;
	_ =	strace $0x80000046;
	[dreg:$0x1] =	wrdreg $0xFFFFFFFF  }
0xa7: {  	s28 =	simm.s32 $_size_execute0_lowered;
	s3 =	sadd.s32 s3, s5;
	[dreg:$0x0] =	wrdreg $0x0  }
0xa8: {  	s5 =	sshll.u32 s28, $0x1;
	[dreg:$0x2] =	wrdreg s3  }
0xa9: {  	[dreg:$0x3] =	wrdreg s5  }
0xaa: {  	[dreg:$0x4] =	wrdreg $0xC0  }
0xab: {  	_ =	task [dreg:s7], $0x5FFFF  }
0xac: {  	[dreg:$0x1] =	wrdreg $0xFFFFFFFF  }
0xad: {  	[dreg:$0x0] =	wrdreg $0x60  }
0xae: {  	[dreg:$0x2] =	wrdreg s2  }
0xaf: {  	[dreg:$0x3] =	wrdreg s24  }
0xb0: {  	[dreg:$0x4] =	wrdreg $0x9  }
0xb1: {  	_ =	task.clear_ibuf [dreg:s7], $0x5FFFF;
	_ =	strace $0x90000046  }
0xb2: {  	s29 =	simm.s32 $0x9;
	_ =	strace $0x80000048  }
0xb3: {  	_ =	swait.ge [sflag:s29], $0x1  }
0xb4: {  	[sflag:s29] =	ssyncadd.s32 $0xFFFFFFFF  }
0xb5: {  	_ =	strace $0x90000048  }
0xb6: {  	_ =	sfence  }
0xb7: {  	s30 =	sld [smem:$0x0];
	_ =	sdelay $0x2  }
0xb8: {  	s31 =	sshll.u32 s1, $0xD;
	s1 =	sshrl.u32 s1, $0x2  }
0xb9: {  	s3 =	sand.u32 $0x4000, s31;
	s1 =	sadd.s32 s1, s30  }
0xba: {  	s0 =	sor.u32 s3, s0;
	s1 =	sshll.u32 s1, $0x11  }
0xbb: {  	s0 =	sor.u32 s1, s0  }
0xbc: {  	s0 =	sadd.s32 $0x8F2B, s0  }
0xbd: {  	[sflag:s0] =	ssyncadd.remote.s32 $0x1  }
0xbe: {  	_ =	sfence.sel $0xFFFF  }
0xbf: {  	[dreg:$0x0] =	wrdreg $0xFFFFFFFF;
	(pc) =	sbr.abs _section_cstart, $3  }
0xc0: {  	[dreg:$0x1] =	wrdreg $0xFFFFFFFF  }
0xc1: {  	_ =	task.clear_ibuf [dreg:s7], $0x2FFFF;
	_ =	strace $0x9FFFFFFF  }
0xc2: {  	(tm) =	ssettm $0x7FFFFFFF  }
0xc3: {  	_ =	shalt  }
tec
execute0_lowered:
.L_overlay_start_1:
0x0: {  	(tag) =	ssettag $0x1  }
0x1: {  	s1 =	srdreg.scid  }
0x2: {  	s0 =	stileid.u32;
	s2 =	rddreg [dreg:$0x0]  }
0x3: {  	s9 =	rddreg [dreg:$0x1];
	s3 =	simm.s32 $0x0;
	s13 =	simm.s32 $0x8000  }
0x4: {  	s14 =	simm.s32 $0x2;
	s15 =	simm.s32 $0x18000;
	s16 =	simm.s32 $0x3  }
0x5: {  	s17 =	simm.s32 $0x80;
	s18 =	simm.s32 $0x400;
	s19 =	simm.s32 $0x0  }
0x6: {  	s4 =	sand.u32 $0x1, s1;
	s29 =	sshll.u32 s0, $0x1;
	s1 =	rddreg [dreg:$0x2]  }
0x7: {  	s6 =	sshrl.u32 s0, $0x2;
	[smem:$0x7FF] =	sst s3;
	s5 =	sor.u32 s4, s29  }
0x8: {  	s8 =	sshll.u32 s6, $0xA;
	_ =	strace $0x80000047;
	s4 =	ssub.s32 $0x2, s4  }
0x9: {  	s6 =	sshll.u32 s6, $0x13;
	s7 =	sshll.u32 s5, $0x7;
	s10 =	sshrl.u32 s4, $0x1  }
0xa: {  	s11 =	sshll.u32 s5, $0x10;
	s30 =	sshll.u32 s5, $0x8;
	s7 =	sand.u32 $0x380, s7  }
0xb: {  	s10 =	ssub.s32 s4, s10;
	s4 =	sadd.s32 s2, s11;
	s11 =	simm.s32 $0x4000  }
0xc: {  	s8 =	sor.u32 s8, s7;
	s5 =	sadd.s32 $0x800, s4;
	s12 =	sor.u32 s6, s7  }
0xd: {  	s6 =	sor.u32 $0x10, s30;
	s7 =	sor.u32 $0x18, s30;
	s8 =	sshrl.u32 s8, $0x3  }
0xe: {  	s10 =	smax.u32 s10, $0x1;
	s31 =	sshrl.u32 s12, $0x3;
	s8 =	sadd.s32 s8, s9  }
0xf: {  	v0 =	vimm.s32 $0x1;
	s12 =	simm.s32 $0x1;
	s9 =	sadd.s32 s9, s31;
	s8 =	sadd.s32 $0x40000, s8  }
.LBB2_1:
0x10: {  	[tilespmem:s3], [sflag:$0x1] =	stream.linear.gather [hbm4b:s4+s3], $0x4000, $0x38;
	[tilespmem:$0x18080] =	vst v63  }
0x11: {  	s21 =	simm.s32 $0x8040  }
0x12: {  	v1 =	vimm.s32 $0x0;
	[tilespmem:s11], [sflag:$0x2] =	stream.linear.gather [hbm4b:s5+s3], $0x4000, $0x38;
	[tilespmem:$0x18080] =	vst v63  }
0x13: {  	[tilespmem:s21+$0x30] =	vst v1  }
0x14: {  	[tilespmem:s21+$0xFFFFFFC0] =	vst v1  }
0x15: {  	[tilespmem:s21+$0xFFFFFFD0] =	vst v1  }
0x16: {  	[tilespmem:s21+$0xFFFFFFE0] =	vst v1  }
0x17: {  	[tilespmem:s21+$0xFFFFFFF0] =	vst v1  }
0x18: {  	[tilespmem:s21+$0x0] =	vst v1  }
0x19: {  	s22 =	simm.s32 $0x0;
	[tilespmem:s21+$0x10] =	vst v1  }
.LBB2_2:
0x1a: {  	s22 =	sadd.s32 $0x8, s22;
	[tilespmem:s21+$0x20] =	vst v1;
	s21 =	sadd.s32 $0x80, s21  }
0x1b: {  	s20 =	simm.s32 $0x0;
	[tilespmem:s21+$0x30] =	vst v1;
	p0 =	slt.u32 s22, $0xFF8  }
0x1c: {  	[tilespmem:s21+$0xFFFFFFC0] =	vst v1  }
.Ltmp0:
0x1d: {  	[tilespmem:s21+$0xFFFFFFD0] =	vst v1;
	(pc) =	sbr.rel @p0 .LBB2_2-.Ltmp0, $4  }
0x1e: {  	[tilespmem:s21+$0xFFFFFFE0] =	vst v1  }
0x1f: {  	[tilespmem:s21+$0xFFFFFFF0] =	vst v1  }
0x20: {  	[tilespmem:s21+$0x0] =	vst v1  }
0x21: {  	[tilespmem:s21+$0x10] =	vst v1  }
0x22: {  	[tilespmem:s21+$0x20] =	vst v1  }
.LBB2_4:
0x23: {  	_ =	swait.ge [sflag:s12], $0x4000  }
0x24: {  	[sflag:s12] =	ssyncset.done $0x0  }
0x25: {  	s21 =	simm.s32 $0x400;
	[sflag:s12] =	ssyncadd.s32 $0xFFFFC000  }
0x26: {  	v2 =	vld [tilespmem:s21+$0xFFFFFC00]  }
0x27: {  	v10 =	vld [tilespmem:s21+$0xFFFFFC70]  }
0x28: {  	v11 =	vld [tilespmem:s21+$0x0]  }
0x29: {  	v14 =	vld [tilespmem:s21+$0x30]  }
0x2a: {  	v15 =	vld [tilespmem:s21+$0x40]  }
0x2b: {  	v3 =	vld [tilespmem:s21+$0xFFFFFC10];
	_ =	sdelay $0x1  }
0x2c: {  	v4 =	vld [tilespmem:s21+$0xFFFFFC20];
	v6 =	vand.u32 $0x7FFFFFFF, v2;
	v2 =	vshrl.u32 v2, $0xF  }
0x2d: {  	v5 =	vld [tilespmem:s21+$0xFFFFFC30];
	v16 =	vshrl.u32 v10, $0xF;
	v17 =	vshrl.u32 v11, $0xF;
	v18 =	vand.u32 $0x7FFFFFFF, v14  }
0x2e: {  	v7 =	vld [tilespmem:s21+$0xFFFFFC40];
	v14 =	vshrl.u32 v14, $0xF;
	v61 =	vand.u32 $0x7FFFFFFF, v15;
	vm0 =	vgt.s32 v1, v6  }
0x2f: {  	v15 =	vshrl.u32 v15, $0xF;
	v1 =	vsel vm0, v1, v6;
	v6 =	vand.u32 $0x7FFFFFFF, v3  }
0x30: {  	v8 =	vld [tilespmem:s21+$0xFFFFFC50];
	v2 =	vand.u32 $0xFFFF, v2;
	v3 =	vshrl.u32 v3, $0xF;
	v1 =	vmax.u32 v1, v6  }
0x31: {  	v9 =	vld [tilespmem:s21+$0xFFFFFC60];
	v6 =	vand.u32 $0x7FFFFFFF, v4;
	v4 =	vshrl.u32 v4, $0xF;
	v3 =	vand.u32 $0xFFFF, v3  }
0x32: {  	v1 =	vmax.u32 v1, v6;
	v6 =	vand.u32 $0x7FFFFFFF, v5;
	v5 =	vshrl.u32 v5, $0xF  }
0x33: {  	v4 =	vand.u32 $0xFFFF, v4;
	v1 =	vmax.u32 v1, v6;
	v6 =	vand.u32 $0x7FFFFFFF, v7  }
0x34: {  	v12 =	vld [tilespmem:s21+$0x10];
	v7 =	vshrl.u32 v7, $0xF;
	v5 =	vand.u32 $0xFFFF, v5;
	v1 =	vmax.u32 v1, v6  }
0x35: {  	v13 =	vld [tilespmem:s21+$0x20];
	v6 =	vand.u32 $0x7FFFFFFF, v8;
	v8 =	vshrl.u32 v8, $0xF;
	v20 =	vand.u32 $0xFFFF, v7  }
0x36: {  	v1 =	vmax.u32 v1, v6;
	v6 =	vand.u32 $0x7FFFFFFF, v9;
	v9 =	vshrl.u32 v9, $0xF  }
0x37: {  	v63 =	vand.u32 $0xFFFF, v8;
	v1 =	vmax.u32 v1, v6;
	v6 =	vand.u32 $0x7FFFFFFF, v10;
	v10 =	vld [tilespmem:s21+$0x50]  }
0x38: {  	v8 =	vand.u32 $0xFFFF, v17;
	v1 =	vmax.u32 v1, v6;
	v6 =	vand.u32 $0x7FFFFFFF, v11;
	v11 =	vld [tilespmem:s21+$0x60]  }
0x39: {  	[tilespmem:v4+s13+$0x0] =	vst.idx.add.s32.msk $0xffff, v0;
	v4 =	vand.u32 $0xFFFF, v15;
	v1 =	vmax.u32 v1, v6;
	v6 =	vand.u32 $0x7FFFFFFF, v12  }
0x3a: {  	v12 =	vshrl.u32 v12, $0xF;
	[tilespmem:v5+s13+$0x0] =	vst.idx.add.s32.msk $0xffff, v0;
	v1 =	vmax.u32 v1, v6;
	v6 =	vand.u32 $0x7FFFFFFF, v13  }
0x3b: {  	v5 =	vand.u32 $0xFFFF, v14;
	v13 =	vshrl.u32 v13, $0xF;
	v1 =	vmax.u32 v1, v6;
	v6 =	vld [tilespmem:s21+$0x70]  }
0x3c: {  	v7 =	vand.u32 $0xFFFF, v12;
	v1 =	vmax.u32 v1, v18;
	v62 =	vand.u32 $0x7FFFFFFF, v10  }
0x3d: {  	[tilespmem:v2+s13+$0x0] =	vst.idx.add.s32.msk $0xffff, v0;
	v19 =	vshrl.u32 v10, $0xF;
	v1 =	vmax.u32 v1, v61;
	v2 =	vand.u32 $0x7FFFFFFF, v11  }
0x3e: {  	v21 =	vshrl.u32 v11, $0xF;
	v11 =	vand.u32 $0xFFFF, v9;
	v1 =	vmax.u32 v1, v62  }
0x3f: {  	[tilespmem:v3+s13+$0x0] =	vst.idx.add.s32.msk $0xffff, v0;
	v9 =	vand.u32 $0xFFFF, v16;
	v3 =	vand.u32 $0xFFFF, v19;
	v1 =	vmax.u32 v1, v2  }
0x40: {  	[tilespmem:v20+s13+$0x0] =	vst.idx.add.s32.msk $0xffff, v0;
	v2 =	vand.u32 $0x7FFFFFFF, v6;
	v22 =	vshrl.u32 v6, $0xF;
	v6 =	vand.u32 $0xFFFF, v13  }
0x41: {  	s22 =	simm.s32 $0x0;
	s23 =	simm.s32 $0xC00;
	s21 =	simm.s32 $0x480;
	[tilespmem:v63+s13+$0x0] =	vst.idx.add.s32.msk $0xffff, v0;
	v10 =	vmax.u32 v1, v2;
	v2 =	vand.u32 $0xFFFF, v21;
	v1 =	vand.u32 $0xFFFF, v22  }
.LBB2_5:
0x42: {  	v12 =	vld [tilespmem:s23+$0xFFFFFC00];
	s22 =	sadd.s32 $0x10, s22  }
0x43: {  	p0 =	slt.u32 s22, $0x70;
	[tilespmem:v11+s13+$0x0] =	vst.idx.add.s32.msk $0xffff, v0  }
0x44: {  	v11 =	vld [tilespmem:s23+$0xFFFFFC10]  }
0x45: {  	v13 =	vld [tilespmem:s23+$0xFFFFFC20]  }
0x46: {  	v14 =	vld [tilespmem:s23+$0xFFFFFC30]  }
0x47: {  	v15 =	vand.u32 $0x7FFFFFFF, v12;
	v12 =	vshrl.u32 v12, $0xF;
	v16 =	vld [tilespmem:s23+$0xFFFFFC40]  }
0x48: {  	v12 =	vand.u32 $0xFFFF, v12;
	vm0 =	vgt.s32 v10, v15;
	v17 =	vld [tilespmem:s23+$0xFFFFFC50]  }
0x49: {  	v10 =	vsel vm0, v10, v15;
	v15 =	vand.u32 $0x7FFFFFFF, v11;
	v11 =	vshrl.u32 v11, $0xF;
	v18 =	vld [tilespmem:s23+$0xFFFFFC60]  }
0x4a: {  	v10 =	vmax.u32 v10, v15;
	v15 =	vand.u32 $0x7FFFFFFF, v13;
	v13 =	vshrl.u32 v13, $0xF;
	v19 =	vld [tilespmem:s23+$0xFFFFFC70]  }
0x4b: {  	v10 =	vmax.u32 v10, v15;
	v15 =	vand.u32 $0x7FFFFFFF, v14;
	v14 =	vshrl.u32 v14, $0xF;
	v20 =	vld [tilespmem:s23+$0x0]  }
0x4c: {  	v10 =	vmax.u32 v10, v15;
	v15 =	vand.u32 $0x7FFFFFFF, v16;
	v16 =	vshrl.u32 v16, $0xF;
	v21 =	vld [tilespmem:s23+$0x10]  }
0x4d: {  	v10 =	vmax.u32 v10, v15;
	v15 =	vand.u32 $0x7FFFFFFF, v17;
	v17 =	vshrl.u32 v17, $0xF;
	v22 =	vld [tilespmem:s23+$0x20]  }
0x4e: {  	v10 =	vmax.u32 v10, v15;
	v15 =	vand.u32 $0x7FFFFFFF, v18;
	v18 =	vshrl.u32 v18, $0xF;
	v23 =	vld [tilespmem:s23+$0x30]  }
0x4f: {  	v10 =	vmax.u32 v10, v15;
	v15 =	vand.u32 $0x7FFFFFFF, v19;
	v19 =	vshrl.u32 v19, $0xF;
	v24 =	vld [tilespmem:s23+$0x40]  }
0x50: {  	v10 =	vmax.u32 v10, v15;
	v15 =	vand.u32 $0x7FFFFFFF, v20;
	v20 =	vshrl.u32 v20, $0xF;
	v25 =	vld [tilespmem:s23+$0x50]  }
0x51: {  	v10 =	vmax.u32 v10, v15;
	v15 =	vand.u32 $0x7FFFFFFF, v21;
	v21 =	vshrl.u32 v21, $0xF;
	v26 =	vld [tilespmem:s23+$0x60]  }
0x52: {  	v10 =	vmax.u32 v10, v15;
	v15 =	vand.u32 $0x7FFFFFFF, v22;
	v22 =	vshrl.u32 v22, $0xF;
	v27 =	vld [tilespmem:s23+$0x70]  }
0x53: {  	[tilespmem:v12+s13+$0x0] =	vst.idx.add.s32.msk $0xffff, v0;
	v10 =	vmax.u32 v10, v15;
	v12 =	vand.u32 $0x7FFFFFFF, v23;
	v15 =	vshrl.u32 v23, $0xF  }
0x54: {  	v10 =	vmax.u32 v10, v12;
	v12 =	vand.u32 $0x7FFFFFFF, v24;
	v23 =	vshrl.u32 v24, $0xF;
	[tilespmem:v9+s13+$0x0] =	vst.idx.add.s32.msk $0xffff, v0  }
0x55: {  	v9 =	vmax.u32 v10, v12;
	v10 =	vand.u32 $0x7FFFFFFF, v25;
	v12 =	vshrl.u32 v25, $0xF;
	[tilespmem:v8+s13+$0x0] =	vst.idx.add.s32.msk $0xffff, v0  }
0x56: {  	v8 =	vmax.u32 v9, v10;
	v9 =	vand.u32 $0x7FFFFFFF, v26;
	v24 =	vshrl.u32 v26, $0xF;
	[tilespmem:v7+s13+$0x0] =	vst.idx.add.s32.msk $0xffff, v0  }
0x57: {  	v7 =	vmax.u32 v8, v9;
	v8 =	vand.u32 $0x7FFFFFFF, v27;
	v25 =	vshrl.u32 v27, $0xF;
	[tilespmem:v6+s13+$0x0] =	vst.idx.add.s32.msk $0xffff, v0  }
0x58: {  	v13 =	vand.u32 $0xFFFF, v13;
	v26 =	vand.u32 $0xFFFF, v11;
	v10 =	vmax.u32 v7, v8;
	[tilespmem:v5+s13+$0x0] =	vst.idx.add.s32.msk $0xffff, v0  }
0x59: {  	v14 =	vand.u32 $0xFFFF, v14;
	v16 =	vand.u32 $0xFFFF, v16;
	v17 =	vand.u32 $0xFFFF, v17;
	[tilespmem:v4+s13+$0x0] =	vst.idx.add.s32.msk $0xffff, v0  }
0x5a: {  	v11 =	vand.u32 $0xFFFF, v18;
	v9 =	vand.u32 $0xFFFF, v19;
	v8 =	vand.u32 $0xFFFF, v20;
	[tilespmem:v3+s13+$0x0] =	vst.idx.add.s32.msk $0xffff, v0  }
0x5b: {  	v6 =	vand.u32 $0xFFFF, v22;
	v7 =	vand.u32 $0xFFFF, v21;
	v5 =	vand.u32 $0xFFFF, v15;
	[tilespmem:v2+s13+$0x0] =	vst.idx.add.s32.msk $0xffff, v0  }
0x5c: {  	v4 =	vand.u32 $0xFFFF, v23;
	v3 =	vand.u32 $0xFFFF, v12;
	v2 =	vand.u32 $0xFFFF, v24;
	[tilespmem:v1+s13+$0x0] =	vst.idx.add.s32.msk $0xffff, v0  }
.Ltmp1:
0x5d: {  	v1 =	vand.u32 $0xFFFF, v25;
	[tilespmem:v26+s13+$0x0] =	vst.idx.add.s32.msk $0xffff, v0;
	(pc) =	sbr.rel @p0 .LBB2_5-.Ltmp1, $4  }
0x5e: {  	[tilespmem:v13+s13+$0x0] =	vst.idx.add.s32.msk $0xffff, v0  }
0x5f: {  	[tilespmem:v14+s13+$0x0] =	vst.idx.add.s32.msk $0xffff, v0  }
0x60: {  	[tilespmem:v16+s13+$0x0] =	vst.idx.add.s32.msk $0xffff, v0  }
0x61: {  	s23 =	sadd.s32 $0x800, s23;
	[tilespmem:v17+s13+$0x0] =	vst.idx.add.s32.msk $0xffff, v0  }
0x62: {  	_ =	sdelay $0x3  }
0x63: {  	[tilespmem:v11+s13+$0x0] =	vst.idx.add.s32.msk $0xffff, v0  }
0x64: {  	[tilespmem:v9+s13+$0x0] =	vst.idx.add.s32.msk $0xffff, v0  }
0x65: {  	[tilespmem:v8+s13+$0x0] =	vst.idx.add.s32.msk $0xffff, v0  }
0x66: {  	[tilespmem:v7+s13+$0x0] =	vst.idx.add.s32.msk $0xffff, v0  }
0x67: {  	[tilespmem:v6+s13+$0x0] =	vst.idx.add.s32.msk $0xffff, v0  }
0x68: {  	[tilespmem:v5+s13+$0x0] =	vst.idx.add.s32.msk $0xffff, v0  }
0x69: {  	[tilespmem:v4+s13+$0x0] =	vst.idx.add.s32.msk $0xffff, v0  }
0x6a: {  	[tilespmem:v3+s13+$0x0] =	vst.idx.add.s32.msk $0xffff, v0  }
0x6b: {  	[tilespmem:v2+s13+$0x0] =	vst.idx.add.s32.msk $0xffff, v0  }
0x6c: {  	[tilespmem:v1+s13+$0x0] =	vst.idx.add.s32.msk $0xffff, v0  }
0x6d: {  	v1 =	vld [tilespmem:s21+$0xFFFFFC00]  }
0x6e: {  	v2 =	vld [tilespmem:s21+$0xFFFFFC10]  }
0x6f: {  	v11 =	vld [tilespmem:s21+$0x0]  }
0x70: {  	v14 =	vld [tilespmem:s21+$0x30]  }
0x71: {  	v15 =	vld [tilespmem:s21+$0x40]  }
0x72: {  	v3 =	vld [tilespmem:s21+$0xFFFFFC20]  }
0x73: {  	v5 =	vand.u32 $0x7FFFFFFF, v1;
	v1 =	vshrl.u32 v1, $0xF  }
0x74: {  	v4 =	vld [tilespmem:s21+$0xFFFFFC30];
	v8 =	vand.u32 $0x7FFFFFFF, v2;
	v2 =	vshrl.u32 v2, $0xF;
	v17 =	vshrl.u32 v11, $0xF  }
0x75: {  	v6 =	vld [tilespmem:s21+$0xFFFFFC40];
	v18 =	vand.u32 $0x7FFFFFFF, v14;
	v14 =	vshrl.u32 v14, $0xF;
	vm0 =	vgt.s32 v10, v5  }
0x76: {  	v7 =	vld [tilespmem:s21+$0xFFFFFC50];
	v61 =	vand.u32 $0x7FFFFFFF, v15;
	v15 =	vshrl.u32 v15, $0xF;
	v5 =	vsel vm0, v10, v5  }
0x77: {  	v9 =	vld [tilespmem:s21+$0xFFFFFC60];
	v1 =	vand.u32 $0xFFFF, v1;
	v5 =	vmax.u32 v5, v8;
	v8 =	vand.u32 $0x7FFFFFFF, v3  }
0x78: {  	v2 =	vand.u32 $0xFFFF, v2;
	v10 =	vld [tilespmem:s21+$0xFFFFFC70];
	v3 =	vshrl.u32 v3, $0xF;
	v5 =	vmax.u32 v5, v8  }
0x79: {  	v8 =	vand.u32 $0x7FFFFFFF, v4;
	v4 =	vshrl.u32 v4, $0xF;
	v3 =	vand.u32 $0xFFFF, v3  }
0x7a: {  	v5 =	vmax.u32 v5, v8;
	v8 =	vand.u32 $0x7FFFFFFF, v6;
	v6 =	vshrl.u32 v6, $0xF  }
0x7b: {  	v12 =	vld [tilespmem:s21+$0x10];
	v4 =	vand.u32 $0xFFFF, v4;
	v5 =	vmax.u32 v5, v8;
	v8 =	vand.u32 $0x7FFFFFFF, v7  }
0x7c: {  	v13 =	vld [tilespmem:s21+$0x20];
	v7 =	vshrl.u32 v7, $0xF;
	v5 =	vmax.u32 v5, v8;
	v8 =	vand.u32 $0x7FFFFFFF, v9  }
0x7d: {  	v20 =	vand.u32 $0xFFFF, v6;
	v5 =	vmax.u32 v5, v8;
	v8 =	vand.u32 $0x7FFFFFFF, v10  }
0x7e: {  	v16 =	vshrl.u32 v10, $0xF;
	v10 =	vld [tilespmem:s21+$0x50];
	v5 =	vmax.u32 v5, v8;
	v8 =	vand.u32 $0x7FFFFFFF, v11  }
0x7f: {  	v9 =	vshrl.u32 v9, $0xF;
	v63 =	vand.u32 $0xFFFF, v7;
	v11 =	vld [tilespmem:s21+$0x60];
	v5 =	vmax.u32 v5, v8  }
0x80: {  	v8 =	vand.u32 $0x7FFFFFFF, v12;
	v12 =	vshrl.u32 v12, $0xF;
	[tilespmem:v4+s13+$0x0] =	vst.idx.add.s32.msk $0xffff, v0;
	v4 =	vand.u32 $0xFFFF, v15  }
0x81: {  	v5 =	vmax.u32 v5, v8;
	v8 =	vand.u32 $0x7FFFFFFF, v13;
	v13 =	vshrl.u32 v13, $0xF  }
0x82: {  	v7 =	vand.u32 $0xFFFF, v12;
	v5 =	vmax.u32 v5, v8;
	v8 =	vld [tilespmem:s21+$0x70];
	v6 =	vand.u32 $0xFFFF, v13  }
0x83: {  	v5 =	vmax.u32 v5, v18;
	v62 =	vand.u32 $0x7FFFFFFF, v10;
	v19 =	vshrl.u32 v10, $0xF  }
0x84: {  	[tilespmem:v3+s13+$0x0] =	vst.idx.add.s32.msk $0xffff, v0;
	v5 =	vmax.u32 v5, v61;
	v21 =	vshrl.u32 v11, $0xF;
	v3 =	vand.u32 $0xFFFF, v19  }
0x85: {  	[tilespmem:v1+s13+$0x0] =	vst.idx.add.s32.msk $0xffff, v0;
	v1 =	vmax.u32 v5, v62;
	v5 =	vand.u32 $0x7FFFFFFF, v11;
	v11 =	vand.u32 $0xFFFF, v9  }
0x86: {  	[tilespmem:v2+s13+$0x0] =	vst.idx.add.s32.msk $0xffff, v0;
	v9 =	vand.u32 $0xFFFF, v16;
	v2 =	vand.u32 $0xFFFF, v21;
	v1 =	vmax.u32 v1, v5  }
0x87: {  	[tilespmem:v20+s13+$0x0] =	vst.idx.add.s32.msk $0xffff, v0;
	v5 =	vand.u32 $0x7FFFFFFF, v8;
	v22 =	vshrl.u32 v8, $0xF;
	v8 =	vand.u32 $0xFFFF, v17  }
0x88: {  	s22 =	simm.s32 $0x0;
	s23 =	simm.s32 $0xC80;
	s21 =	simm.s32 $0x500;
	[tilespmem:v63+s13+$0x0] =	vst.idx.add.s32.msk $0xffff, v0;
	v10 =	vmax.u32 v1, v5;
	v5 =	vand.u32 $0xFFFF, v14;
	v1 =	vand.u32 $0xFFFF, v22  }
.LBB2_7:
0x89: {  	v12 =	vld [tilespmem:s23+$0xFFFFFC00];
	s22 =	sadd.s32 $0x10, s22  }
0x8a: {  	p0 =	slt.u32 s22, $0x70;
	[tilespmem:v11+s13+$0x0] =	vst.idx.add.s32.msk $0xffff, v0  }
0x8b: {  	v11 =	vld [tilespmem:s23+$0xFFFFFC10]  }
0x8c: {  	v13 =	vld [tilespmem:s23+$0xFFFFFC20]  }
0x8d: {  	v14 =	vld [tilespmem:s23+$0xFFFFFC30]  }
0x8e: {  	v15 =	vand.u32 $0x7FFFFFFF, v12;
	v12 =	vshrl.u32 v12, $0xF;
	v16 =	vld [tilespmem:s23+$0xFFFFFC40]  }
0x8f: {  	v12 =	vand.u32 $0xFFFF, v12;
	vm0 =	vgt.s32 v10, v15;
	v17 =	vld [tilespmem:s23+$0xFFFFFC50]  }
0x90: {  	v10 =	vsel vm0, v10, v15;
	v15 =	vand.u32 $0x7FFFFFFF, v11;
	v11 =	vshrl.u32 v11, $0xF;
	v18 =	vld [tilespmem:s23+$0xFFFFFC60]  }
0x91: {  	v10 =	vmax.u32 v10, v15;
	v15 =	vand.u32 $0x7FFFFFFF, v13;
	v13 =	vshrl.u32 v13, $0xF;
	v19 =	vld [tilespmem:s23+$0xFFFFFC70]  }
0x92: {  	v10 =	vmax.u32 v10, v15;
	v15 =	vand.u32 $0x7FFFFFFF, v14;
	v14 =	vshrl.u32 v14, $0xF;
	v20 =	vld [tilespmem:s23+$0x0]  }
0x93: {  	v10 =	vmax.u32 v10, v15;
	v15 =	vand.u32 $0x7FFFFFFF, v16;
	v16 =	vshrl.u32 v16, $0xF;
	v21 =	vld [tilespmem:s23+$0x10]  }
0x94: {  	v10 =	vmax.u32 v10, v15;
	v15 =	vand.u32 $0x7FFFFFFF, v17;
	v17 =	vshrl.u32 v17, $0xF;
	v22 =	vld [tilespmem:s23+$0x20]  }
0x95: {  	v10 =	vmax.u32 v10, v15;
	v15 =	vand.u32 $0x7FFFFFFF, v18;
	v18 =	vshrl.u32 v18, $0xF;
	v23 =	vld [tilespmem:s23+$0x30]  }
0x96: {  	v10 =	vmax.u32 v10, v15;
	v15 =	vand.u32 $0x7FFFFFFF, v19;
	v19 =	vshrl.u32 v19, $0xF;
	v24 =	vld [tilespmem:s23+$0x40]  }
0x97: {  	v10 =	vmax.u32 v10, v15;
	v15 =	vand.u32 $0x7FFFFFFF, v20;
	v20 =	vshrl.u32 v20, $0xF;
	v25 =	vld [tilespmem:s23+$0x50]  }
0x98: {  	v10 =	vmax.u32 v10, v15;
	v15 =	vand.u32 $0x7FFFFFFF, v21;
	v21 =	vshrl.u32 v21, $0xF;
	v26 =	vld [tilespmem:s23+$0x60]  }
0x99: {  	v10 =	vmax.u32 v10, v15;
	v15 =	vand.u32 $0x7FFFFFFF, v22;
	v22 =	vshrl.u32 v22, $0xF;
	v27 =	vld [tilespmem:s23+$0x70]  }
0x9a: {  	[tilespmem:v12+s13+$0x0] =	vst.idx.add.s32.msk $0xffff, v0;
	v10 =	vmax.u32 v10, v15;
	v12 =	vand.u32 $0x7FFFFFFF, v23;
	v15 =	vshrl.u32 v23, $0xF  }
0x9b: {  	v10 =	vmax.u32 v10, v12;
	v12 =	vand.u32 $0x7FFFFFFF, v24;
	v23 =	vshrl.u32 v24, $0xF;
	[tilespmem:v9+s13+$0x0] =	vst.idx.add.s32.msk $0xffff, v0  }
0x9c: {  	v9 =	vmax.u32 v10, v12;
	v10 =	vand.u32 $0x7FFFFFFF, v25;
	v12 =	vshrl.u32 v25, $0xF;
	[tilespmem:v8+s13+$0x0] =	vst.idx.add.s32.msk $0xffff, v0  }
0x9d: {  	v8 =	vmax.u32 v9, v10;
	v9 =	vand.u32 $0x7FFFFFFF, v26;
	v24 =	vshrl.u32 v26, $0xF;
	[tilespmem:v7+s13+$0x0] =	vst.idx.add.s32.msk $0xffff, v0  }
0x9e: {  	v7 =	vmax.u32 v8, v9;
	v8 =	vand.u32 $0x7FFFFFFF, v27;
	v25 =	vshrl.u32 v27, $0xF;
	[tilespmem:v6+s13+$0x0] =	vst.idx.add.s32.msk $0xffff, v0  }
0x9f: {  	v13 =	vand.u32 $0xFFFF, v13;
	v26 =	vand.u32 $0xFFFF, v11;
	v10 =	vmax.u32 v7, v8;
	[tilespmem:v5+s13+$0x0] =	vst.idx.add.s32.msk $0xffff, v0  }
0xa0: {  	v14 =	vand.u32 $0xFFFF, v14;
	v16 =	vand.u32 $0xFFFF, v16;
	v17 =	vand.u32 $0xFFFF, v17;
	[tilespmem:v4+s13+$0x0] =	vst.idx.add.s32.msk $0xffff, v0  }
0xa1: {  	v11 =	vand.u32 $0xFFFF, v18;
	v9 =	vand.u32 $0xFFFF, v19;
	v8 =	vand.u32 $0xFFFF, v20;
	[tilespmem:v3+s13+$0x0] =	vst.idx.add.s32.msk $0xffff, v0  }
0xa2: {  	v6 =	vand.u32 $0xFFFF, v22;
	v7 =	vand.u32 $0xFFFF, v21;
	v5 =	vand.u32 $0xFFFF, v15;
	[tilespmem:v2+s13+$0x0] =	vst.idx.add.s32.msk $0xffff, v0  }
0xa3: {  	v4 =	vand.u32 $0xFFFF, v23;
	v3 =	vand.u32 $0xFFFF, v12;
	v2 =	vand.u32 $0xFFFF, v24;
	[tilespmem:v1+s13+$0x0] =	vst.idx.add.s32.msk $0xffff, v0  }
.Ltmp2:
0xa4: {  	v1 =	vand.u32 $0xFFFF, v25;
	[tilespmem:v26+s13+$0x0] =	vst.idx.add.s32.msk $0xffff, v0;
	(pc) =	sbr.rel @p0 .LBB2_7-.Ltmp2, $4  }
0xa5: {  	[tilespmem:v13+s13+$0x0] =	vst.idx.add.s32.msk $0xffff, v0  }
0xa6: {  	[tilespmem:v14+s13+$0x0] =	vst.idx.add.s32.msk $0xffff, v0  }
0xa7: {  	[tilespmem:v16+s13+$0x0] =	vst.idx.add.s32.msk $0xffff, v0  }
0xa8: {  	s23 =	sadd.s32 $0x800, s23;
	[tilespmem:v17+s13+$0x0] =	vst.idx.add.s32.msk $0xffff, v0  }
0xa9: {  	_ =	sdelay $0x3  }
0xaa: {  	[tilespmem:v11+s13+$0x0] =	vst.idx.add.s32.msk $0xffff, v0  }
0xab: {  	[tilespmem:v9+s13+$0x0] =	vst.idx.add.s32.msk $0xffff, v0  }
0xac: {  	[tilespmem:v8+s13+$0x0] =	vst.idx.add.s32.msk $0xffff, v0  }
0xad: {  	[tilespmem:v7+s13+$0x0] =	vst.idx.add.s32.msk $0xffff, v0  }
0xae: {  	[tilespmem:v6+s13+$0x0] =	vst.idx.add.s32.msk $0xffff, v0  }
0xaf: {  	[tilespmem:v5+s13+$0x0] =	vst.idx.add.s32.msk $0xffff, v0  }
0xb0: {  	[tilespmem:v4+s13+$0x0] =	vst.idx.add.s32.msk $0xffff, v0  }
0xb1: {  	[tilespmem:v3+s13+$0x0] =	vst.idx.add.s32.msk $0xffff, v0  }
0xb2: {  	[tilespmem:v2+s13+$0x0] =	vst.idx.add.s32.msk $0xffff, v0  }
0xb3: {  	[tilespmem:v1+s13+$0x0] =	vst.idx.add.s32.msk $0xffff, v0  }
0xb4: {  	v1 =	vld [tilespmem:s21+$0xFFFFFC00]  }
0xb5: {  	v2 =	vld [tilespmem:s21+$0xFFFFFC10]  }
0xb6: {  	v11 =	vld [tilespmem:s21+$0x0]  }
0xb7: {  	v14 =	vld [tilespmem:s21+$0x30]  }
0xb8: {  	v15 =	vld [tilespmem:s21+$0x40]  }
0xb9: {  	v3 =	vld [tilespmem:s21+$0xFFFFFC20]  }
0xba: {  	v5 =	vand.u32 $0x7FFFFFFF, v1;
	v1 =	vshrl.u32 v1, $0xF  }
0xbb: {  	v4 =	vld [tilespmem:s21+$0xFFFFFC30];
	v8 =	vand.u32 $0x7FFFFFFF, v2;
	v2 =	vshrl.u32 v2, $0xF;
	v17 =	vshrl.u32 v11, $0xF  }
0xbc: {  	v6 =	vld [tilespmem:s21+$0xFFFFFC40];
	v18 =	vand.u32 $0x7FFFFFFF, v14;
	v14 =	vshrl.u32 v14, $0xF;
	vm0 =	vgt.s32 v10, v5  }
0xbd: {  	v7 =	vld [tilespmem:s21+$0xFFFFFC50];
	v61 =	vand.u32 $0x7FFFFFFF, v15;
	v15 =	vshrl.u32 v15, $0xF;
	v5 =	vsel vm0, v10, v5  }
0xbe: {  	v9 =	vld [tilespmem:s21+$0xFFFFFC60];
	v1 =	vand.u32 $0xFFFF, v1;
	v5 =	vmax.u32 v5, v8;
	v8 =	vand.u32 $0x7FFFFFFF, v3  }
0xbf: {  	v2 =	vand.u32 $0xFFFF, v2;
	v10 =	vld [tilespmem:s21+$0xFFFFFC70];
	v3 =	vshrl.u32 v3, $0xF;
	v5 =	vmax.u32 v5, v8  }
0xc0: {  	v8 =	vand.u32 $0x7FFFFFFF, v4;
	v4 =	vshrl.u32 v4, $0xF;
	v3 =	vand.u32 $0xFFFF, v3  }
0xc1: {  	v5 =	vmax.u32 v5, v8;
	v8 =	vand.u32 $0x7FFFFFFF, v6;
	v6 =	vshrl.u32 v6, $0xF  }
0xc2: {  	v12 =	vld [tilespmem:s21+$0x10];
	v4 =	vand.u32 $0xFFFF, v4;
	v5 =	vmax.u32 v5, v8;
	v8 =	vand.u32 $0x7FFFFFFF, v7  }
0xc3: {  	v13 =	vld [tilespmem:s21+$0x20];
	v7 =	vshrl.u32 v7, $0xF;
	v5 =	vmax.u32 v5, v8;
	v8 =	vand.u32 $0x7FFFFFFF, v9  }
0xc4: {  	v20 =	vand.u32 $0xFFFF, v6;
	v5 =	vmax.u32 v5, v8;
	v8 =	vand.u32 $0x7FFFFFFF, v10  }
0xc5: {  	v16 =	vshrl.u32 v10, $0xF;
	v10 =	vld [tilespmem:s21+$0x50];
	v5 =	vmax.u32 v5, v8;
	v8 =	vand.u32 $0x7FFFFFFF, v11  }
0xc6: {  	v9 =	vshrl.u32 v9, $0xF;
	v63 =	vand.u32 $0xFFFF, v7;
	v11 =	vld [tilespmem:s21+$0x60];
	v5 =	vmax.u32 v5, v8  }
0xc7: {  	v8 =	vand.u32 $0x7FFFFFFF, v12;
	v12 =	vshrl.u32 v12, $0xF;
	[tilespmem:v4+s13+$0x0] =	vst.idx.add.s32.msk $0xffff, v0;
	v4 =	vand.u32 $0xFFFF, v15  }
0xc8: {  	v5 =	vmax.u32 v5, v8;
	v8 =	vand.u32 $0x7FFFFFFF, v13;
	v13 =	vshrl.u32 v13, $0xF  }
0xc9: {  	v7 =	vand.u32 $0xFFFF, v12;
	v5 =	vmax.u32 v5, v8;
	v8 =	vld [tilespmem:s21+$0x70];
	v6 =	vand.u32 $0xFFFF, v13  }
0xca: {  	v5 =	vmax.u32 v5, v18;
	v62 =	vand.u32 $0x7FFFFFFF, v10;
	v19 =	vshrl.u32 v10, $0xF  }
0xcb: {  	[tilespmem:v3+s13+$0x0] =	vst.idx.add.s32.msk $0xffff, v0;
	v5 =	vmax.u32 v5, v61;
	v21 =	vshrl.u32 v11, $0xF;
	v3 =	vand.u32 $0xFFFF, v19  }
0xcc: {  	[tilespmem:v1+s13+$0x0] =	vst.idx.add.s32.msk $0xffff, v0;
	v1 =	vmax.u32 v5, v62;
	v5 =	vand.u32 $0x7FFFFFFF, v11;
	v11 =	vand.u32 $0xFFFF, v9  }
0xcd: {  	[tilespmem:v2+s13+$0x0] =	vst.idx.add.s32.msk $0xffff, v0;
	v9 =	vand.u32 $0xFFFF, v16;
	v2 =	vand.u32 $0xFFFF, v21;
	v1 =	vmax.u32 v1, v5  }
0xce: {  	[tilespmem:v20+s13+$0x0] =	vst.idx.add.s32.msk $0xffff, v0;
	v5 =	vand.u32 $0x7FFFFFFF, v8;
	v22 =	vshrl.u32 v8, $0xF;
	v8 =	vand.u32 $0xFFFF, v17  }
0xcf: {  	s22 =	simm.s32 $0x0;
	s23 =	simm.s32 $0xD00;
	s21 =	simm.s32 $0x580;
	[tilespmem:v63+s13+$0x0] =	vst.idx.add.s32.msk $0xffff, v0;
	v10 =	vmax.u32 v1, v5;
	v5 =	vand.u32 $0xFFFF, v14;
	v1 =	vand.u32 $0xFFFF, v22  }
.LBB2_9:
0xd0: {  	v12 =	vld [tilespmem:s23+$0xFFFFFC00];
	s22 =	sadd.s32 $0x10, s22  }
0xd1: {  	p0 =	slt.u32 s22, $0x70;
	[tilespmem:v11+s13+$0x0] =	vst.idx.add.s32.msk $0xffff, v0  }
0xd2: {  	v11 =	vld [tilespmem:s23+$0xFFFFFC10]  }
0xd3: {  	v13 =	vld [tilespmem:s23+$0xFFFFFC20]  }
0xd4: {  	v14 =	vld [tilespmem:s23+$0xFFFFFC30]  }
0xd5: {  	v15 =	vand.u32 $0x7FFFFFFF, v12;
	v12 =	vshrl.u32 v12, $0xF;
	v16 =	vld [tilespmem:s23+$0xFFFFFC40]  }
0xd6: {  	v12 =	vand.u32 $0xFFFF, v12;
	vm0 =	vgt.s32 v10, v15;
	v17 =	vld [tilespmem:s23+$0xFFFFFC50]  }
0xd7: {  	v10 =	vsel vm0, v10, v15;
	v15 =	vand.u32 $0x7FFFFFFF, v11;
	v11 =	vshrl.u32 v11, $0xF;
	v18 =	vld [tilespmem:s23+$0xFFFFFC60]  }
0xd8: {  	v10 =	vmax.u32 v10, v15;
	v15 =	vand.u32 $0x7FFFFFFF, v13;
	v13 =	vshrl.u32 v13, $0xF;
	v19 =	vld [tilespmem:s23+$0xFFFFFC70]  }
0xd9: {  	v10 =	vmax.u32 v10, v15;
	v15 =	vand.u32 $0x7FFFFFFF, v14;
	v14 =	vshrl.u32 v14, $0xF;
	v20 =	vld [tilespmem:s23+$0x0]  }
0xda: {  	v10 =	vmax.u32 v10, v15;
	v15 =	vand.u32 $0x7FFFFFFF, v16;
	v16 =	vshrl.u32 v16, $0xF;
	v21 =	vld [tilespmem:s23+$0x10]  }
0xdb: {  	v10 =	vmax.u32 v10, v15;
	v15 =	vand.u32 $0x7FFFFFFF, v17;
	v17 =	vshrl.u32 v17, $0xF;
	v22 =	vld [tilespmem:s23+$0x20]  }
0xdc: {  	v10 =	vmax.u32 v10, v15;
	v15 =	vand.u32 $0x7FFFFFFF, v18;
	v18 =	vshrl.u32 v18, $0xF;
	v23 =	vld [tilespmem:s23+$0x30]  }
0xdd: {  	v10 =	vmax.u32 v10, v15;
	v15 =	vand.u32 $0x7FFFFFFF, v19;
	v19 =	vshrl.u32 v19, $0xF;
	v24 =	vld [tilespmem:s23+$0x40]  }
0xde: {  	v10 =	vmax.u32 v10, v15;
	v15 =	vand.u32 $0x7FFFFFFF, v20;
	v20 =	vshrl.u32 v20, $0xF;
	v25 =	vld [tilespmem:s23+$0x50]  }
0xdf: {  	v10 =	vmax.u32 v10, v15;
	v15 =	vand.u32 $0x7FFFFFFF, v21;
	v21 =	vshrl.u32 v21, $0xF;
	v26 =	vld [tilespmem:s23+$0x60]  }
0xe0: {  	v10 =	vmax.u32 v10, v15;
	v15 =	vand.u32 $0x7FFFFFFF, v22;
	v22 =	vshrl.u32 v22, $0xF;
	v27 =	vld [tilespmem:s23+$0x70]  }
0xe1: {  	[tilespmem:v12+s13+$0x0] =	vst.idx.add.s32.msk $0xffff, v0;
	v10 =	vmax.u32 v10, v15;
	v12 =	vand.u32 $0x7FFFFFFF, v23;
	v15 =	vshrl.u32 v23, $0xF  }
0xe2: {  	v10 =	vmax.u32 v10, v12;
	v12 =	vand.u32 $0x7FFFFFFF, v24;
	v23 =	vshrl.u32 v24, $0xF;
	[tilespmem:v9+s13+$0x0] =	vst.idx.add.s32.msk $0xffff, v0  }
0xe3: {  	v9 =	vmax.u32 v10, v12;
	v10 =	vand.u32 $0x7FFFFFFF, v25;
	v12 =	vshrl.u32 v25, $0xF;
	[tilespmem:v8+s13+$0x0] =	vst.idx.add.s32.msk $0xffff, v0  }
0xe4: {  	v8 =	vmax.u32 v9, v10;
	v9 =	vand.u32 $0x7FFFFFFF, v26;
	v24 =	vshrl.u32 v26, $0xF;
	[tilespmem:v7+s13+$0x0] =	vst.idx.add.s32.msk $0xffff, v0  }
0xe5: {  	v7 =	vmax.u32 v8, v9;
	v8 =	vand.u32 $0x7FFFFFFF, v27;
	v25 =	vshrl.u32 v27, $0xF;
	[tilespmem:v6+s13+$0x0] =	vst.idx.add.s32.msk $0xffff, v0  }
0xe6: {  	v13 =	vand.u32 $0xFFFF, v13;
	v26 =	vand.u32 $0xFFFF, v11;
	v10 =	vmax.u32 v7, v8;
	[tilespmem:v5+s13+$0x0] =	vst.idx.add.s32.msk $0xffff, v0  }
0xe7: {  	v14 =	vand.u32 $0xFFFF, v14;
	v16 =	vand.u32 $0xFFFF, v16;
	v17 =	vand.u32 $0xFFFF, v17;
	[tilespmem:v4+s13+$0x0] =	vst.idx.add.s32.msk $0xffff, v0  }
0xe8: {  	v11 =	vand.u32 $0xFFFF, v18;
	v9 =	vand.u32 $0xFFFF, v19;
	v8 =	vand.u32 $0xFFFF, v20;
	[tilespmem:v3+s13+$0x0] =	vst.idx.add.s32.msk $0xffff, v0  }
0xe9: {  	v6 =	vand.u32 $0xFFFF, v22;
	v7 =	vand.u32 $0xFFFF, v21;
	v5 =	vand.u32 $0xFFFF, v15;
	[tilespmem:v2+s13+$0x0] =	vst.idx.add.s32.msk $0xffff, v0  }
0xea: {  	v4 =	vand.u32 $0xFFFF, v23;
	v3 =	vand.u32 $0xFFFF, v12;
	v2 =	vand.u32 $0xFFFF, v24;
	[tilespmem:v1+s13+$0x0] =	vst.idx.add.s32.msk $0xffff, v0  }
.Ltmp3:
0xeb: {  	v1 =	vand.u32 $0xFFFF, v25;
	[tilespmem:v26+s13+$0x0] =	vst.idx.add.s32.msk $0xffff, v0;
	(pc) =	sbr.rel @p0 .LBB2_9-.Ltmp3, $4  }
0xec: {  	[tilespmem:v13+s13+$0x0] =	vst.idx.add.s32.msk $0xffff, v0  }
0xed: {  	[tilespmem:v14+s13+$0x0] =	vst.idx.add.s32.msk $0xffff, v0  }
0xee: {  	[tilespmem:v16+s13+$0x0] =	vst.idx.add.s32.msk $0xffff, v0  }
0xef: {  	s23 =	sadd.s32 $0x800, s23;
	[tilespmem:v17+s13+$0x0] =	vst.idx.add.s32.msk $0xffff, v0  }
0xf0: {  	_ =	sdelay $0x3  }
0xf1: {  	[tilespmem:v11+s13+$0x0] =	vst.idx.add.s32.msk $0xffff, v0  }
0xf2: {  	[tilespmem:v9+s13+$0x0] =	vst.idx.add.s32.msk $0xffff, v0  }
0xf3: {  	[tilespmem:v8+s13+$0x0] =	vst.idx.add.s32.msk $0xffff, v0  }
0xf4: {  	[tilespmem:v7+s13+$0x0] =	vst.idx.add.s32.msk $0xffff, v0  }
0xf5: {  	[tilespmem:v6+s13+$0x0] =	vst.idx.add.s32.msk $0xffff, v0  }
0xf6: {  	[tilespmem:v5+s13+$0x0] =	vst.idx.add.s32.msk $0xffff, v0  }
0xf7: {  	[tilespmem:v4+s13+$0x0] =	vst.idx.add.s32.msk $0xffff, v0  }
0xf8: {  	[tilespmem:v3+s13+$0x0] =	vst.idx.add.s32.msk $0xffff, v0  }
0xf9: {  	[tilespmem:v2+s13+$0x0] =	vst.idx.add.s32.msk $0xffff, v0  }
0xfa: {  	[tilespmem:v1+s13+$0x0] =	vst.idx.add.s32.msk $0xffff, v0  }
0xfb: {  	v1 =	vld [tilespmem:s21+$0xFFFFFC00]  }
0xfc: {  	v2 =	vld [tilespmem:s21+$0xFFFFFC10]  }
0xfd: {  	v11 =	vld [tilespmem:s21+$0x0]  }
0xfe: {  	v14 =	vld [tilespmem:s21+$0x30]  }
0xff: {  	v15 =	vld [tilespmem:s21+$0x40]  }
0x100: {  	v3 =	vld [tilespmem:s21+$0xFFFFFC20]  }
0x101: {  	v5 =	vand.u32 $0x7FFFFFFF, v1;
	v1 =	vshrl.u32 v1, $0xF  }
0x102: {  	v4 =	vld [tilespmem:s21+$0xFFFFFC30];
	v8 =	vand.u32 $0x7FFFFFFF, v2;
	v2 =	vshrl.u32 v2, $0xF;
	v17 =	vshrl.u32 v11, $0xF  }
0x103: {  	v6 =	vld [tilespmem:s21+$0xFFFFFC40];
	v18 =	vand.u32 $0x7FFFFFFF, v14;
	v14 =	vshrl.u32 v14, $0xF;
	vm0 =	vgt.s32 v10, v5  }
0x104: {  	v7 =	vld [tilespmem:s21+$0xFFFFFC50];
	v61 =	vand.u32 $0x7FFFFFFF, v15;
	v15 =	vshrl.u32 v15, $0xF;
	v5 =	vsel vm0, v10, v5  }
0x105: {  	v9 =	vld [tilespmem:s21+$0xFFFFFC60];
	v1 =	vand.u32 $0xFFFF, v1;
	v5 =	vmax.u32 v5, v8;
	v8 =	vand.u32 $0x7FFFFFFF, v3  }
0x106: {  	v2 =	vand.u32 $0xFFFF, v2;
	v10 =	vld [tilespmem:s21+$0xFFFFFC70];
	v3 =	vshrl.u32 v3, $0xF;
	v5 =	vmax.u32 v5, v8  }
0x107: {  	v8 =	vand.u32 $0x7FFFFFFF, v4;
	v4 =	vshrl.u32 v4, $0xF;
	v3 =	vand.u32 $0xFFFF, v3  }
0x108: {  	v5 =	vmax.u32 v5, v8;
	v8 =	vand.u32 $0x7FFFFFFF, v6;
	v6 =	vshrl.u32 v6, $0xF  }
0x109: {  	v12 =	vld [tilespmem:s21+$0x10];
	v4 =	vand.u32 $0xFFFF, v4;
	v5 =	vmax.u32 v5, v8;
	v8 =	vand.u32 $0x7FFFFFFF, v7  }
0x10a: {  	v13 =	vld [tilespmem:s21+$0x20];
	v7 =	vshrl.u32 v7, $0xF;
	v5 =	vmax.u32 v5, v8;
	v8 =	vand.u32 $0x7FFFFFFF, v9  }
0x10b: {  	v20 =	vand.u32 $0xFFFF, v6;
	v5 =	vmax.u32 v5, v8;
	v8 =	vand.u32 $0x7FFFFFFF, v10  }
0x10c: {  	v16 =	vshrl.u32 v10, $0xF;
	v10 =	vld [tilespmem:s21+$0x50];
	v5 =	vmax.u32 v5, v8;
	v8 =	vand.u32 $0x7FFFFFFF, v11  }
0x10d: {  	v9 =	vshrl.u32 v9, $0xF;
	v63 =	vand.u32 $0xFFFF, v7;
	v11 =	vld [tilespmem:s21+$0x60];
	v5 =	vmax.u32 v5, v8  }
0x10e: {  	v8 =	vand.u32 $0x7FFFFFFF, v12;
	v12 =	vshrl.u32 v12, $0xF;
	[tilespmem:v4+s13+$0x0] =	vst.idx.add.s32.msk $0xffff, v0;
	v4 =	vand.u32 $0xFFFF, v15  }
0x10f: {  	v5 =	vmax.u32 v5, v8;
	v8 =	vand.u32 $0x7FFFFFFF, v13;
	v13 =	vshrl.u32 v13, $0xF  }
0x110: {  	v7 =	vand.u32 $0xFFFF, v12;
	v5 =	vmax.u32 v5, v8;
	v8 =	vld [tilespmem:s21+$0x70];
	v6 =	vand.u32 $0xFFFF, v13  }
0x111: {  	v5 =	vmax.u32 v5, v18;
	v62 =	vand.u32 $0x7FFFFFFF, v10;
	v19 =	vshrl.u32 v10, $0xF  }
0x112: {  	[tilespmem:v3+s13+$0x0] =	vst.idx.add.s32.msk $0xffff, v0;
	v5 =	vmax.u32 v5, v61;
	v21 =	vshrl.u32 v11, $0xF;
	v3 =	vand.u32 $0xFFFF, v19  }
0x113: {  	[tilespmem:v1+s13+$0x0] =	vst.idx.add.s32.msk $0xffff, v0;
	v1 =	vmax.u32 v5, v62;
	v5 =	vand.u32 $0x7FFFFFFF, v11;
	v11 =	vand.u32 $0xFFFF, v9  }
0x114: {  	[tilespmem:v2+s13+$0x0] =	vst.idx.add.s32.msk $0xffff, v0;
	v9 =	vand.u32 $0xFFFF, v16;
	v2 =	vand.u32 $0xFFFF, v21;
	v1 =	vmax.u32 v1, v5  }
0x115: {  	[tilespmem:v20+s13+$0x0] =	vst.idx.add.s32.msk $0xffff, v0;
	v5 =	vand.u32 $0x7FFFFFFF, v8;
	v22 =	vshrl.u32 v8, $0xF;
	v8 =	vand.u32 $0xFFFF, v17  }
0x116: {  	s22 =	simm.s32 $0x0;
	s23 =	simm.s32 $0xD80;
	s21 =	simm.s32 $0x600;
	[tilespmem:v63+s13+$0x0] =	vst.idx.add.s32.msk $0xffff, v0;
	v10 =	vmax.u32 v1, v5;
	v5 =	vand.u32 $0xFFFF, v14;
	v1 =	vand.u32 $0xFFFF, v22  }
.LBB2_11:
0x117: {  	v12 =	vld [tilespmem:s23+$0xFFFFFC00];
	s22 =	sadd.s32 $0x10, s22  }
0x118: {  	p0 =	slt.u32 s22, $0x70;
	[tilespmem:v11+s13+$0x0] =	vst.idx.add.s32.msk $0xffff, v0  }
0x119: {  	v11 =	vld [tilespmem:s23+$0xFFFFFC10]  }
0x11a: {  	v13 =	vld [tilespmem:s23+$0xFFFFFC20]  }
0x11b: {  	v14 =	vld [tilespmem:s23+$0xFFFFFC30]  }
0x11c: {  	v15 =	vand.u32 $0x7FFFFFFF, v12;
	v12 =	vshrl.u32 v12, $0xF;
	v16 =	vld [tilespmem:s23+$0xFFFFFC40]  }
0x11d: {  	v12 =	vand.u32 $0xFFFF, v12;
	vm0 =	vgt.s32 v10, v15;
	v17 =	vld [tilespmem:s23+$0xFFFFFC50]  }
0x11e: {  	v10 =	vsel vm0, v10, v15;
	v15 =	vand.u32 $0x7FFFFFFF, v11;
	v11 =	vshrl.u32 v11, $0xF;
	v18 =	vld [tilespmem:s23+$0xFFFFFC60]  }
0x11f: {  	v10 =	vmax.u32 v10, v15;
	v15 =	vand.u32 $0x7FFFFFFF, v13;
	v13 =	vshrl.u32 v13, $0xF;
	v19 =	vld [tilespmem:s23+$0xFFFFFC70]  }
0x120: {  	v10 =	vmax.u32 v10, v15;
	v15 =	vand.u32 $0x7FFFFFFF, v14;
	v14 =	vshrl.u32 v14, $0xF;
	v20 =	vld [tilespmem:s23+$0x0]  }
0x121: {  	v10 =	vmax.u32 v10, v15;
	v15 =	vand.u32 $0x7FFFFFFF, v16;
	v16 =	vshrl.u32 v16, $0xF;
	v21 =	vld [tilespmem:s23+$0x10]  }
0x122: {  	v10 =	vmax.u32 v10, v15;
	v15 =	vand.u32 $0x7FFFFFFF, v17;
	v17 =	vshrl.u32 v17, $0xF;
	v22 =	vld [tilespmem:s23+$0x20]  }
0x123: {  	v10 =	vmax.u32 v10, v15;
	v15 =	vand.u32 $0x7FFFFFFF, v18;
	v18 =	vshrl.u32 v18, $0xF;
	v23 =	vld [tilespmem:s23+$0x30]  }
0x124: {  	v10 =	vmax.u32 v10, v15;
	v15 =	vand.u32 $0x7FFFFFFF, v19;
	v19 =	vshrl.u32 v19, $0xF;
	v24 =	vld [tilespmem:s23+$0x40]  }
0x125: {  	v10 =	vmax.u32 v10, v15;
	v15 =	vand.u32 $0x7FFFFFFF, v20;
	v20 =	vshrl.u32 v20, $0xF;
	v25 =	vld [tilespmem:s23+$0x50]  }
0x126: {  	v10 =	vmax.u32 v10, v15;
	v15 =	vand.u32 $0x7FFFFFFF, v21;
	v21 =	vshrl.u32 v21, $0xF;
	v26 =	vld [tilespmem:s23+$0x60]  }
0x127: {  	v10 =	vmax.u32 v10, v15;
	v15 =	vand.u32 $0x7FFFFFFF, v22;
	v22 =	vshrl.u32 v22, $0xF;
	v27 =	vld [tilespmem:s23+$0x70]  }
0x128: {  	[tilespmem:v12+s13+$0x0] =	vst.idx.add.s32.msk $0xffff, v0;
	v10 =	vmax.u32 v10, v15;
	v12 =	vand.u32 $0x7FFFFFFF, v23;
	v15 =	vshrl.u32 v23, $0xF  }
0x129: {  	v10 =	vmax.u32 v10, v12;
	v12 =	vand.u32 $0x7FFFFFFF, v24;
	v23 =	vshrl.u32 v24, $0xF;
	[tilespmem:v9+s13+$0x0] =	vst.idx.add.s32.msk $0xffff, v0  }
0x12a: {  	v9 =	vmax.u32 v10, v12;
	v10 =	vand.u32 $0x7FFFFFFF, v25;
	v12 =	vshrl.u32 v25, $0xF;
	[tilespmem:v8+s13+$0x0] =	vst.idx.add.s32.msk $0xffff, v0  }
0x12b: {  	v8 =	vmax.u32 v9, v10;
	v9 =	vand.u32 $0x7FFFFFFF, v26;
	v24 =	vshrl.u32 v26, $0xF;
	[tilespmem:v7+s13+$0x0] =	vst.idx.add.s32.msk $0xffff, v0  }
0x12c: {  	v7 =	vmax.u32 v8, v9;
	v8 =	vand.u32 $0x7FFFFFFF, v27;
	v25 =	vshrl.u32 v27, $0xF;
	[tilespmem:v6+s13+$0x0] =	vst.idx.add.s32.msk $0xffff, v0  }
0x12d: {  	v13 =	vand.u32 $0xFFFF, v13;
	v26 =	vand.u32 $0xFFFF, v11;
	v10 =	vmax.u32 v7, v8;
	[tilespmem:v5+s13+$0x0] =	vst.idx.add.s32.msk $0xffff, v0  }
0x12e: {  	v14 =	vand.u32 $0xFFFF, v14;
	v16 =	vand.u32 $0xFFFF, v16;
	v17 =	vand.u32 $0xFFFF, v17;
	[tilespmem:v4+s13+$0x0] =	vst.idx.add.s32.msk $0xffff, v0  }
0x12f: {  	v11 =	vand.u32 $0xFFFF, v18;
	v9 =	vand.u32 $0xFFFF, v19;
	v8 =	vand.u32 $0xFFFF, v20;
	[tilespmem:v3+s13+$0x0] =	vst.idx.add.s32.msk $0xffff, v0  }
0x130: {  	v6 =	vand.u32 $0xFFFF, v22;
	v7 =	vand.u32 $0xFFFF, v21;
	v5 =	vand.u32 $0xFFFF, v15;
	[tilespmem:v2+s13+$0x0] =	vst.idx.add.s32.msk $0xffff, v0  }
0x131: {  	v4 =	vand.u32 $0xFFFF, v23;
	v3 =	vand.u32 $0xFFFF, v12;
	v2 =	vand.u32 $0xFFFF, v24;
	[tilespmem:v1+s13+$0x0] =	vst.idx.add.s32.msk $0xffff, v0  }
.Ltmp4:
0x132: {  	v1 =	vand.u32 $0xFFFF, v25;
	[tilespmem:v26+s13+$0x0] =	vst.idx.add.s32.msk $0xffff, v0;
	(pc) =	sbr.rel @p0 .LBB2_11-.Ltmp4, $4  }
0x133: {  	[tilespmem:v13+s13+$0x0] =	vst.idx.add.s32.msk $0xffff, v0  }
0x134: {  	[tilespmem:v14+s13+$0x0] =	vst.idx.add.s32.msk $0xffff, v0  }
0x135: {  	[tilespmem:v16+s13+$0x0] =	vst.idx.add.s32.msk $0xffff, v0  }
0x136: {  	s23 =	sadd.s32 $0x800, s23;
	[tilespmem:v17+s13+$0x0] =	vst.idx.add.s32.msk $0xffff, v0  }
0x137: {  	_ =	sdelay $0x3  }
0x138: {  	[tilespmem:v11+s13+$0x0] =	vst.idx.add.s32.msk $0xffff, v0  }
0x139: {  	[tilespmem:v9+s13+$0x0] =	vst.idx.add.s32.msk $0xffff, v0  }
0x13a: {  	[tilespmem:v8+s13+$0x0] =	vst.idx.add.s32.msk $0xffff, v0  }
0x13b: {  	[tilespmem:v7+s13+$0x0] =	vst.idx.add.s32.msk $0xffff, v0  }
0x13c: {  	[tilespmem:v6+s13+$0x0] =	vst.idx.add.s32.msk $0xffff, v0  }
0x13d: {  	[tilespmem:v5+s13+$0x0] =	vst.idx.add.s32.msk $0xffff, v0  }
0x13e: {  	[tilespmem:v4+s13+$0x0] =	vst.idx.add.s32.msk $0xffff, v0  }
0x13f: {  	[tilespmem:v3+s13+$0x0] =	vst.idx.add.s32.msk $0xffff, v0  }
0x140: {  	[tilespmem:v2+s13+$0x0] =	vst.idx.add.s32.msk $0xffff, v0  }
0x141: {  	[tilespmem:v1+s13+$0x0] =	vst.idx.add.s32.msk $0xffff, v0  }
0x142: {  	v1 =	vld [tilespmem:s21+$0xFFFFFC00]  }
0x143: {  	v2 =	vld [tilespmem:s21+$0xFFFFFC10]  }
0x144: {  	v11 =	vld [tilespmem:s21+$0x0]  }
0x145: {  	v14 =	vld [tilespmem:s21+$0x30]  }
0x146: {  	v15 =	vld [tilespmem:s21+$0x40]  }
0x147: {  	v3 =	vld [tilespmem:s21+$0xFFFFFC20]  }
0x148: {  	v5 =	vand.u32 $0x7FFFFFFF, v1;
	v1 =	vshrl.u32 v1, $0xF  }
0x149: {  	v4 =	vld [tilespmem:s21+$0xFFFFFC30];
	v8 =	vand.u32 $0x7FFFFFFF, v2;
	v2 =	vshrl.u32 v2, $0xF;
	v17 =	vshrl.u32 v11, $0xF  }
0x14a: {  	v6 =	vld [tilespmem:s21+$0xFFFFFC40];
	v18 =	vand.u32 $0x7FFFFFFF, v14;
	v14 =	vshrl.u32 v14, $0xF;
	vm0 =	vgt.s32 v10, v5  }
0x14b: {  	v7 =	vld [tilespmem:s21+$0xFFFFFC50];
	v61 =	vand.u32 $0x7FFFFFFF, v15;
	v15 =	vshrl.u32 v15, $0xF;
	v5 =	vsel vm0, v10, v5  }
0x14c: {  	v9 =	vld [tilespmem:s21+$0xFFFFFC60];
	v1 =	vand.u32 $0xFFFF, v1;
	v5 =	vmax.u32 v5, v8;
	v8 =	vand.u32 $0x7FFFFFFF, v3  }
0x14d: {  	v2 =	vand.u32 $0xFFFF, v2;
	v10 =	vld [tilespmem:s21+$0xFFFFFC70];
	v3 =	vshrl.u32 v3, $0xF;
	v5 =	vmax.u32 v5, v8  }
0x14e: {  	v8 =	vand.u32 $0x7FFFFFFF, v4;
	v4 =	vshrl.u32 v4, $0xF;
	v3 =	vand.u32 $0xFFFF, v3  }
0x14f: {  	v5 =	vmax.u32 v5, v8;
	v8 =	vand.u32 $0x7FFFFFFF, v6;
	v6 =	vshrl.u32 v6, $0xF  }
0x150: {  	v12 =	vld [tilespmem:s21+$0x10];
	v4 =	vand.u32 $0xFFFF, v4;
	v5 =	vmax.u32 v5, v8;
	v8 =	vand.u32 $0x7FFFFFFF, v7  }
0x151: {  	v13 =	vld [tilespmem:s21+$0x20];
	v7 =	vshrl.u32 v7, $0xF;
	v5 =	vmax.u32 v5, v8;
	v8 =	vand.u32 $0x7FFFFFFF, v9  }
0x152: {  	v20 =	vand.u32 $0xFFFF, v6;
	v5 =	vmax.u32 v5, v8;
	v8 =	vand.u32 $0x7FFFFFFF, v10  }
0x153: {  	v16 =	vshrl.u32 v10, $0xF;
	v10 =	vld [tilespmem:s21+$0x50];
	v5 =	vmax.u32 v5, v8;
	v8 =	vand.u32 $0x7FFFFFFF, v11  }
0x154: {  	v9 =	vshrl.u32 v9, $0xF;
	v63 =	vand.u32 $0xFFFF, v7;
	v11 =	vld [tilespmem:s21+$0x60];
	v5 =	vmax.u32 v5, v8  }
0x155: {  	v8 =	vand.u32 $0x7FFFFFFF, v12;
	v12 =	vshrl.u32 v12, $0xF;
	[tilespmem:v4+s13+$0x0] =	vst.idx.add.s32.msk $0xffff, v0;
	v4 =	vand.u32 $0xFFFF, v15  }
0x156: {  	v5 =	vmax.u32 v5, v8;
	v8 =	vand.u32 $0x7FFFFFFF, v13;
	v13 =	vshrl.u32 v13, $0xF  }
0x157: {  	v7 =	vand.u32 $0xFFFF, v12;
	v5 =	vmax.u32 v5, v8;
	v8 =	vld [tilespmem:s21+$0x70];
	v6 =	vand.u32 $0xFFFF, v13  }
0x158: {  	v5 =	vmax.u32 v5, v18;
	v62 =	vand.u32 $0x7FFFFFFF, v10;
	v19 =	vshrl.u32 v10, $0xF  }
0x159: {  	[tilespmem:v3+s13+$0x0] =	vst.idx.add.s32.msk $0xffff, v0;
	v5 =	vmax.u32 v5, v61;
	v21 =	vshrl.u32 v11, $0xF;
	v3 =	vand.u32 $0xFFFF, v19  }
0x15a: {  	[tilespmem:v1+s13+$0x0] =	vst.idx.add.s32.msk $0xffff, v0;
	v1 =	vmax.u32 v5, v62;
	v5 =	vand.u32 $0x7FFFFFFF, v11;
	v11 =	vand.u32 $0xFFFF, v9  }
0x15b: {  	[tilespmem:v2+s13+$0x0] =	vst.idx.add.s32.msk $0xffff, v0;
	v9 =	vand.u32 $0xFFFF, v16;
	v2 =	vand.u32 $0xFFFF, v21;
	v1 =	vmax.u32 v1, v5  }
0x15c: {  	[tilespmem:v20+s13+$0x0] =	vst.idx.add.s32.msk $0xffff, v0;
	v5 =	vand.u32 $0x7FFFFFFF, v8;
	v22 =	vshrl.u32 v8, $0xF;
	v8 =	vand.u32 $0xFFFF, v17  }
0x15d: {  	s22 =	simm.s32 $0x0;
	s23 =	simm.s32 $0xE00;
	s21 =	simm.s32 $0x680;
	[tilespmem:v63+s13+$0x0] =	vst.idx.add.s32.msk $0xffff, v0;
	v10 =	vmax.u32 v1, v5;
	v5 =	vand.u32 $0xFFFF, v14;
	v1 =	vand.u32 $0xFFFF, v22  }
.LBB2_13:
0x15e: {  	v12 =	vld [tilespmem:s23+$0xFFFFFC00];
	s22 =	sadd.s32 $0x10, s22  }
0x15f: {  	p0 =	slt.u32 s22, $0x70;
	[tilespmem:v11+s13+$0x0] =	vst.idx.add.s32.msk $0xffff, v0  }
0x160: {  	v11 =	vld [tilespmem:s23+$0xFFFFFC10]  }
0x161: {  	v13 =	vld [tilespmem:s23+$0xFFFFFC20]  }
0x162: {  	v14 =	vld [tilespmem:s23+$0xFFFFFC30]  }
0x163: {  	v15 =	vand.u32 $0x7FFFFFFF, v12;
	v12 =	vshrl.u32 v12, $0xF;
	v16 =	vld [tilespmem:s23+$0xFFFFFC40]  }
0x164: {  	v12 =	vand.u32 $0xFFFF, v12;
	vm0 =	vgt.s32 v10, v15;
	v17 =	vld [tilespmem:s23+$0xFFFFFC50]  }
0x165: {  	v10 =	vsel vm0, v10, v15;
	v15 =	vand.u32 $0x7FFFFFFF, v11;
	v11 =	vshrl.u32 v11, $0xF;
	v18 =	vld [tilespmem:s23+$0xFFFFFC60]  }
0x166: {  	v10 =	vmax.u32 v10, v15;
	v15 =	vand.u32 $0x7FFFFFFF, v13;
	v13 =	vshrl.u32 v13, $0xF;
	v19 =	vld [tilespmem:s23+$0xFFFFFC70]  }
0x167: {  	v10 =	vmax.u32 v10, v15;
	v15 =	vand.u32 $0x7FFFFFFF, v14;
	v14 =	vshrl.u32 v14, $0xF;
	v20 =	vld [tilespmem:s23+$0x0]  }
0x168: {  	v10 =	vmax.u32 v10, v15;
	v15 =	vand.u32 $0x7FFFFFFF, v16;
	v16 =	vshrl.u32 v16, $0xF;
	v21 =	vld [tilespmem:s23+$0x10]  }
0x169: {  	v10 =	vmax.u32 v10, v15;
	v15 =	vand.u32 $0x7FFFFFFF, v17;
	v17 =	vshrl.u32 v17, $0xF;
	v22 =	vld [tilespmem:s23+$0x20]  }
0x16a: {  	v10 =	vmax.u32 v10, v15;
	v15 =	vand.u32 $0x7FFFFFFF, v18;
	v18 =	vshrl.u32 v18, $0xF;
	v23 =	vld [tilespmem:s23+$0x30]  }
0x16b: {  	v10 =	vmax.u32 v10, v15;
	v15 =	vand.u32 $0x7FFFFFFF, v19;
	v19 =	vshrl.u32 v19, $0xF;
	v24 =	vld [tilespmem:s23+$0x40]  }
0x16c: {  	v10 =	vmax.u32 v10, v15;
	v15 =	vand.u32 $0x7FFFFFFF, v20;
	v20 =	vshrl.u32 v20, $0xF;
	v25 =	vld [tilespmem:s23+$0x50]  }
0x16d: {  	v10 =	vmax.u32 v10, v15;
	v15 =	vand.u32 $0x7FFFFFFF, v21;
	v21 =	vshrl.u32 v21, $0xF;
	v26 =	vld [tilespmem:s23+$0x60]  }
0x16e: {  	v10 =	vmax.u32 v10, v15;
	v15 =	vand.u32 $0x7FFFFFFF, v22;
	v22 =	vshrl.u32 v22, $0xF;
	v27 =	vld [tilespmem:s23+$0x70]  }
0x16f: {  	[tilespmem:v12+s13+$0x0] =	vst.idx.add.s32.msk $0xffff, v0;
	v10 =	vmax.u32 v10, v15;
	v12 =	vand.u32 $0x7FFFFFFF, v23;
	v15 =	vshrl.u32 v23, $0xF  }
0x170: {  	v10 =	vmax.u32 v10, v12;
	v12 =	vand.u32 $0x7FFFFFFF, v24;
	v23 =	vshrl.u32 v24, $0xF;
	[tilespmem:v9+s13+$0x0] =	vst.idx.add.s32.msk $0xffff, v0  }
0x171: {  	v9 =	vmax.u32 v10, v12;
	v10 =	vand.u32 $0x7FFFFFFF, v25;
	v12 =	vshrl.u32 v25, $0xF;
	[tilespmem:v8+s13+$0x0] =	vst.idx.add.s32.msk $0xffff, v0  }
0x172: {  	v8 =	vmax.u32 v9, v10;
	v9 =	vand.u32 $0x7FFFFFFF, v26;
	v24 =	vshrl.u32 v26, $0xF;
	[tilespmem:v7+s13+$0x0] =	vst.idx.add.s32.msk $0xffff, v0  }
0x173: {  	v7 =	vmax.u32 v8, v9;
	v8 =	vand.u32 $0x7FFFFFFF, v27;
	v25 =	vshrl.u32 v27, $0xF;
	[tilespmem:v6+s13+$0x0] =	vst.idx.add.s32.msk $0xffff, v0  }
0x174: {  	v13 =	vand.u32 $0xFFFF, v13;
	v26 =	vand.u32 $0xFFFF, v11;
	v10 =	vmax.u32 v7, v8;
	[tilespmem:v5+s13+$0x0] =	vst.idx.add.s32.msk $0xffff, v0  }
0x175: {  	v14 =	vand.u32 $0xFFFF, v14;
	v16 =	vand.u32 $0xFFFF, v16;
	v17 =	vand.u32 $0xFFFF, v17;
	[tilespmem:v4+s13+$0x0] =	vst.idx.add.s32.msk $0xffff, v0  }
0x176: {  	v11 =	vand.u32 $0xFFFF, v18;
	v9 =	vand.u32 $0xFFFF, v19;
	v8 =	vand.u32 $0xFFFF, v20;
	[tilespmem:v3+s13+$0x0] =	vst.idx.add.s32.msk $0xffff, v0  }
0x177: {  	v6 =	vand.u32 $0xFFFF, v22;
	v7 =	vand.u32 $0xFFFF, v21;
	v5 =	vand.u32 $0xFFFF, v15;
	[tilespmem:v2+s13+$0x0] =	vst.idx.add.s32.msk $0xffff, v0  }
0x178: {  	v4 =	vand.u32 $0xFFFF, v23;
	v3 =	vand.u32 $0xFFFF, v12;
	v2 =	vand.u32 $0xFFFF, v24;
	[tilespmem:v1+s13+$0x0] =	vst.idx.add.s32.msk $0xffff, v0  }
.Ltmp5:
0x179: {  	v1 =	vand.u32 $0xFFFF, v25;
	[tilespmem:v26+s13+$0x0] =	vst.idx.add.s32.msk $0xffff, v0;
	(pc) =	sbr.rel @p0 .LBB2_13-.Ltmp5, $4  }
0x17a: {  	[tilespmem:v13+s13+$0x0] =	vst.idx.add.s32.msk $0xffff, v0  }
0x17b: {  	[tilespmem:v14+s13+$0x0] =	vst.idx.add.s32.msk $0xffff, v0  }
0x17c: {  	[tilespmem:v16+s13+$0x0] =	vst.idx.add.s32.msk $0xffff, v0  }
0x17d: {  	s23 =	sadd.s32 $0x800, s23;
	[tilespmem:v17+s13+$0x0] =	vst.idx.add.s32.msk $0xffff, v0  }
0x17e: {  	_ =	sdelay $0x3  }
0x17f: {  	[tilespmem:v11+s13+$0x0] =	vst.idx.add.s32.msk $0xffff, v0  }
0x180: {  	[tilespmem:v9+s13+$0x0] =	vst.idx.add.s32.msk $0xffff, v0  }
0x181: {  	[tilespmem:v8+s13+$0x0] =	vst.idx.add.s32.msk $0xffff, v0  }
0x182: {  	[tilespmem:v7+s13+$0x0] =	vst.idx.add.s32.msk $0xffff, v0  }
0x183: {  	[tilespmem:v6+s13+$0x0] =	vst.idx.add.s32.msk $0xffff, v0  }
0x184: {  	[tilespmem:v5+s13+$0x0] =	vst.idx.add.s32.msk $0xffff, v0  }
0x185: {  	[tilespmem:v4+s13+$0x0] =	vst.idx.add.s32.msk $0xffff, v0  }
0x186: {  	[tilespmem:v3+s13+$0x0] =	vst.idx.add.s32.msk $0xffff, v0  }
0x187: {  	[tilespmem:v2+s13+$0x0] =	vst.idx.add.s32.msk $0xffff, v0  }
0x188: {  	[tilespmem:v1+s13+$0x0] =	vst.idx.add.s32.msk $0xffff, v0  }
0x189: {  	v1 =	vld [tilespmem:s21+$0xFFFFFC00]  }
0x18a: {  	v2 =	vld [tilespmem:s21+$0xFFFFFC10]  }
0x18b: {  	v11 =	vld [tilespmem:s21+$0x0]  }
0x18c: {  	v14 =	vld [tilespmem:s21+$0x30]  }
0x18d: {  	v15 =	vld [tilespmem:s21+$0x40]  }
0x18e: {  	v3 =	vld [tilespmem:s21+$0xFFFFFC20]  }
0x18f: {  	v5 =	vand.u32 $0x7FFFFFFF, v1;
	v1 =	vshrl.u32 v1, $0xF  }
0x190: {  	v4 =	vld [tilespmem:s21+$0xFFFFFC30];
	v8 =	vand.u32 $0x7FFFFFFF, v2;
	v2 =	vshrl.u32 v2, $0xF;
	v17 =	vshrl.u32 v11, $0xF  }
0x191: {  	v6 =	vld [tilespmem:s21+$0xFFFFFC40];
	v18 =	vand.u32 $0x7FFFFFFF, v14;
	v14 =	vshrl.u32 v14, $0xF;
	vm0 =	vgt.s32 v10, v5  }
0x192: {  	v7 =	vld [tilespmem:s21+$0xFFFFFC50];
	v61 =	vand.u32 $0x7FFFFFFF, v15;
	v15 =	vshrl.u32 v15, $0xF;
	v5 =	vsel vm0, v10, v5  }
0x193: {  	v9 =	vld [tilespmem:s21+$0xFFFFFC60];
	v1 =	vand.u32 $0xFFFF, v1;
	v5 =	vmax.u32 v5, v8;
	v8 =	vand.u32 $0x7FFFFFFF, v3  }
0x194: {  	v2 =	vand.u32 $0xFFFF, v2;
	v10 =	vld [tilespmem:s21+$0xFFFFFC70];
	v3 =	vshrl.u32 v3, $0xF;
	v5 =	vmax.u32 v5, v8  }
0x195: {  	v8 =	vand.u32 $0x7FFFFFFF, v4;
	v4 =	vshrl.u32 v4, $0xF;
	v3 =	vand.u32 $0xFFFF, v3  }
0x196: {  	v5 =	vmax.u32 v5, v8;
	v8 =	vand.u32 $0x7FFFFFFF, v6;
	v6 =	vshrl.u32 v6, $0xF  }
0x197: {  	v12 =	vld [tilespmem:s21+$0x10];
	v4 =	vand.u32 $0xFFFF, v4;
	v5 =	vmax.u32 v5, v8;
	v8 =	vand.u32 $0x7FFFFFFF, v7  }
0x198: {  	v13 =	vld [tilespmem:s21+$0x20];
	v7 =	vshrl.u32 v7, $0xF;
	v5 =	vmax.u32 v5, v8;
	v8 =	vand.u32 $0x7FFFFFFF, v9  }
0x199: {  	v20 =	vand.u32 $0xFFFF, v6;
	v5 =	vmax.u32 v5, v8;
	v8 =	vand.u32 $0x7FFFFFFF, v10  }
0x19a: {  	v16 =	vshrl.u32 v10, $0xF;
	v10 =	vld [tilespmem:s21+$0x50];
	v5 =	vmax.u32 v5, v8;
	v8 =	vand.u32 $0x7FFFFFFF, v11  }
0x19b: {  	v9 =	vshrl.u32 v9, $0xF;
	v63 =	vand.u32 $0xFFFF, v7;
	v11 =	vld [tilespmem:s21+$0x60];
	v5 =	vmax.u32 v5, v8  }
0x19c: {  	v8 =	vand.u32 $0x7FFFFFFF, v12;
	v12 =	vshrl.u32 v12, $0xF;
	[tilespmem:v4+s13+$0x0] =	vst.idx.add.s32.msk $0xffff, v0;
	v4 =	vand.u32 $0xFFFF, v15  }
0x19d: {  	v5 =	vmax.u32 v5, v8;
	v8 =	vand.u32 $0x7FFFFFFF, v13;
	v13 =	vshrl.u32 v13, $0xF  }
0x19e: {  	v7 =	vand.u32 $0xFFFF, v12;
	v5 =	vmax.u32 v5, v8;
	v8 =	vld [tilespmem:s21+$0x70];
	v6 =	vand.u32 $0xFFFF, v13  }
0x19f: {  	v5 =	vmax.u32 v5, v18;
	v62 =	vand.u32 $0x7FFFFFFF, v10;
	v19 =	vshrl.u32 v10, $0xF  }
0x1a0: {  	[tilespmem:v3+s13+$0x0] =	vst.idx.add.s32.msk $0xffff, v0;
	v5 =	vmax.u32 v5, v61;
	v21 =	vshrl.u32 v11, $0xF;
	v3 =	vand.u32 $0xFFFF, v19  }
0x1a1: {  	[tilespmem:v1+s13+$0x0] =	vst.idx.add.s32.msk $0xffff, v0;
	v1 =	vmax.u32 v5, v62;
	v5 =	vand.u32 $0x7FFFFFFF, v11;
	v11 =	vand.u32 $0xFFFF, v9  }
0x1a2: {  	[tilespmem:v2+s13+$0x0] =	vst.idx.add.s32.msk $0xffff, v0;
	v9 =	vand.u32 $0xFFFF, v16;
	v2 =	vand.u32 $0xFFFF, v21;
	v1 =	vmax.u32 v1, v5  }
0x1a3: {  	[tilespmem:v20+s13+$0x0] =	vst.idx.add.s32.msk $0xffff, v0;
	v5 =	vand.u32 $0x7FFFFFFF, v8;
	v22 =	vshrl.u32 v8, $0xF;
	v8 =	vand.u32 $0xFFFF, v17  }
0x1a4: {  	s22 =	simm.s32 $0x0;
	s23 =	simm.s32 $0xE80;
	s21 =	simm.s32 $0x700;
	[tilespmem:v63+s13+$0x0] =	vst.idx.add.s32.msk $0xffff, v0;
	v10 =	vmax.u32 v1, v5;
	v5 =	vand.u32 $0xFFFF, v14;
	v1 =	vand.u32 $0xFFFF, v22  }
.LBB2_15:
0x1a5: {  	v12 =	vld [tilespmem:s23+$0xFFFFFC00];
	s22 =	sadd.s32 $0x10, s22  }
0x1a6: {  	p0 =	slt.u32 s22, $0x70;
	[tilespmem:v11+s13+$0x0] =	vst.idx.add.s32.msk $0xffff, v0  }
0x1a7: {  	v11 =	vld [tilespmem:s23+$0xFFFFFC10]  }
0x1a8: {  	v13 =	vld [tilespmem:s23+$0xFFFFFC20]  }
0x1a9: {  	v14 =	vld [tilespmem:s23+$0xFFFFFC30]  }
0x1aa: {  	v15 =	vand.u32 $0x7FFFFFFF, v12;
	v12 =	vshrl.u32 v12, $0xF;
	v16 =	vld [tilespmem:s23+$0xFFFFFC40]  }
0x1ab: {  	v12 =	vand.u32 $0xFFFF, v12;
	vm0 =	vgt.s32 v10, v15;
	v17 =	vld [tilespmem:s23+$0xFFFFFC50]  }
0x1ac: {  	v10 =	vsel vm0, v10, v15;
	v15 =	vand.u32 $0x7FFFFFFF, v11;
	v11 =	vshrl.u32 v11, $0xF;
	v18 =	vld [tilespmem:s23+$0xFFFFFC60]  }
0x1ad: {  	v10 =	vmax.u32 v10, v15;
	v15 =	vand.u32 $0x7FFFFFFF, v13;
	v13 =	vshrl.u32 v13, $0xF;
	v19 =	vld [tilespmem:s23+$0xFFFFFC70]  }
0x1ae: {  	v10 =	vmax.u32 v10, v15;
	v15 =	vand.u32 $0x7FFFFFFF, v14;
	v14 =	vshrl.u32 v14, $0xF;
	v20 =	vld [tilespmem:s23+$0x0]  }
0x1af: {  	v10 =	vmax.u32 v10, v15;
	v15 =	vand.u32 $0x7FFFFFFF, v16;
	v16 =	vshrl.u32 v16, $0xF;
	v21 =	vld [tilespmem:s23+$0x10]  }
0x1b0: {  	v10 =	vmax.u32 v10, v15;
	v15 =	vand.u32 $0x7FFFFFFF, v17;
	v17 =	vshrl.u32 v17, $0xF;
	v22 =	vld [tilespmem:s23+$0x20]  }
0x1b1: {  	v10 =	vmax.u32 v10, v15;
	v15 =	vand.u32 $0x7FFFFFFF, v18;
	v18 =	vshrl.u32 v18, $0xF;
	v23 =	vld [tilespmem:s23+$0x30]  }
0x1b2: {  	v10 =	vmax.u32 v10, v15;
	v15 =	vand.u32 $0x7FFFFFFF, v19;
	v19 =	vshrl.u32 v19, $0xF;
	v24 =	vld [tilespmem:s23+$0x40]  }
0x1b3: {  	v10 =	vmax.u32 v10, v15;
	v15 =	vand.u32 $0x7FFFFFFF, v20;
	v20 =	vshrl.u32 v20, $0xF;
	v25 =	vld [tilespmem:s23+$0x50]  }
0x1b4: {  	v10 =	vmax.u32 v10, v15;
	v15 =	vand.u32 $0x7FFFFFFF, v21;
	v21 =	vshrl.u32 v21, $0xF;
	v26 =	vld [tilespmem:s23+$0x60]  }
0x1b5: {  	v10 =	vmax.u32 v10, v15;
	v15 =	vand.u32 $0x7FFFFFFF, v22;
	v22 =	vshrl.u32 v22, $0xF;
	v27 =	vld [tilespmem:s23+$0x70]  }
0x1b6: {  	[tilespmem:v12+s13+$0x0] =	vst.idx.add.s32.msk $0xffff, v0;
	v10 =	vmax.u32 v10, v15;
	v12 =	vand.u32 $0x7FFFFFFF, v23;
	v15 =	vshrl.u32 v23, $0xF  }
0x1b7: {  	v10 =	vmax.u32 v10, v12;
	v12 =	vand.u32 $0x7FFFFFFF, v24;
	v23 =	vshrl.u32 v24, $0xF;
	[tilespmem:v9+s13+$0x0] =	vst.idx.add.s32.msk $0xffff, v0  }
0x1b8: {  	v9 =	vmax.u32 v10, v12;
	v10 =	vand.u32 $0x7FFFFFFF, v25;
	v12 =	vshrl.u32 v25, $0xF;
	[tilespmem:v8+s13+$0x0] =	vst.idx.add.s32.msk $0xffff, v0  }
0x1b9: {  	v8 =	vmax.u32 v9, v10;
	v9 =	vand.u32 $0x7FFFFFFF, v26;
	v24 =	vshrl.u32 v26, $0xF;
	[tilespmem:v7+s13+$0x0] =	vst.idx.add.s32.msk $0xffff, v0  }
0x1ba: {  	v7 =	vmax.u32 v8, v9;
	v8 =	vand.u32 $0x7FFFFFFF, v27;
	v25 =	vshrl.u32 v27, $0xF;
	[tilespmem:v6+s13+$0x0] =	vst.idx.add.s32.msk $0xffff, v0  }
0x1bb: {  	v13 =	vand.u32 $0xFFFF, v13;
	v26 =	vand.u32 $0xFFFF, v11;
	v10 =	vmax.u32 v7, v8;
	[tilespmem:v5+s13+$0x0] =	vst.idx.add.s32.msk $0xffff, v0  }
0x1bc: {  	v14 =	vand.u32 $0xFFFF, v14;
	v16 =	vand.u32 $0xFFFF, v16;
	v17 =	vand.u32 $0xFFFF, v17;
	[tilespmem:v4+s13+$0x0] =	vst.idx.add.s32.msk $0xffff, v0  }
0x1bd: {  	v11 =	vand.u32 $0xFFFF, v18;
	v9 =	vand.u32 $0xFFFF, v19;
	v8 =	vand.u32 $0xFFFF, v20;
	[tilespmem:v3+s13+$0x0] =	vst.idx.add.s32.msk $0xffff, v0  }
0x1be: {  	v6 =	vand.u32 $0xFFFF, v22;
	v7 =	vand.u32 $0xFFFF, v21;
	v5 =	vand.u32 $0xFFFF, v15;
	[tilespmem:v2+s13+$0x0] =	vst.idx.add.s32.msk $0xffff, v0  }
0x1bf: {  	v4 =	vand.u32 $0xFFFF, v23;
	v3 =	vand.u32 $0xFFFF, v12;
	v2 =	vand.u32 $0xFFFF, v24;
	[tilespmem:v1+s13+$0x0] =	vst.idx.add.s32.msk $0xffff, v0  }
.Ltmp6:
0x1c0: {  	v1 =	vand.u32 $0xFFFF, v25;
	[tilespmem:v26+s13+$0x0] =	vst.idx.add.s32.msk $0xffff, v0;
	(pc) =	sbr.rel @p0 .LBB2_15-.Ltmp6, $4  }
0x1c1: {  	[tilespmem:v13+s13+$0x0] =	vst.idx.add.s32.msk $0xffff, v0  }
0x1c2: {  	[tilespmem:v14+s13+$0x0] =	vst.idx.add.s32.msk $0xffff, v0  }
0x1c3: {  	[tilespmem:v16+s13+$0x0] =	vst.idx.add.s32.msk $0xffff, v0  }
0x1c4: {  	s23 =	sadd.s32 $0x800, s23;
	[tilespmem:v17+s13+$0x0] =	vst.idx.add.s32.msk $0xffff, v0  }
0x1c5: {  	_ =	sdelay $0x3  }
0x1c6: {  	[tilespmem:v11+s13+$0x0] =	vst.idx.add.s32.msk $0xffff, v0  }
0x1c7: {  	[tilespmem:v9+s13+$0x0] =	vst.idx.add.s32.msk $0xffff, v0  }
0x1c8: {  	[tilespmem:v8+s13+$0x0] =	vst.idx.add.s32.msk $0xffff, v0  }
0x1c9: {  	[tilespmem:v7+s13+$0x0] =	vst.idx.add.s32.msk $0xffff, v0  }
0x1ca: {  	[tilespmem:v6+s13+$0x0] =	vst.idx.add.s32.msk $0xffff, v0  }
0x1cb: {  	[tilespmem:v5+s13+$0x0] =	vst.idx.add.s32.msk $0xffff, v0  }
0x1cc: {  	[tilespmem:v4+s13+$0x0] =	vst.idx.add.s32.msk $0xffff, v0  }
0x1cd: {  	[tilespmem:v3+s13+$0x0] =	vst.idx.add.s32.msk $0xffff, v0  }
0x1ce: {  	[tilespmem:v2+s13+$0x0] =	vst.idx.add.s32.msk $0xffff, v0  }
0x1cf: {  	[tilespmem:v1+s13+$0x0] =	vst.idx.add.s32.msk $0xffff, v0  }
0x1d0: {  	v1 =	vld [tilespmem:s21+$0xFFFFFC00]  }
0x1d1: {  	v2 =	vld [tilespmem:s21+$0xFFFFFC10]  }
0x1d2: {  	v11 =	vld [tilespmem:s21+$0x0]  }
0x1d3: {  	v14 =	vld [tilespmem:s21+$0x30]  }
0x1d4: {  	v15 =	vld [tilespmem:s21+$0x40]  }
0x1d5: {  	v3 =	vld [tilespmem:s21+$0xFFFFFC20]  }
0x1d6: {  	v5 =	vand.u32 $0x7FFFFFFF, v1;
	v1 =	vshrl.u32 v1, $0xF  }
0x1d7: {  	v4 =	vld [tilespmem:s21+$0xFFFFFC30];
	v8 =	vand.u32 $0x7FFFFFFF, v2;
	v2 =	vshrl.u32 v2, $0xF;
	v17 =	vshrl.u32 v11, $0xF  }
0x1d8: {  	v6 =	vld [tilespmem:s21+$0xFFFFFC40];
	v18 =	vand.u32 $0x7FFFFFFF, v14;
	v14 =	vshrl.u32 v14, $0xF;
	vm0 =	vgt.s32 v10, v5  }
0x1d9: {  	v7 =	vld [tilespmem:s21+$0xFFFFFC50];
	v61 =	vand.u32 $0x7FFFFFFF, v15;
	v15 =	vshrl.u32 v15, $0xF;
	v5 =	vsel vm0, v10, v5  }
0x1da: {  	v9 =	vld [tilespmem:s21+$0xFFFFFC60];
	v1 =	vand.u32 $0xFFFF, v1;
	v5 =	vmax.u32 v5, v8;
	v8 =	vand.u32 $0x7FFFFFFF, v3  }
0x1db: {  	v2 =	vand.u32 $0xFFFF, v2;
	v10 =	vld [tilespmem:s21+$0xFFFFFC70];
	v3 =	vshrl.u32 v3, $0xF;
	v5 =	vmax.u32 v5, v8  }
0x1dc: {  	v8 =	vand.u32 $0x7FFFFFFF, v4;
	v4 =	vshrl.u32 v4, $0xF;
	v3 =	vand.u32 $0xFFFF, v3  }
0x1dd: {  	v5 =	vmax.u32 v5, v8;
	v8 =	vand.u32 $0x7FFFFFFF, v6;
	v6 =	vshrl.u32 v6, $0xF  }
0x1de: {  	v12 =	vld [tilespmem:s21+$0x10];
	v4 =	vand.u32 $0xFFFF, v4;
	v5 =	vmax.u32 v5, v8;
	v8 =	vand.u32 $0x7FFFFFFF, v7  }
0x1df: {  	v13 =	vld [tilespmem:s21+$0x20];
	v7 =	vshrl.u32 v7, $0xF;
	v5 =	vmax.u32 v5, v8;
	v8 =	vand.u32 $0x7FFFFFFF, v9  }
0x1e0: {  	v20 =	vand.u32 $0xFFFF, v6;
	v5 =	vmax.u32 v5, v8;
	v8 =	vand.u32 $0x7FFFFFFF, v10  }
0x1e1: {  	v16 =	vshrl.u32 v10, $0xF;
	v10 =	vld [tilespmem:s21+$0x50];
	v5 =	vmax.u32 v5, v8;
	v8 =	vand.u32 $0x7FFFFFFF, v11  }
0x1e2: {  	v9 =	vshrl.u32 v9, $0xF;
	v63 =	vand.u32 $0xFFFF, v7;
	v11 =	vld [tilespmem:s21+$0x60];
	v5 =	vmax.u32 v5, v8  }
0x1e3: {  	v8 =	vand.u32 $0x7FFFFFFF, v12;
	v12 =	vshrl.u32 v12, $0xF;
	[tilespmem:v4+s13+$0x0] =	vst.idx.add.s32.msk $0xffff, v0;
	v4 =	vand.u32 $0xFFFF, v15  }
0x1e4: {  	v5 =	vmax.u32 v5, v8;
	v8 =	vand.u32 $0x7FFFFFFF, v13;
	v13 =	vshrl.u32 v13, $0xF  }
0x1e5: {  	v7 =	vand.u32 $0xFFFF, v12;
	v5 =	vmax.u32 v5, v8;
	v8 =	vld [tilespmem:s21+$0x70];
	v6 =	vand.u32 $0xFFFF, v13  }
0x1e6: {  	v5 =	vmax.u32 v5, v18;
	v62 =	vand.u32 $0x7FFFFFFF, v10;
	v19 =	vshrl.u32 v10, $0xF  }
0x1e7: {  	[tilespmem:v3+s13+$0x0] =	vst.idx.add.s32.msk $0xffff, v0;
	v5 =	vmax.u32 v5, v61;
	v21 =	vshrl.u32 v11, $0xF;
	v3 =	vand.u32 $0xFFFF, v19  }
0x1e8: {  	[tilespmem:v1+s13+$0x0] =	vst.idx.add.s32.msk $0xffff, v0;
	v1 =	vmax.u32 v5, v62;
	v5 =	vand.u32 $0x7FFFFFFF, v11;
	v11 =	vand.u32 $0xFFFF, v9  }
0x1e9: {  	[tilespmem:v2+s13+$0x0] =	vst.idx.add.s32.msk $0xffff, v0;
	v9 =	vand.u32 $0xFFFF, v16;
	v2 =	vand.u32 $0xFFFF, v21;
	v1 =	vmax.u32 v1, v5  }
0x1ea: {  	[tilespmem:v20+s13+$0x0] =	vst.idx.add.s32.msk $0xffff, v0;
	v5 =	vand.u32 $0x7FFFFFFF, v8;
	v22 =	vshrl.u32 v8, $0xF;
	v8 =	vand.u32 $0xFFFF, v17  }
0x1eb: {  	s22 =	simm.s32 $0x0;
	s23 =	simm.s32 $0xF00;
	s21 =	simm.s32 $0x780;
	[tilespmem:v63+s13+$0x0] =	vst.idx.add.s32.msk $0xffff, v0;
	v10 =	vmax.u32 v1, v5;
	v5 =	vand.u32 $0xFFFF, v14;
	v1 =	vand.u32 $0xFFFF, v22  }
.LBB2_17:
0x1ec: {  	v12 =	vld [tilespmem:s23+$0xFFFFFC00];
	s22 =	sadd.s32 $0x10, s22  }
0x1ed: {  	p0 =	slt.u32 s22, $0x70;
	[tilespmem:v11+s13+$0x0] =	vst.idx.add.s32.msk $0xffff, v0  }
0x1ee: {  	v11 =	vld [tilespmem:s23+$0xFFFFFC10]  }
0x1ef: {  	v13 =	vld [tilespmem:s23+$0xFFFFFC20]  }
0x1f0: {  	v14 =	vld [tilespmem:s23+$0xFFFFFC30]  }
0x1f1: {  	v15 =	vand.u32 $0x7FFFFFFF, v12;
	v12 =	vshrl.u32 v12, $0xF;
	v16 =	vld [tilespmem:s23+$0xFFFFFC40]  }
0x1f2: {  	v12 =	vand.u32 $0xFFFF, v12;
	vm0 =	vgt.s32 v10, v15;
	v17 =	vld [tilespmem:s23+$0xFFFFFC50]  }
0x1f3: {  	v10 =	vsel vm0, v10, v15;
	v15 =	vand.u32 $0x7FFFFFFF, v11;
	v11 =	vshrl.u32 v11, $0xF;
	v18 =	vld [tilespmem:s23+$0xFFFFFC60]  }
0x1f4: {  	v10 =	vmax.u32 v10, v15;
	v15 =	vand.u32 $0x7FFFFFFF, v13;
	v13 =	vshrl.u32 v13, $0xF;
	v19 =	vld [tilespmem:s23+$0xFFFFFC70]  }
0x1f5: {  	v10 =	vmax.u32 v10, v15;
	v15 =	vand.u32 $0x7FFFFFFF, v14;
	v14 =	vshrl.u32 v14, $0xF;
	v20 =	vld [tilespmem:s23+$0x0]  }
0x1f6: {  	v10 =	vmax.u32 v10, v15;
	v15 =	vand.u32 $0x7FFFFFFF, v16;
	v16 =	vshrl.u32 v16, $0xF;
	v21 =	vld [tilespmem:s23+$0x10]  }
0x1f7: {  	v10 =	vmax.u32 v10, v15;
	v15 =	vand.u32 $0x7FFFFFFF, v17;
	v17 =	vshrl.u32 v17, $0xF;
	v22 =	vld [tilespmem:s23+$0x20]  }
0x1f8: {  	v10 =	vmax.u32 v10, v15;
	v15 =	vand.u32 $0x7FFFFFFF, v18;
	v18 =	vshrl.u32 v18, $0xF;
	v23 =	vld [tilespmem:s23+$0x30]  }
0x1f9: {  	v10 =	vmax.u32 v10, v15;
	v15 =	vand.u32 $0x7FFFFFFF, v19;
	v19 =	vshrl.u32 v19, $0xF;
	v24 =	vld [tilespmem:s23+$0x40]  }
0x1fa: {  	v10 =	vmax.u32 v10, v15;
	v15 =	vand.u32 $0x7FFFFFFF, v20;
	v20 =	vshrl.u32 v20, $0xF;
	v25 =	vld [tilespmem:s23+$0x50]  }
0x1fb: {  	v10 =	vmax.u32 v10, v15;
	v15 =	vand.u32 $0x7FFFFFFF, v21;
	v21 =	vshrl.u32 v21, $0xF;
	v26 =	vld [tilespmem:s23+$0x60]  }
0x1fc: {  	v10 =	vmax.u32 v10, v15;
	v15 =	vand.u32 $0x7FFFFFFF, v22;
	v22 =	vshrl.u32 v22, $0xF;
	v27 =	vld [tilespmem:s23+$0x70]  }
0x1fd: {  	[tilespmem:v12+s13+$0x0] =	vst.idx.add.s32.msk $0xffff, v0;
	v10 =	vmax.u32 v10, v15;
	v12 =	vand.u32 $0x7FFFFFFF, v23;
	v15 =	vshrl.u32 v23, $0xF  }
0x1fe: {  	v10 =	vmax.u32 v10, v12;
	v12 =	vand.u32 $0x7FFFFFFF, v24;
	v23 =	vshrl.u32 v24, $0xF;
	[tilespmem:v9+s13+$0x0] =	vst.idx.add.s32.msk $0xffff, v0  }
0x1ff: {  	v9 =	vmax.u32 v10, v12;
	v10 =	vand.u32 $0x7FFFFFFF, v25;
	v12 =	vshrl.u32 v25, $0xF;
	[tilespmem:v8+s13+$0x0] =	vst.idx.add.s32.msk $0xffff, v0  }
0x200: {  	v8 =	vmax.u32 v9, v10;
	v9 =	vand.u32 $0x7FFFFFFF, v26;
	v24 =	vshrl.u32 v26, $0xF;
	[tilespmem:v7+s13+$0x0] =	vst.idx.add.s32.msk $0xffff, v0  }
0x201: {  	v7 =	vmax.u32 v8, v9;
	v8 =	vand.u32 $0x7FFFFFFF, v27;
	v25 =	vshrl.u32 v27, $0xF;
	[tilespmem:v6+s13+$0x0] =	vst.idx.add.s32.msk $0xffff, v0  }
0x202: {  	v13 =	vand.u32 $0xFFFF, v13;
	v26 =	vand.u32 $0xFFFF, v11;
	v10 =	vmax.u32 v7, v8;
	[tilespmem:v5+s13+$0x0] =	vst.idx.add.s32.msk $0xffff, v0  }
0x203: {  	v14 =	vand.u32 $0xFFFF, v14;
	v16 =	vand.u32 $0xFFFF, v16;
	v17 =	vand.u32 $0xFFFF, v17;
	[tilespmem:v4+s13+$0x0] =	vst.idx.add.s32.msk $0xffff, v0  }
0x204: {  	v11 =	vand.u32 $0xFFFF, v18;
	v9 =	vand.u32 $0xFFFF, v19;
	v8 =	vand.u32 $0xFFFF, v20;
	[tilespmem:v3+s13+$0x0] =	vst.idx.add.s32.msk $0xffff, v0  }
0x205: {  	v6 =	vand.u32 $0xFFFF, v22;
	v7 =	vand.u32 $0xFFFF, v21;
	v5 =	vand.u32 $0xFFFF, v15;
	[tilespmem:v2+s13+$0x0] =	vst.idx.add.s32.msk $0xffff, v0  }
0x206: {  	v4 =	vand.u32 $0xFFFF, v23;
	v3 =	vand.u32 $0xFFFF, v12;
	v2 =	vand.u32 $0xFFFF, v24;
	[tilespmem:v1+s13+$0x0] =	vst.idx.add.s32.msk $0xffff, v0  }
.Ltmp7:
0x207: {  	v1 =	vand.u32 $0xFFFF, v25;
	[tilespmem:v26+s13+$0x0] =	vst.idx.add.s32.msk $0xffff, v0;
	(pc) =	sbr.rel @p0 .LBB2_17-.Ltmp7, $4  }
0x208: {  	[tilespmem:v13+s13+$0x0] =	vst.idx.add.s32.msk $0xffff, v0  }
0x209: {  	[tilespmem:v14+s13+$0x0] =	vst.idx.add.s32.msk $0xffff, v0  }
0x20a: {  	[tilespmem:v16+s13+$0x0] =	vst.idx.add.s32.msk $0xffff, v0  }
0x20b: {  	s23 =	sadd.s32 $0x800, s23;
	[tilespmem:v17+s13+$0x0] =	vst.idx.add.s32.msk $0xffff, v0  }
0x20c: {  	_ =	sdelay $0x3  }
0x20d: {  	[tilespmem:v11+s13+$0x0] =	vst.idx.add.s32.msk $0xffff, v0  }
0x20e: {  	[tilespmem:v9+s13+$0x0] =	vst.idx.add.s32.msk $0xffff, v0  }
0x20f: {  	[tilespmem:v8+s13+$0x0] =	vst.idx.add.s32.msk $0xffff, v0  }
0x210: {  	[tilespmem:v7+s13+$0x0] =	vst.idx.add.s32.msk $0xffff, v0  }
0x211: {  	[tilespmem:v6+s13+$0x0] =	vst.idx.add.s32.msk $0xffff, v0  }
0x212: {  	[tilespmem:v5+s13+$0x0] =	vst.idx.add.s32.msk $0xffff, v0  }
0x213: {  	[tilespmem:v4+s13+$0x0] =	vst.idx.add.s32.msk $0xffff, v0  }
0x214: {  	[tilespmem:v3+s13+$0x0] =	vst.idx.add.s32.msk $0xffff, v0  }
0x215: {  	[tilespmem:v2+s13+$0x0] =	vst.idx.add.s32.msk $0xffff, v0  }
0x216: {  	[tilespmem:v1+s13+$0x0] =	vst.idx.add.s32.msk $0xffff, v0  }
0x217: {  	v1 =	vld [tilespmem:s21+$0xFFFFFC00]  }
0x218: {  	v2 =	vld [tilespmem:s21+$0xFFFFFC10]  }
0x219: {  	v11 =	vld [tilespmem:s21+$0x0]  }
0x21a: {  	v14 =	vld [tilespmem:s21+$0x30]  }
0x21b: {  	v15 =	vld [tilespmem:s21+$0x40]  }
0x21c: {  	v3 =	vld [tilespmem:s21+$0xFFFFFC20]  }
0x21d: {  	v5 =	vand.u32 $0x7FFFFFFF, v1;
	v1 =	vshrl.u32 v1, $0xF  }
0x21e: {  	v4 =	vld [tilespmem:s21+$0xFFFFFC30];
	v8 =	vand.u32 $0x7FFFFFFF, v2;
	v2 =	vshrl.u32 v2, $0xF;
	v17 =	vshrl.u32 v11, $0xF  }
0x21f: {  	v6 =	vld [tilespmem:s21+$0xFFFFFC40];
	v18 =	vand.u32 $0x7FFFFFFF, v14;
	v14 =	vshrl.u32 v14, $0xF;
	vm0 =	vgt.s32 v10, v5  }
0x220: {  	v7 =	vld [tilespmem:s21+$0xFFFFFC50];
	v61 =	vand.u32 $0x7FFFFFFF, v15;
	v15 =	vshrl.u32 v15, $0xF;
	v5 =	vsel vm0, v10, v5  }
0x221: {  	v9 =	vld [tilespmem:s21+$0xFFFFFC60];
	v1 =	vand.u32 $0xFFFF, v1;
	v5 =	vmax.u32 v5, v8;
	v8 =	vand.u32 $0x7FFFFFFF, v3  }
0x222: {  	v2 =	vand.u32 $0xFFFF, v2;
	v10 =	vld [tilespmem:s21+$0xFFFFFC70];
	v3 =	vshrl.u32 v3, $0xF;
	v5 =	vmax.u32 v5, v8  }
0x223: {  	v8 =	vand.u32 $0x7FFFFFFF, v4;
	v4 =	vshrl.u32 v4, $0xF;
	v3 =	vand.u32 $0xFFFF, v3  }
0x224: {  	v5 =	vmax.u32 v5, v8;
	v8 =	vand.u32 $0x7FFFFFFF, v6;
	v6 =	vshrl.u32 v6, $0xF  }
0x225: {  	v12 =	vld [tilespmem:s21+$0x10];
	v4 =	vand.u32 $0xFFFF, v4;
	v5 =	vmax.u32 v5, v8;
	v8 =	vand.u32 $0x7FFFFFFF, v7  }
0x226: {  	v13 =	vld [tilespmem:s21+$0x20];
	v7 =	vshrl.u32 v7, $0xF;
	v5 =	vmax.u32 v5, v8;
	v8 =	vand.u32 $0x7FFFFFFF, v9  }
0x227: {  	v20 =	vand.u32 $0xFFFF, v6;
	v5 =	vmax.u32 v5, v8;
	v8 =	vand.u32 $0x7FFFFFFF, v10  }
0x228: {  	v16 =	vshrl.u32 v10, $0xF;
	v10 =	vld [tilespmem:s21+$0x50];
	v5 =	vmax.u32 v5, v8;
	v8 =	vand.u32 $0x7FFFFFFF, v11  }
0x229: {  	v9 =	vshrl.u32 v9, $0xF;
	v63 =	vand.u32 $0xFFFF, v7;
	v11 =	vld [tilespmem:s21+$0x60];
	v5 =	vmax.u32 v5, v8  }
0x22a: {  	v8 =	vand.u32 $0x7FFFFFFF, v12;
	v12 =	vshrl.u32 v12, $0xF;
	[tilespmem:v4+s13+$0x0] =	vst.idx.add.s32.msk $0xffff, v0;
	v4 =	vand.u32 $0xFFFF, v15  }
0x22b: {  	v5 =	vmax.u32 v5, v8;
	v8 =	vand.u32 $0x7FFFFFFF, v13;
	v13 =	vshrl.u32 v13, $0xF  }
0x22c: {  	v7 =	vand.u32 $0xFFFF, v12;
	v5 =	vmax.u32 v5, v8;
	v8 =	vld [tilespmem:s21+$0x70];
	v6 =	vand.u32 $0xFFFF, v13  }
0x22d: {  	v5 =	vmax.u32 v5, v18;
	v62 =	vand.u32 $0x7FFFFFFF, v10;
	v19 =	vshrl.u32 v10, $0xF  }
0x22e: {  	[tilespmem:v3+s13+$0x0] =	vst.idx.add.s32.msk $0xffff, v0;
	v5 =	vmax.u32 v5, v61;
	v21 =	vshrl.u32 v11, $0xF;
	v3 =	vand.u32 $0xFFFF, v19  }
0x22f: {  	[tilespmem:v1+s13+$0x0] =	vst.idx.add.s32.msk $0xffff, v0;
	v1 =	vmax.u32 v5, v62;
	v5 =	vand.u32 $0x7FFFFFFF, v11;
	v11 =	vand.u32 $0xFFFF, v9  }
0x230: {  	[tilespmem:v2+s13+$0x0] =	vst.idx.add.s32.msk $0xffff, v0;
	v9 =	vand.u32 $0xFFFF, v16;
	v2 =	vand.u32 $0xFFFF, v21;
	v1 =	vmax.u32 v1, v5  }
0x231: {  	[tilespmem:v20+s13+$0x0] =	vst.idx.add.s32.msk $0xffff, v0;
	v5 =	vand.u32 $0x7FFFFFFF, v8;
	v22 =	vshrl.u32 v8, $0xF;
	v8 =	vand.u32 $0xFFFF, v17  }
0x232: {  	s22 =	simm.s32 $0xF80;
	s21 =	simm.s32 $0x0;
	[tilespmem:v63+s13+$0x0] =	vst.idx.add.s32.msk $0xffff, v0;
	v10 =	vmax.u32 v1, v5;
	v5 =	vand.u32 $0xFFFF, v14;
	v1 =	vand.u32 $0xFFFF, v22  }
.LBB2_19:
0x233: {  	v12 =	vld [tilespmem:s22+$0xFFFFFC00];
	s21 =	sadd.s32 $0x10, s21  }
0x234: {  	p0 =	slt.u32 s21, $0x70;
	[tilespmem:v11+s13+$0x0] =	vst.idx.add.s32.msk $0xffff, v0  }
0x235: {  	v11 =	vld [tilespmem:s22+$0xFFFFFC10]  }
0x236: {  	v13 =	vld [tilespmem:s22+$0xFFFFFC20]  }
0x237: {  	v14 =	vld [tilespmem:s22+$0xFFFFFC30]  }
0x238: {  	v15 =	vand.u32 $0x7FFFFFFF, v12;
	v12 =	vshrl.u32 v12, $0xF;
	v16 =	vld [tilespmem:s22+$0xFFFFFC40]  }
0x239: {  	v12 =	vand.u32 $0xFFFF, v12;
	vm0 =	vgt.s32 v10, v15;
	v17 =	vld [tilespmem:s22+$0xFFFFFC50]  }
0x23a: {  	v10 =	vsel vm0, v10, v15;
	v15 =	vand.u32 $0x7FFFFFFF, v11;
	v11 =	vshrl.u32 v11, $0xF;
	v18 =	vld [tilespmem:s22+$0xFFFFFC60]  }
0x23b: {  	v10 =	vmax.u32 v10, v15;
	v15 =	vand.u32 $0x7FFFFFFF, v13;
	v13 =	vshrl.u32 v13, $0xF;
	v19 =	vld [tilespmem:s22+$0xFFFFFC70]  }
0x23c: {  	v10 =	vmax.u32 v10, v15;
	v15 =	vand.u32 $0x7FFFFFFF, v14;
	v14 =	vshrl.u32 v14, $0xF;
	v20 =	vld [tilespmem:s22+$0x0]  }
0x23d: {  	v10 =	vmax.u32 v10, v15;
	v15 =	vand.u32 $0x7FFFFFFF, v16;
	v16 =	vshrl.u32 v16, $0xF;
	v21 =	vld [tilespmem:s22+$0x10]  }
0x23e: {  	v10 =	vmax.u32 v10, v15;
	v15 =	vand.u32 $0x7FFFFFFF, v17;
	v17 =	vshrl.u32 v17, $0xF;
	v22 =	vld [tilespmem:s22+$0x20]  }
0x23f: {  	v10 =	vmax.u32 v10, v15;
	v15 =	vand.u32 $0x7FFFFFFF, v18;
	v18 =	vshrl.u32 v18, $0xF;
	v23 =	vld [tilespmem:s22+$0x30]  }
0x240: {  	v10 =	vmax.u32 v10, v15;
	v15 =	vand.u32 $0x7FFFFFFF, v19;
	v19 =	vshrl.u32 v19, $0xF;
	v24 =	vld [tilespmem:s22+$0x40]  }
0x241: {  	v10 =	vmax.u32 v10, v15;
	v15 =	vand.u32 $0x7FFFFFFF, v20;
	v20 =	vshrl.u32 v20, $0xF;
	v25 =	vld [tilespmem:s22+$0x50]  }
0x242: {  	v10 =	vmax.u32 v10, v15;
	v15 =	vand.u32 $0x7FFFFFFF, v21;
	v21 =	vshrl.u32 v21, $0xF;
	v26 =	vld [tilespmem:s22+$0x60]  }
0x243: {  	v10 =	vmax.u32 v10, v15;
	v15 =	vand.u32 $0x7FFFFFFF, v22;
	v22 =	vshrl.u32 v22, $0xF;
	v27 =	vld [tilespmem:s22+$0x70]  }
0x244: {  	[tilespmem:v12+s13+$0x0] =	vst.idx.add.s32.msk $0xffff, v0;
	v10 =	vmax.u32 v10, v15;
	v12 =	vand.u32 $0x7FFFFFFF, v23;
	v15 =	vshrl.u32 v23, $0xF  }
0x245: {  	v10 =	vmax.u32 v10, v12;
	v12 =	vand.u32 $0x7FFFFFFF, v24;
	v23 =	vshrl.u32 v24, $0xF;
	[tilespmem:v9+s13+$0x0] =	vst.idx.add.s32.msk $0xffff, v0  }
0x246: {  	v9 =	vmax.u32 v10, v12;
	v10 =	vand.u32 $0x7FFFFFFF, v25;
	v12 =	vshrl.u32 v25, $0xF;
	[tilespmem:v8+s13+$0x0] =	vst.idx.add.s32.msk $0xffff, v0  }
0x247: {  	v8 =	vmax.u32 v9, v10;
	v9 =	vand.u32 $0x7FFFFFFF, v26;
	v24 =	vshrl.u32 v26, $0xF;
	[tilespmem:v7+s13+$0x0] =	vst.idx.add.s32.msk $0xffff, v0  }
0x248: {  	v7 =	vmax.u32 v8, v9;
	v8 =	vand.u32 $0x7FFFFFFF, v27;
	v25 =	vshrl.u32 v27, $0xF;
	[tilespmem:v6+s13+$0x0] =	vst.idx.add.s32.msk $0xffff, v0  }
0x249: {  	v13 =	vand.u32 $0xFFFF, v13;
	v26 =	vand.u32 $0xFFFF, v11;
	v10 =	vmax.u32 v7, v8;
	[tilespmem:v5+s13+$0x0] =	vst.idx.add.s32.msk $0xffff, v0  }
0x24a: {  	v14 =	vand.u32 $0xFFFF, v14;
	v16 =	vand.u32 $0xFFFF, v16;
	v17 =	vand.u32 $0xFFFF, v17;
	[tilespmem:v4+s13+$0x0] =	vst.idx.add.s32.msk $0xffff, v0  }
0x24b: {  	v11 =	vand.u32 $0xFFFF, v18;
	v9 =	vand.u32 $0xFFFF, v19;
	v8 =	vand.u32 $0xFFFF, v20;
	[tilespmem:v3+s13+$0x0] =	vst.idx.add.s32.msk $0xffff, v0  }
0x24c: {  	v6 =	vand.u32 $0xFFFF, v22;
	v7 =	vand.u32 $0xFFFF, v21;
	v5 =	vand.u32 $0xFFFF, v15;
	[tilespmem:v2+s13+$0x0] =	vst.idx.add.s32.msk $0xffff, v0  }
0x24d: {  	v4 =	vand.u32 $0xFFFF, v23;
	v3 =	vand.u32 $0xFFFF, v12;
	v2 =	vand.u32 $0xFFFF, v24;
	[tilespmem:v1+s13+$0x0] =	vst.idx.add.s32.msk $0xffff, v0  }
.Ltmp8:
0x24e: {  	v1 =	vand.u32 $0xFFFF, v25;
	[tilespmem:v26+s13+$0x0] =	vst.idx.add.s32.msk $0xffff, v0;
	(pc) =	sbr.rel @p0 .LBB2_19-.Ltmp8, $4  }
0x24f: {  	[tilespmem:v13+s13+$0x0] =	vst.idx.add.s32.msk $0xffff, v0  }
0x250: {  	[tilespmem:v14+s13+$0x0] =	vst.idx.add.s32.msk $0xffff, v0  }
0x251: {  	[tilespmem:v16+s13+$0x0] =	vst.idx.add.s32.msk $0xffff, v0  }
0x252: {  	s22 =	sadd.s32 $0x800, s22;
	[tilespmem:v17+s13+$0x0] =	vst.idx.add.s32.msk $0xffff, v0  }
0x253: {  	_ =	sdelay $0x3  }
0x254: {  	[tilespmem:v11+s13+$0x0] =	vst.idx.add.s32.msk $0xffff, v0  }
0x255: {  	[tilespmem:v9+s13+$0x0] =	vst.idx.add.s32.msk $0xffff, v0  }
0x256: {  	[tilespmem:v8+s13+$0x0] =	vst.idx.add.s32.msk $0xffff, v0  }
0x257: {  	[tilespmem:v7+s13+$0x0] =	vst.idx.add.s32.msk $0xffff, v0  }
0x258: {  	[tilespmem:v6+s13+$0x0] =	vst.idx.add.s32.msk $0xffff, v0  }
0x259: {  	[tilespmem:v5+s13+$0x0] =	vst.idx.add.s32.msk $0xffff, v0;
	s21 =	sshll.u32 s20, $0x4  }
0x25a: {  	[tilespmem:v4+s13+$0x0] =	vst.idx.add.s32.msk $0xffff, v0;
	s22 =	sadd.s32 s21, s6  }
0x25b: {  	[tilespmem:v3+s13+$0x0] =	vst.idx.add.s32.msk $0xffff, v0;
	s22 =	smin.u32 s22, $0x1FF8  }
0x25c: {  	[tilespmem:v2+s13+$0x0] =	vst.idx.add.s32.msk $0xffff, v0;
	s22 =	sshll.u32 s22, $0x8  }
0x25d: {  	[tilespmem:v1+s13+$0x0] =	vst.idx.add.s32.msk $0xffff, v0;
	s22 =	sadd.s32 s2, s22  }
0x25e: {  	[tilespmem:s3], [sflag:$0x1] =	stream.linear.gather [hbm4b:s22+s3], $0x4000, $0x38;
	[tilespmem:$0x18080] =	vst v63  }
0x25f: {  	_ =	swait.ge [sflag:s14], $0x4000  }
0x260: {  	[sflag:s14] =	ssyncset.done $0x0  }
0x261: {  	s31 =	simm.s32 $0x4470;
	[sflag:s14] =	ssyncadd.s32 $0xFFFFC000  }
0x262: {  	v1 =	vld [tilespmem:s31+$0xFFFFFB90]  }
0x263: {  	v2 =	vld [tilespmem:s31+$0xFFFFFBA0]  }
0x264: {  	v11 =	vld [tilespmem:s31+$0xFFFFFF90]  }
0x265: {  	v14 =	vld [tilespmem:s31+$0xFFFFFFC0]  }
0x266: {  	v15 =	vld [tilespmem:s31+$0xFFFFFFD0]  }
0x267: {  	v3 =	vld [tilespmem:s31+$0xFFFFFBB0]  }
0x268: {  	v5 =	vand.u32 $0x7FFFFFFF, v1;
	v1 =	vshrl.u32 v1, $0xF  }
0x269: {  	v4 =	vld [tilespmem:s31+$0xFFFFFBC0];
	v8 =	vand.u32 $0x7FFFFFFF, v2;
	v2 =	vshrl.u32 v2, $0xF;
	v17 =	vshrl.u32 v11, $0xF  }
0x26a: {  	v6 =	vld [tilespmem:s31+$0xFFFFFBD0];
	v18 =	vand.u32 $0x7FFFFFFF, v14;
	v14 =	vshrl.u32 v14, $0xF;
	vm0 =	vgt.s32 v10, v5  }
0x26b: {  	v7 =	vld [tilespmem:s31+$0xFFFFFBE0];
	v61 =	vand.u32 $0x7FFFFFFF, v15;
	v15 =	vshrl.u32 v15, $0xF;
	v5 =	vsel vm0, v10, v5  }
0x26c: {  	v9 =	vld [tilespmem:s31+$0xFFFFFBF0];
	v1 =	vand.u32 $0xFFFF, v1;
	v5 =	vmax.u32 v5, v8;
	v8 =	vand.u32 $0x7FFFFFFF, v3  }
0x26d: {  	v2 =	vand.u32 $0xFFFF, v2;
	v10 =	vld [tilespmem:s31+$0xFFFFFC00];
	v3 =	vshrl.u32 v3, $0xF;
	v5 =	vmax.u32 v5, v8  }
0x26e: {  	v8 =	vand.u32 $0x7FFFFFFF, v4;
	v4 =	vshrl.u32 v4, $0xF;
	v3 =	vand.u32 $0xFFFF, v3  }
0x26f: {  	v5 =	vmax.u32 v5, v8;
	v8 =	vand.u32 $0x7FFFFFFF, v6;
	v6 =	vshrl.u32 v6, $0xF  }
0x270: {  	v12 =	vld [tilespmem:s31+$0xFFFFFFA0];
	v4 =	vand.u32 $0xFFFF, v4;
	v5 =	vmax.u32 v5, v8;
	v8 =	vand.u32 $0x7FFFFFFF, v7  }
0x271: {  	v13 =	vld [tilespmem:s31+$0xFFFFFFB0];
	v7 =	vshrl.u32 v7, $0xF;
	v5 =	vmax.u32 v5, v8;
	v8 =	vand.u32 $0x7FFFFFFF, v9  }
0x272: {  	v20 =	vand.u32 $0xFFFF, v6;
	v5 =	vmax.u32 v5, v8;
	v8 =	vand.u32 $0x7FFFFFFF, v10  }
0x273: {  	v16 =	vshrl.u32 v10, $0xF;
	v10 =	vld [tilespmem:s31+$0xFFFFFFE0];
	v5 =	vmax.u32 v5, v8;
	v8 =	vand.u32 $0x7FFFFFFF, v11  }
0x274: {  	v9 =	vshrl.u32 v9, $0xF;
	v63 =	vand.u32 $0xFFFF, v7;
	v11 =	vld [tilespmem:s31+$0xFFFFFFF0];
	v5 =	vmax.u32 v5, v8  }
0x275: {  	v8 =	vand.u32 $0x7FFFFFFF, v12;
	v12 =	vshrl.u32 v12, $0xF;
	[tilespmem:v4+s13+$0x0] =	vst.idx.add.s32.msk $0xffff, v0;
	v4 =	vand.u32 $0xFFFF, v15  }
0x276: {  	v5 =	vmax.u32 v5, v8;
	v8 =	vand.u32 $0x7FFFFFFF, v13;
	v13 =	vshrl.u32 v13, $0xF  }
0x277: {  	v7 =	vand.u32 $0xFFFF, v12;
	v5 =	vmax.u32 v5, v8;
	v8 =	vld [tilespmem:s31+$0x0];
	v6 =	vand.u32 $0xFFFF, v13  }
0x278: {  	v5 =	vmax.u32 v5, v18;
	v62 =	vand.u32 $0x7FFFFFFF, v10;
	v19 =	vshrl.u32 v10, $0xF  }
0x279: {  	[tilespmem:v3+s13+$0x0] =	vst.idx.add.s32.msk $0xffff, v0;
	v5 =	vmax.u32 v5, v61;
	v21 =	vshrl.u32 v11, $0xF;
	v3 =	vand.u32 $0xFFFF, v19  }
0x27a: {  	[tilespmem:v1+s13+$0x0] =	vst.idx.add.s32.msk $0xffff, v0;
	v1 =	vmax.u32 v5, v62;
	v5 =	vand.u32 $0x7FFFFFFF, v11;
	v11 =	vand.u32 $0xFFFF, v9  }
0x27b: {  	[tilespmem:v2+s13+$0x0] =	vst.idx.add.s32.msk $0xffff, v0;
	v9 =	vand.u32 $0xFFFF, v16;
	v2 =	vand.u32 $0xFFFF, v21;
	v1 =	vmax.u32 v1, v5  }
0x27c: {  	[tilespmem:v20+s13+$0x0] =	vst.idx.add.s32.msk $0xffff, v0;
	v5 =	vand.u32 $0x7FFFFFFF, v8;
	v22 =	vshrl.u32 v8, $0xF;
	v8 =	vand.u32 $0xFFFF, v17  }
0x27d: {  	s23 =	simm.s32 $0x0;
	s24 =	simm.s32 $0x4C70;
	s22 =	simm.s32 $0x44F0;
	[tilespmem:v63+s13+$0x0] =	vst.idx.add.s32.msk $0xffff, v0;
	v10 =	vmax.u32 v1, v5;
	v5 =	vand.u32 $0xFFFF, v14;
	v1 =	vand.u32 $0xFFFF, v22  }
.LBB2_21:
0x27e: {  	v12 =	vld [tilespmem:s24+$0xFFFFFB90];
	s23 =	sadd.s32 $0x10, s23  }
0x27f: {  	p0 =	slt.u32 s23, $0x70;
	[tilespmem:v11+s13+$0x0] =	vst.idx.add.s32.msk $0xffff, v0  }
0x280: {  	v11 =	vld [tilespmem:s24+$0xFFFFFBA0]  }
0x281: {  	v13 =	vld [tilespmem:s24+$0xFFFFFBB0]  }
0x282: {  	v14 =	vld [tilespmem:s24+$0xFFFFFBC0]  }
0x283: {  	v15 =	vand.u32 $0x7FFFFFFF, v12;
	v12 =	vshrl.u32 v12, $0xF;
	v16 =	vld [tilespmem:s24+$0xFFFFFBD0]  }
0x284: {  	v12 =	vand.u32 $0xFFFF, v12;
	vm0 =	vgt.s32 v10, v15;
	v17 =	vld [tilespmem:s24+$0xFFFFFBE0]  }
0x285: {  	v10 =	vsel vm0, v10, v15;
	v15 =	vand.u32 $0x7FFFFFFF, v11;
	v11 =	vshrl.u32 v11, $0xF;
	v18 =	vld [tilespmem:s24+$0xFFFFFBF0]  }
0x286: {  	v10 =	vmax.u32 v10, v15;
	v15 =	vand.u32 $0x7FFFFFFF, v13;
	v13 =	vshrl.u32 v13, $0xF;
	v19 =	vld [tilespmem:s24+$0xFFFFFC00]  }
0x287: {  	v10 =	vmax.u32 v10, v15;
	v15 =	vand.u32 $0x7FFFFFFF, v14;
	v14 =	vshrl.u32 v14, $0xF;
	v20 =	vld [tilespmem:s24+$0xFFFFFF90]  }
0x288: {  	v10 =	vmax.u32 v10, v15;
	v15 =	vand.u32 $0x7FFFFFFF, v16;
	v16 =	vshrl.u32 v16, $0xF;
	v21 =	vld [tilespmem:s24+$0xFFFFFFA0]  }
0x289: {  	v10 =	vmax.u32 v10, v15;
	v15 =	vand.u32 $0x7FFFFFFF, v17;
	v17 =	vshrl.u32 v17, $0xF;
	v22 =	vld [tilespmem:s24+$0xFFFFFFB0]  }
0x28a: {  	v10 =	vmax.u32 v10, v15;
	v15 =	vand.u32 $0x7FFFFFFF, v18;
	v18 =	vshrl.u32 v18, $0xF;
	v23 =	vld [tilespmem:s24+$0xFFFFFFC0]  }
0x28b: {  	v10 =	vmax.u32 v10, v15;
	v15 =	vand.u32 $0x7FFFFFFF, v19;
	v19 =	vshrl.u32 v19, $0xF;
	v24 =	vld [tilespmem:s24+$0xFFFFFFD0]  }
0x28c: {  	v10 =	vmax.u32 v10, v15;
	v15 =	vand.u32 $0x7FFFFFFF, v20;
	v20 =	vshrl.u32 v20, $0xF;
	v25 =	vld [tilespmem:s24+$0xFFFFFFE0]  }
0x28d: {  	v10 =	vmax.u32 v10, v15;
	v15 =	vand.u32 $0x7FFFFFFF, v21;
	v21 =	vshrl.u32 v21, $0xF;
	v26 =	vld [tilespmem:s24+$0xFFFFFFF0]  }
0x28e: {  	v10 =	vmax.u32 v10, v15;
	v15 =	vand.u32 $0x7FFFFFFF, v22;
	v22 =	vshrl.u32 v22, $0xF;
	v27 =	vld [tilespmem:s24+$0x0]  }
0x28f: {  	[tilespmem:v12+s13+$0x0] =	vst.idx.add.s32.msk $0xffff, v0;
	v10 =	vmax.u32 v10, v15;
	v12 =	vand.u32 $0x7FFFFFFF, v23;
	v15 =	vshrl.u32 v23, $0xF  }
0x290: {  	v10 =	vmax.u32 v10, v12;
	v12 =	vand.u32 $0x7FFFFFFF, v24;
	v23 =	vshrl.u32 v24, $0xF;
	[tilespmem:v9+s13+$0x0] =	vst.idx.add.s32.msk $0xffff, v0  }
0x291: {  	v9 =	vmax.u32 v10, v12;
	v10 =	vand.u32 $0x7FFFFFFF, v25;
	v12 =	vshrl.u32 v25, $0xF;
	[tilespmem:v8+s13+$0x0] =	vst.idx.add.s32.msk $0xffff, v0  }
0x292: {  	v8 =	vmax.u32 v9, v10;
	v9 =	vand.u32 $0x7FFFFFFF, v26;
	v24 =	vshrl.u32 v26, $0xF;
	[tilespmem:v7+s13+$0x0] =	vst.idx.add.s32.msk $0xffff, v0  }
0x293: {  	v7 =	vmax.u32 v8, v9;
	v8 =	vand.u32 $0x7FFFFFFF, v27;
	v25 =	vshrl.u32 v27, $0xF;
	[tilespmem:v6+s13+$0x0] =	vst.idx.add.s32.msk $0xffff, v0  }
0x294: {  	v13 =	vand.u32 $0xFFFF, v13;
	v26 =	vand.u32 $0xFFFF, v11;
	v10 =	vmax.u32 v7, v8;
	[tilespmem:v5+s13+$0x0] =	vst.idx.add.s32.msk $0xffff, v0  }
0x295: {  	v14 =	vand.u32 $0xFFFF, v14;
	v16 =	vand.u32 $0xFFFF, v16;
	v17 =	vand.u32 $0xFFFF, v17;
	[tilespmem:v4+s13+$0x0] =	vst.idx.add.s32.msk $0xffff, v0  }
0x296: {  	v11 =	vand.u32 $0xFFFF, v18;
	v9 =	vand.u32 $0xFFFF, v19;
	v8 =	vand.u32 $0xFFFF, v20;
	[tilespmem:v3+s13+$0x0] =	vst.idx.add.s32.msk $0xffff, v0  }
0x297: {  	v6 =	vand.u32 $0xFFFF, v22;
	v7 =	vand.u32 $0xFFFF, v21;
	v5 =	vand.u32 $0xFFFF, v15;
	[tilespmem:v2+s13+$0x0] =	vst.idx.add.s32.msk $0xffff, v0  }
0x298: {  	v4 =	vand.u32 $0xFFFF, v23;
	v3 =	vand.u32 $0xFFFF, v12;
	v2 =	vand.u32 $0xFFFF, v24;
	[tilespmem:v1+s13+$0x0] =	vst.idx.add.s32.msk $0xffff, v0  }
.Ltmp9:
0x299: {  	v1 =	vand.u32 $0xFFFF, v25;
	[tilespmem:v26+s13+$0x0] =	vst.idx.add.s32.msk $0xffff, v0;
	(pc) =	sbr.rel @p0 .LBB2_21-.Ltmp9, $4  }
0x29a: {  	[tilespmem:v13+s13+$0x0] =	vst.idx.add.s32.msk $0xffff, v0  }
0x29b: {  	[tilespmem:v14+s13+$0x0] =	vst.idx.add.s32.msk $0xffff, v0  }
0x29c: {  	[tilespmem:v16+s13+$0x0] =	vst.idx.add.s32.msk $0xffff, v0  }
0x29d: {  	s24 =	sadd.s32 $0x800, s24;
	[tilespmem:v17+s13+$0x0] =	vst.idx.add.s32.msk $0xffff, v0  }
0x29e: {  	_ =	sdelay $0x3  }
0x29f: {  	[tilespmem:v11+s13+$0x0] =	vst.idx.add.s32.msk $0xffff, v0  }
0x2a0: {  	[tilespmem:v9+s13+$0x0] =	vst.idx.add.s32.msk $0xffff, v0  }
0x2a1: {  	[tilespmem:v8+s13+$0x0] =	vst.idx.add.s32.msk $0xffff, v0  }
0x2a2: {  	[tilespmem:v7+s13+$0x0] =	vst.idx.add.s32.msk $0xffff, v0  }
0x2a3: {  	[tilespmem:v6+s13+$0x0] =	vst.idx.add.s32.msk $0xffff, v0  }
0x2a4: {  	[tilespmem:v5+s13+$0x0] =	vst.idx.add.s32.msk $0xffff, v0  }
0x2a5: {  	[tilespmem:v4+s13+$0x0] =	vst.idx.add.s32.msk $0xffff, v0  }
0x2a6: {  	[tilespmem:v3+s13+$0x0] =	vst.idx.add.s32.msk $0xffff, v0  }
0x2a7: {  	[tilespmem:v2+s13+$0x0] =	vst.idx.add.s32.msk $0xffff, v0  }
0x2a8: {  	[tilespmem:v1+s13+$0x0] =	vst.idx.add.s32.msk $0xffff, v0  }
0x2a9: {  	v1 =	vld [tilespmem:s22+$0xFFFFFB90]  }
0x2aa: {  	v2 =	vld [tilespmem:s22+$0xFFFFFBA0]  }
0x2ab: {  	v11 =	vld [tilespmem:s22+$0xFFFFFF90]  }
0x2ac: {  	v14 =	vld [tilespmem:s22+$0xFFFFFFC0]  }
0x2ad: {  	v15 =	vld [tilespmem:s22+$0xFFFFFFD0]  }
0x2ae: {  	v3 =	vld [tilespmem:s22+$0xFFFFFBB0]  }
0x2af: {  	v5 =	vand.u32 $0x7FFFFFFF, v1;
	v1 =	vshrl.u32 v1, $0xF  }
0x2b0: {  	v4 =	vld [tilespmem:s22+$0xFFFFFBC0];
	v8 =	vand.u32 $0x7FFFFFFF, v2;
	v2 =	vshrl.u32 v2, $0xF;
	v17 =	vshrl.u32 v11, $0xF  }
0x2b1: {  	v6 =	vld [tilespmem:s22+$0xFFFFFBD0];
	v18 =	vand.u32 $0x7FFFFFFF, v14;
	v14 =	vshrl.u32 v14, $0xF;
	vm0 =	vgt.s32 v10, v5  }
0x2b2: {  	v7 =	vld [tilespmem:s22+$0xFFFFFBE0];
	v61 =	vand.u32 $0x7FFFFFFF, v15;
	v15 =	vshrl.u32 v15, $0xF;
	v5 =	vsel vm0, v10, v5  }
0x2b3: {  	v9 =	vld [tilespmem:s22+$0xFFFFFBF0];
	v1 =	vand.u32 $0xFFFF, v1;
	v5 =	vmax.u32 v5, v8;
	v8 =	vand.u32 $0x7FFFFFFF, v3  }
0x2b4: {  	v2 =	vand.u32 $0xFFFF, v2;
	v10 =	vld [tilespmem:s22+$0xFFFFFC00];
	v3 =	vshrl.u32 v3, $0xF;
	v5 =	vmax.u32 v5, v8  }
0x2b5: {  	v8 =	vand.u32 $0x7FFFFFFF, v4;
	v4 =	vshrl.u32 v4, $0xF;
	v3 =	vand.u32 $0xFFFF, v3  }
0x2b6: {  	v5 =	vmax.u32 v5, v8;
	v8 =	vand.u32 $0x7FFFFFFF, v6;
	v6 =	vshrl.u32 v6, $0xF  }
0x2b7: {  	v12 =	vld [tilespmem:s22+$0xFFFFFFA0];
	v4 =	vand.u32 $0xFFFF, v4;
	v5 =	vmax.u32 v5, v8;
	v8 =	vand.u32 $0x7FFFFFFF, v7  }
0x2b8: {  	v13 =	vld [tilespmem:s22+$0xFFFFFFB0];
	v7 =	vshrl.u32 v7, $0xF;
	v5 =	vmax.u32 v5, v8;
	v8 =	vand.u32 $0x7FFFFFFF, v9  }
0x2b9: {  	v20 =	vand.u32 $0xFFFF, v6;
	v5 =	vmax.u32 v5, v8;
	v8 =	vand.u32 $0x7FFFFFFF, v10  }
0x2ba: {  	v16 =	vshrl.u32 v10, $0xF;
	v10 =	vld [tilespmem:s22+$0xFFFFFFE0];
	v5 =	vmax.u32 v5, v8;
	v8 =	vand.u32 $0x7FFFFFFF, v11  }
0x2bb: {  	v9 =	vshrl.u32 v9, $0xF;
	v63 =	vand.u32 $0xFFFF, v7;
	v11 =	vld [tilespmem:s22+$0xFFFFFFF0];
	v5 =	vmax.u32 v5, v8  }
0x2bc: {  	v8 =	vand.u32 $0x7FFFFFFF, v12;
	v12 =	vshrl.u32 v12, $0xF;
	[tilespmem:v4+s13+$0x0] =	vst.idx.add.s32.msk $0xffff, v0;
	v4 =	vand.u32 $0xFFFF, v15  }
0x2bd: {  	v5 =	vmax.u32 v5, v8;
	v8 =	vand.u32 $0x7FFFFFFF, v13;
	v13 =	vshrl.u32 v13, $0xF  }
0x2be: {  	v7 =	vand.u32 $0xFFFF, v12;
	v5 =	vmax.u32 v5, v8;
	v8 =	vld [tilespmem:s22+$0x0];
	v6 =	vand.u32 $0xFFFF, v13  }
0x2bf: {  	v5 =	vmax.u32 v5, v18;
	v62 =	vand.u32 $0x7FFFFFFF, v10;
	v19 =	vshrl.u32 v10, $0xF  }
0x2c0: {  	[tilespmem:v3+s13+$0x0] =	vst.idx.add.s32.msk $0xffff, v0;
	v5 =	vmax.u32 v5, v61;
	v21 =	vshrl.u32 v11, $0xF;
	v3 =	vand.u32 $0xFFFF, v19  }
0x2c1: {  	[tilespmem:v1+s13+$0x0] =	vst.idx.add.s32.msk $0xffff, v0;
	v1 =	vmax.u32 v5, v62;
	v5 =	vand.u32 $0x7FFFFFFF, v11;
	v11 =	vand.u32 $0xFFFF, v9  }
0x2c2: {  	[tilespmem:v2+s13+$0x0] =	vst.idx.add.s32.msk $0xffff, v0;
	v9 =	vand.u32 $0xFFFF, v16;
	v2 =	vand.u32 $0xFFFF, v21;
	v1 =	vmax.u32 v1, v5  }
0x2c3: {  	[tilespmem:v20+s13+$0x0] =	vst.idx.add.s32.msk $0xffff, v0;
	v5 =	vand.u32 $0x7FFFFFFF, v8;
	v22 =	vshrl.u32 v8, $0xF;
	v8 =	vand.u32 $0xFFFF, v17  }
0x2c4: {  	s23 =	simm.s32 $0x0;
	s24 =	simm.s32 $0x4CF0;
	s22 =	simm.s32 $0x4570;
	[tilespmem:v63+s13+$0x0] =	vst.idx.add.s32.msk $0xffff, v0;
	v10 =	vmax.u32 v1, v5;
	v5 =	vand.u32 $0xFFFF, v14;
	v1 =	vand.u32 $0xFFFF, v22  }
.LBB2_23:
0x2c5: {  	v12 =	vld [tilespmem:s24+$0xFFFFFB90];
	s23 =	sadd.s32 $0x10, s23  }
0x2c6: {  	p0 =	slt.u32 s23, $0x70;
	[tilespmem:v11+s13+$0x0] =	vst.idx.add.s32.msk $0xffff, v0  }
0x2c7: {  	v11 =	vld [tilespmem:s24+$0xFFFFFBA0]  }
0x2c8: {  	v13 =	vld [tilespmem:s24+$0xFFFFFBB0]  }
0x2c9: {  	v14 =	vld [tilespmem:s24+$0xFFFFFBC0]  }
0x2ca: {  	v15 =	vand.u32 $0x7FFFFFFF, v12;
	v12 =	vshrl.u32 v12, $0xF;
	v16 =	vld [tilespmem:s24+$0xFFFFFBD0]  }
0x2cb: {  	v12 =	vand.u32 $0xFFFF, v12;
	vm0 =	vgt.s32 v10, v15;
	v17 =	vld [tilespmem:s24+$0xFFFFFBE0]  }
0x2cc: {  	v10 =	vsel vm0, v10, v15;
	v15 =	vand.u32 $0x7FFFFFFF, v11;
	v11 =	vshrl.u32 v11, $0xF;
	v18 =	vld [tilespmem:s24+$0xFFFFFBF0]  }
0x2cd: {  	v10 =	vmax.u32 v10, v15;
	v15 =	vand.u32 $0x7FFFFFFF, v13;
	v13 =	vshrl.u32 v13, $0xF;
	v19 =	vld [tilespmem:s24+$0xFFFFFC00]  }
0x2ce: {  	v10 =	vmax.u32 v10, v15;
	v15 =	vand.u32 $0x7FFFFFFF, v14;
	v14 =	vshrl.u32 v14, $0xF;
	v20 =	vld [tilespmem:s24+$0xFFFFFF90]  }
0x2cf: {  	v10 =	vmax.u32 v10, v15;
	v15 =	vand.u32 $0x7FFFFFFF, v16;
	v16 =	vshrl.u32 v16, $0xF;
	v21 =	vld [tilespmem:s24+$0xFFFFFFA0]  }
0x2d0: {  	v10 =	vmax.u32 v10, v15;
	v15 =	vand.u32 $0x7FFFFFFF, v17;
	v17 =	vshrl.u32 v17, $0xF;
	v22 =	vld [tilespmem:s24+$0xFFFFFFB0]  }
0x2d1: {  	v10 =	vmax.u32 v10, v15;
	v15 =	vand.u32 $0x7FFFFFFF, v18;
	v18 =	vshrl.u32 v18, $0xF;
	v23 =	vld [tilespmem:s24+$0xFFFFFFC0]  }
0x2d2: {  	v10 =	vmax.u32 v10, v15;
	v15 =	vand.u32 $0x7FFFFFFF, v19;
	v19 =	vshrl.u32 v19, $0xF;
	v24 =	vld [tilespmem:s24+$0xFFFFFFD0]  }
0x2d3: {  	v10 =	vmax.u32 v10, v15;
	v15 =	vand.u32 $0x7FFFFFFF, v20;
	v20 =	vshrl.u32 v20, $0xF;
	v25 =	vld [tilespmem:s24+$0xFFFFFFE0]  }
0x2d4: {  	v10 =	vmax.u32 v10, v15;
	v15 =	vand.u32 $0x7FFFFFFF, v21;
	v21 =	vshrl.u32 v21, $0xF;
	v26 =	vld [tilespmem:s24+$0xFFFFFFF0]  }
0x2d5: {  	v10 =	vmax.u32 v10, v15;
	v15 =	vand.u32 $0x7FFFFFFF, v22;
	v22 =	vshrl.u32 v22, $0xF;
	v27 =	vld [tilespmem:s24+$0x0]  }
0x2d6: {  	[tilespmem:v12+s13+$0x0] =	vst.idx.add.s32.msk $0xffff, v0;
	v10 =	vmax.u32 v10, v15;
	v12 =	vand.u32 $0x7FFFFFFF, v23;
	v15 =	vshrl.u32 v23, $0xF  }
0x2d7: {  	v10 =	vmax.u32 v10, v12;
	v12 =	vand.u32 $0x7FFFFFFF, v24;
	v23 =	vshrl.u32 v24, $0xF;
	[tilespmem:v9+s13+$0x0] =	vst.idx.add.s32.msk $0xffff, v0  }
0x2d8: {  	v9 =	vmax.u32 v10, v12;
	v10 =	vand.u32 $0x7FFFFFFF, v25;
	v12 =	vshrl.u32 v25, $0xF;
	[tilespmem:v8+s13+$0x0] =	vst.idx.add.s32.msk $0xffff, v0  }
0x2d9: {  	v8 =	vmax.u32 v9, v10;
	v9 =	vand.u32 $0x7FFFFFFF, v26;
	v24 =	vshrl.u32 v26, $0xF;
	[tilespmem:v7+s13+$0x0] =	vst.idx.add.s32.msk $0xffff, v0  }
0x2da: {  	v7 =	vmax.u32 v8, v9;
	v8 =	vand.u32 $0x7FFFFFFF, v27;
	v25 =	vshrl.u32 v27, $0xF;
	[tilespmem:v6+s13+$0x0] =	vst.idx.add.s32.msk $0xffff, v0  }
0x2db: {  	v13 =	vand.u32 $0xFFFF, v13;
	v26 =	vand.u32 $0xFFFF, v11;
	v10 =	vmax.u32 v7, v8;
	[tilespmem:v5+s13+$0x0] =	vst.idx.add.s32.msk $0xffff, v0  }
0x2dc: {  	v14 =	vand.u32 $0xFFFF, v14;
	v16 =	vand.u32 $0xFFFF, v16;
	v17 =	vand.u32 $0xFFFF, v17;
	[tilespmem:v4+s13+$0x0] =	vst.idx.add.s32.msk $0xffff, v0  }
0x2dd: {  	v11 =	vand.u32 $0xFFFF, v18;
	v9 =	vand.u32 $0xFFFF, v19;
	v8 =	vand.u32 $0xFFFF, v20;
	[tilespmem:v3+s13+$0x0] =	vst.idx.add.s32.msk $0xffff, v0  }
0x2de: {  	v6 =	vand.u32 $0xFFFF, v22;
	v7 =	vand.u32 $0xFFFF, v21;
	v5 =	vand.u32 $0xFFFF, v15;
	[tilespmem:v2+s13+$0x0] =	vst.idx.add.s32.msk $0xffff, v0  }
0x2df: {  	v4 =	vand.u32 $0xFFFF, v23;
	v3 =	vand.u32 $0xFFFF, v12;
	v2 =	vand.u32 $0xFFFF, v24;
	[tilespmem:v1+s13+$0x0] =	vst.idx.add.s32.msk $0xffff, v0  }
.Ltmp10:
0x2e0: {  	v1 =	vand.u32 $0xFFFF, v25;
	[tilespmem:v26+s13+$0x0] =	vst.idx.add.s32.msk $0xffff, v0;
	(pc) =	sbr.rel @p0 .LBB2_23-.Ltmp10, $4  }
0x2e1: {  	[tilespmem:v13+s13+$0x0] =	vst.idx.add.s32.msk $0xffff, v0  }
0x2e2: {  	[tilespmem:v14+s13+$0x0] =	vst.idx.add.s32.msk $0xffff, v0  }
0x2e3: {  	[tilespmem:v16+s13+$0x0] =	vst.idx.add.s32.msk $0xffff, v0  }
0x2e4: {  	s24 =	sadd.s32 $0x800, s24;
	[tilespmem:v17+s13+$0x0] =	vst.idx.add.s32.msk $0xffff, v0  }
0x2e5: {  	_ =	sdelay $0x3  }
0x2e6: {  	[tilespmem:v11+s13+$0x0] =	vst.idx.add.s32.msk $0xffff, v0  }
0x2e7: {  	[tilespmem:v9+s13+$0x0] =	vst.idx.add.s32.msk $0xffff, v0  }
0x2e8: {  	[tilespmem:v8+s13+$0x0] =	vst.idx.add.s32.msk $0xffff, v0  }
0x2e9: {  	[tilespmem:v7+s13+$0x0] =	vst.idx.add.s32.msk $0xffff, v0  }
0x2ea: {  	[tilespmem:v6+s13+$0x0] =	vst.idx.add.s32.msk $0xffff, v0  }
0x2eb: {  	[tilespmem:v5+s13+$0x0] =	vst.idx.add.s32.msk $0xffff, v0  }
0x2ec: {  	[tilespmem:v4+s13+$0x0] =	vst.idx.add.s32.msk $0xffff, v0  }
0x2ed: {  	[tilespmem:v3+s13+$0x0] =	vst.idx.add.s32.msk $0xffff, v0  }
0x2ee: {  	[tilespmem:v2+s13+$0x0] =	vst.idx.add.s32.msk $0xffff, v0  }
0x2ef: {  	[tilespmem:v1+s13+$0x0] =	vst.idx.add.s32.msk $0xffff, v0  }
0x2f0: {  	v1 =	vld [tilespmem:s22+$0xFFFFFB90]  }
0x2f1: {  	v2 =	vld [tilespmem:s22+$0xFFFFFBA0]  }
0x2f2: {  	v11 =	vld [tilespmem:s22+$0xFFFFFF90]  }
0x2f3: {  	v14 =	vld [tilespmem:s22+$0xFFFFFFC0]  }
0x2f4: {  	v15 =	vld [tilespmem:s22+$0xFFFFFFD0]  }
0x2f5: {  	v3 =	vld [tilespmem:s22+$0xFFFFFBB0]  }
0x2f6: {  	v5 =	vand.u32 $0x7FFFFFFF, v1;
	v1 =	vshrl.u32 v1, $0xF  }
0x2f7: {  	v4 =	vld [tilespmem:s22+$0xFFFFFBC0];
	v8 =	vand.u32 $0x7FFFFFFF, v2;
	v2 =	vshrl.u32 v2, $0xF;
	v17 =	vshrl.u32 v11, $0xF  }
0x2f8: {  	v6 =	vld [tilespmem:s22+$0xFFFFFBD0];
	v18 =	vand.u32 $0x7FFFFFFF, v14;
	v14 =	vshrl.u32 v14, $0xF;
	vm0 =	vgt.s32 v10, v5  }
0x2f9: {  	v7 =	vld [tilespmem:s22+$0xFFFFFBE0];
	v61 =	vand.u32 $0x7FFFFFFF, v15;
	v15 =	vshrl.u32 v15, $0xF;
	v5 =	vsel vm0, v10, v5  }
0x2fa: {  	v9 =	vld [tilespmem:s22+$0xFFFFFBF0];
	v1 =	vand.u32 $0xFFFF, v1;
	v5 =	vmax.u32 v5, v8;
	v8 =	vand.u32 $0x7FFFFFFF, v3  }
0x2fb: {  	v2 =	vand.u32 $0xFFFF, v2;
	v10 =	vld [tilespmem:s22+$0xFFFFFC00];
	v3 =	vshrl.u32 v3, $0xF;
	v5 =	vmax.u32 v5, v8  }
0x2fc: {  	v8 =	vand.u32 $0x7FFFFFFF, v4;
	v4 =	vshrl.u32 v4, $0xF;
	v3 =	vand.u32 $0xFFFF, v3  }
0x2fd: {  	v5 =	vmax.u32 v5, v8;
	v8 =	vand.u32 $0x7FFFFFFF, v6;
	v6 =	vshrl.u32 v6, $0xF  }
0x2fe: {  	v12 =	vld [tilespmem:s22+$0xFFFFFFA0];
	v4 =	vand.u32 $0xFFFF, v4;
	v5 =	vmax.u32 v5, v8;
	v8 =	vand.u32 $0x7FFFFFFF, v7  }
0x2ff: {  	v13 =	vld [tilespmem:s22+$0xFFFFFFB0];
	v7 =	vshrl.u32 v7, $0xF;
	v5 =	vmax.u32 v5, v8;
	v8 =	vand.u32 $0x7FFFFFFF, v9  }
0x300: {  	v20 =	vand.u32 $0xFFFF, v6;
	v5 =	vmax.u32 v5, v8;
	v8 =	vand.u32 $0x7FFFFFFF, v10  }
0x301: {  	v16 =	vshrl.u32 v10, $0xF;
	v10 =	vld [tilespmem:s22+$0xFFFFFFE0];
	v5 =	vmax.u32 v5, v8;
	v8 =	vand.u32 $0x7FFFFFFF, v11  }
0x302: {  	v9 =	vshrl.u32 v9, $0xF;
	v63 =	vand.u32 $0xFFFF, v7;
	v11 =	vld [tilespmem:s22+$0xFFFFFFF0];
	v5 =	vmax.u32 v5, v8  }
0x303: {  	v8 =	vand.u32 $0x7FFFFFFF, v12;
	v12 =	vshrl.u32 v12, $0xF;
	[tilespmem:v4+s13+$0x0] =	vst.idx.add.s32.msk $0xffff, v0;
	v4 =	vand.u32 $0xFFFF, v15  }
0x304: {  	v5 =	vmax.u32 v5, v8;
	v8 =	vand.u32 $0x7FFFFFFF, v13;
	v13 =	vshrl.u32 v13, $0xF  }
0x305: {  	v7 =	vand.u32 $0xFFFF, v12;
	v5 =	vmax.u32 v5, v8;
	v8 =	vld [tilespmem:s22+$0x0];
	v6 =	vand.u32 $0xFFFF, v13  }
0x306: {  	v5 =	vmax.u32 v5, v18;
	v62 =	vand.u32 $0x7FFFFFFF, v10;
	v19 =	vshrl.u32 v10, $0xF  }
0x307: {  	[tilespmem:v3+s13+$0x0] =	vst.idx.add.s32.msk $0xffff, v0;
	v5 =	vmax.u32 v5, v61;
	v21 =	vshrl.u32 v11, $0xF;
	v3 =	vand.u32 $0xFFFF, v19  }
0x308: {  	[tilespmem:v1+s13+$0x0] =	vst.idx.add.s32.msk $0xffff, v0;
	v1 =	vmax.u32 v5, v62;
	v5 =	vand.u32 $0x7FFFFFFF, v11;
	v11 =	vand.u32 $0xFFFF, v9  }
0x309: {  	[tilespmem:v2+s13+$0x0] =	vst.idx.add.s32.msk $0xffff, v0;
	v9 =	vand.u32 $0xFFFF, v16;
	v2 =	vand.u32 $0xFFFF, v21;
	v1 =	vmax.u32 v1, v5  }
0x30a: {  	[tilespmem:v20+s13+$0x0] =	vst.idx.add.s32.msk $0xffff, v0;
	v5 =	vand.u32 $0x7FFFFFFF, v8;
	v22 =	vshrl.u32 v8, $0xF;
	v8 =	vand.u32 $0xFFFF, v17  }
0x30b: {  	s23 =	simm.s32 $0x0;
	s24 =	simm.s32 $0x4D70;
	s22 =	simm.s32 $0x45F0;
	[tilespmem:v63+s13+$0x0] =	vst.idx.add.s32.msk $0xffff, v0;
	v10 =	vmax.u32 v1, v5;
	v5 =	vand.u32 $0xFFFF, v14;
	v1 =	vand.u32 $0xFFFF, v22  }
.LBB2_25:
0x30c: {  	v12 =	vld [tilespmem:s24+$0xFFFFFB90];
	s23 =	sadd.s32 $0x10, s23  }
0x30d: {  	p0 =	slt.u32 s23, $0x70;
	[tilespmem:v11+s13+$0x0] =	vst.idx.add.s32.msk $0xffff, v0  }
0x30e: {  	v11 =	vld [tilespmem:s24+$0xFFFFFBA0]  }
0x30f: {  	v13 =	vld [tilespmem:s24+$0xFFFFFBB0]  }
0x310: {  	v14 =	vld [tilespmem:s24+$0xFFFFFBC0]  }
0x311: {  	v15 =	vand.u32 $0x7FFFFFFF, v12;
	v12 =	vshrl.u32 v12, $0xF;
	v16 =	vld [tilespmem:s24+$0xFFFFFBD0]  }
0x312: {  	v12 =	vand.u32 $0xFFFF, v12;
	vm0 =	vgt.s32 v10, v15;
	v17 =	vld [tilespmem:s24+$0xFFFFFBE0]  }
0x313: {  	v10 =	vsel vm0, v10, v15;
	v15 =	vand.u32 $0x7FFFFFFF, v11;
	v11 =	vshrl.u32 v11, $0xF;
	v18 =	vld [tilespmem:s24+$0xFFFFFBF0]  }
0x314: {  	v10 =	vmax.u32 v10, v15;
	v15 =	vand.u32 $0x7FFFFFFF, v13;
	v13 =	vshrl.u32 v13, $0xF;
	v19 =	vld [tilespmem:s24+$0xFFFFFC00]  }
0x315: {  	v10 =	vmax.u32 v10, v15;
	v15 =	vand.u32 $0x7FFFFFFF, v14;
	v14 =	vshrl.u32 v14, $0xF;
	v20 =	vld [tilespmem:s24+$0xFFFFFF90]  }
0x316: {  	v10 =	vmax.u32 v10, v15;
	v15 =	vand.u32 $0x7FFFFFFF, v16;
	v16 =	vshrl.u32 v16, $0xF;
	v21 =	vld [tilespmem:s24+$0xFFFFFFA0]  }
0x317: {  	v10 =	vmax.u32 v10, v15;
	v15 =	vand.u32 $0x7FFFFFFF, v17;
	v17 =	vshrl.u32 v17, $0xF;
	v22 =	vld [tilespmem:s24+$0xFFFFFFB0]  }
0x318: {  	v10 =	vmax.u32 v10, v15;
	v15 =	vand.u32 $0x7FFFFFFF, v18;
	v18 =	vshrl.u32 v18, $0xF;
	v23 =	vld [tilespmem:s24+$0xFFFFFFC0]  }
0x319: {  	v10 =	vmax.u32 v10, v15;
	v15 =	vand.u32 $0x7FFFFFFF, v19;
	v19 =	vshrl.u32 v19, $0xF;
	v24 =	vld [tilespmem:s24+$0xFFFFFFD0]  }
0x31a: {  	v10 =	vmax.u32 v10, v15;
	v15 =	vand.u32 $0x7FFFFFFF, v20;
	v20 =	vshrl.u32 v20, $0xF;
	v25 =	vld [tilespmem:s24+$0xFFFFFFE0]  }
0x31b: {  	v10 =	vmax.u32 v10, v15;
	v15 =	vand.u32 $0x7FFFFFFF, v21;
	v21 =	vshrl.u32 v21, $0xF;
	v26 =	vld [tilespmem:s24+$0xFFFFFFF0]  }
0x31c: {  	v10 =	vmax.u32 v10, v15;
	v15 =	vand.u32 $0x7FFFFFFF, v22;
	v22 =	vshrl.u32 v22, $0xF;
	v27 =	vld [tilespmem:s24+$0x0]  }
0x31d: {  	[tilespmem:v12+s13+$0x0] =	vst.idx.add.s32.msk $0xffff, v0;
	v10 =	vmax.u32 v10, v15;
	v12 =	vand.u32 $0x7FFFFFFF, v23;
	v15 =	vshrl.u32 v23, $0xF  }
0x31e: {  	v10 =	vmax.u32 v10, v12;
	v12 =	vand.u32 $0x7FFFFFFF, v24;
	v23 =	vshrl.u32 v24, $0xF;
	[tilespmem:v9+s13+$0x0] =	vst.idx.add.s32.msk $0xffff, v0  }
0x31f: {  	v9 =	vmax.u32 v10, v12;
	v10 =	vand.u32 $0x7FFFFFFF, v25;
	v12 =	vshrl.u32 v25, $0xF;
	[tilespmem:v8+s13+$0x0] =	vst.idx.add.s32.msk $0xffff, v0  }
0x320: {  	v8 =	vmax.u32 v9, v10;
	v9 =	vand.u32 $0x7FFFFFFF, v26;
	v24 =	vshrl.u32 v26, $0xF;
	[tilespmem:v7+s13+$0x0] =	vst.idx.add.s32.msk $0xffff, v0  }
0x321: {  	v7 =	vmax.u32 v8, v9;
	v8 =	vand.u32 $0x7FFFFFFF, v27;
	v25 =	vshrl.u32 v27, $0xF;
	[tilespmem:v6+s13+$0x0] =	vst.idx.add.s32.msk $0xffff, v0  }
0x322: {  	v13 =	vand.u32 $0xFFFF, v13;
	v26 =	vand.u32 $0xFFFF, v11;
	v10 =	vmax.u32 v7, v8;
	[tilespmem:v5+s13+$0x0] =	vst.idx.add.s32.msk $0xffff, v0  }
0x323: {  	v14 =	vand.u32 $0xFFFF, v14;
	v16 =	vand.u32 $0xFFFF, v16;
	v17 =	vand.u32 $0xFFFF, v17;
	[tilespmem:v4+s13+$0x0] =	vst.idx.add.s32.msk $0xffff, v0  }
0x324: {  	v11 =	vand.u32 $0xFFFF, v18;
	v9 =	vand.u32 $0xFFFF, v19;
	v8 =	vand.u32 $0xFFFF, v20;
	[tilespmem:v3+s13+$0x0] =	vst.idx.add.s32.msk $0xffff, v0  }
0x325: {  	v6 =	vand.u32 $0xFFFF, v22;
	v7 =	vand.u32 $0xFFFF, v21;
	v5 =	vand.u32 $0xFFFF, v15;
	[tilespmem:v2+s13+$0x0] =	vst.idx.add.s32.msk $0xffff, v0  }
0x326: {  	v4 =	vand.u32 $0xFFFF, v23;
	v3 =	vand.u32 $0xFFFF, v12;
	v2 =	vand.u32 $0xFFFF, v24;
	[tilespmem:v1+s13+$0x0] =	vst.idx.add.s32.msk $0xffff, v0  }
.Ltmp11:
0x327: {  	v1 =	vand.u32 $0xFFFF, v25;
	[tilespmem:v26+s13+$0x0] =	vst.idx.add.s32.msk $0xffff, v0;
	(pc) =	sbr.rel @p0 .LBB2_25-.Ltmp11, $4  }
0x328: {  	[tilespmem:v13+s13+$0x0] =	vst.idx.add.s32.msk $0xffff, v0  }
0x329: {  	[tilespmem:v14+s13+$0x0] =	vst.idx.add.s32.msk $0xffff, v0  }
0x32a: {  	[tilespmem:v16+s13+$0x0] =	vst.idx.add.s32.msk $0xffff, v0  }
0x32b: {  	s24 =	sadd.s32 $0x800, s24;
	[tilespmem:v17+s13+$0x0] =	vst.idx.add.s32.msk $0xffff, v0  }
0x32c: {  	_ =	sdelay $0x3  }
0x32d: {  	[tilespmem:v11+s13+$0x0] =	vst.idx.add.s32.msk $0xffff, v0  }
0x32e: {  	[tilespmem:v9+s13+$0x0] =	vst.idx.add.s32.msk $0xffff, v0  }
0x32f: {  	[tilespmem:v8+s13+$0x0] =	vst.idx.add.s32.msk $0xffff, v0  }
0x330: {  	[tilespmem:v7+s13+$0x0] =	vst.idx.add.s32.msk $0xffff, v0  }
0x331: {  	[tilespmem:v6+s13+$0x0] =	vst.idx.add.s32.msk $0xffff, v0  }
0x332: {  	[tilespmem:v5+s13+$0x0] =	vst.idx.add.s32.msk $0xffff, v0  }
0x333: {  	[tilespmem:v4+s13+$0x0] =	vst.idx.add.s32.msk $0xffff, v0  }
0x334: {  	[tilespmem:v3+s13+$0x0] =	vst.idx.add.s32.msk $0xffff, v0  }
0x335: {  	[tilespmem:v2+s13+$0x0] =	vst.idx.add.s32.msk $0xffff, v0  }
0x336: {  	[tilespmem:v1+s13+$0x0] =	vst.idx.add.s32.msk $0xffff, v0  }
0x337: {  	v1 =	vld [tilespmem:s22+$0xFFFFFB90]  }
0x338: {  	v2 =	vld [tilespmem:s22+$0xFFFFFBA0]  }
0x339: {  	v11 =	vld [tilespmem:s22+$0xFFFFFF90]  }
0x33a: {  	v14 =	vld [tilespmem:s22+$0xFFFFFFC0]  }
0x33b: {  	v15 =	vld [tilespmem:s22+$0xFFFFFFD0]  }
0x33c: {  	v3 =	vld [tilespmem:s22+$0xFFFFFBB0]  }
0x33d: {  	v5 =	vand.u32 $0x7FFFFFFF, v1;
	v1 =	vshrl.u32 v1, $0xF  }
0x33e: {  	v4 =	vld [tilespmem:s22+$0xFFFFFBC0];
	v8 =	vand.u32 $0x7FFFFFFF, v2;
	v2 =	vshrl.u32 v2, $0xF;
	v17 =	vshrl.u32 v11, $0xF  }
0x33f: {  	v6 =	vld [tilespmem:s22+$0xFFFFFBD0];
	v18 =	vand.u32 $0x7FFFFFFF, v14;
	v14 =	vshrl.u32 v14, $0xF;
	vm0 =	vgt.s32 v10, v5  }
0x340: {  	v7 =	vld [tilespmem:s22+$0xFFFFFBE0];
	v61 =	vand.u32 $0x7FFFFFFF, v15;
	v15 =	vshrl.u32 v15, $0xF;
	v5 =	vsel vm0, v10, v5  }
0x341: {  	v9 =	vld [tilespmem:s22+$0xFFFFFBF0];
	v1 =	vand.u32 $0xFFFF, v1;
	v5 =	vmax.u32 v5, v8;
	v8 =	vand.u32 $0x7FFFFFFF, v3  }
0x342: {  	v2 =	vand.u32 $0xFFFF, v2;
	v10 =	vld [tilespmem:s22+$0xFFFFFC00];
	v3 =	vshrl.u32 v3, $0xF;
	v5 =	vmax.u32 v5, v8  }
0x343: {  	v8 =	vand.u32 $0x7FFFFFFF, v4;
	v4 =	vshrl.u32 v4, $0xF;
	v3 =	vand.u32 $0xFFFF, v3  }
0x344: {  	v5 =	vmax.u32 v5, v8;
	v8 =	vand.u32 $0x7FFFFFFF, v6;
	v6 =	vshrl.u32 v6, $0xF  }
0x345: {  	v12 =	vld [tilespmem:s22+$0xFFFFFFA0];
	v4 =	vand.u32 $0xFFFF, v4;
	v5 =	vmax.u32 v5, v8;
	v8 =	vand.u32 $0x7FFFFFFF, v7  }
0x346: {  	v13 =	vld [tilespmem:s22+$0xFFFFFFB0];
	v7 =	vshrl.u32 v7, $0xF;
	v5 =	vmax.u32 v5, v8;
	v8 =	vand.u32 $0x7FFFFFFF, v9  }
0x347: {  	v20 =	vand.u32 $0xFFFF, v6;
	v5 =	vmax.u32 v5, v8;
	v8 =	vand.u32 $0x7FFFFFFF, v10  }
0x348: {  	v16 =	vshrl.u32 v10, $0xF;
	v10 =	vld [tilespmem:s22+$0xFFFFFFE0];
	v5 =	vmax.u32 v5, v8;
	v8 =	vand.u32 $0x7FFFFFFF, v11  }
0x349: {  	v9 =	vshrl.u32 v9, $0xF;
	v63 =	vand.u32 $0xFFFF, v7;
	v11 =	vld [tilespmem:s22+$0xFFFFFFF0];
	v5 =	vmax.u32 v5, v8  }
0x34a: {  	v8 =	vand.u32 $0x7FFFFFFF, v12;
	v12 =	vshrl.u32 v12, $0xF;
	[tilespmem:v4+s13+$0x0] =	vst.idx.add.s32.msk $0xffff, v0;
	v4 =	vand.u32 $0xFFFF, v15  }
0x34b: {  	v5 =	vmax.u32 v5, v8;
	v8 =	vand.u32 $0x7FFFFFFF, v13;
	v13 =	vshrl.u32 v13, $0xF  }
0x34c: {  	v7 =	vand.u32 $0xFFFF, v12;
	v5 =	vmax.u32 v5, v8;
	v8 =	vld [tilespmem:s22+$0x0];
	v6 =	vand.u32 $0xFFFF, v13  }
0x34d: {  	v5 =	vmax.u32 v5, v18;
	v62 =	vand.u32 $0x7FFFFFFF, v10;
	v19 =	vshrl.u32 v10, $0xF  }
0x34e: {  	[tilespmem:v3+s13+$0x0] =	vst.idx.add.s32.msk $0xffff, v0;
	v5 =	vmax.u32 v5, v61;
	v21 =	vshrl.u32 v11, $0xF;
	v3 =	vand.u32 $0xFFFF, v19  }
0x34f: {  	[tilespmem:v1+s13+$0x0] =	vst.idx.add.s32.msk $0xffff, v0;
	v1 =	vmax.u32 v5, v62;
	v5 =	vand.u32 $0x7FFFFFFF, v11;
	v11 =	vand.u32 $0xFFFF, v9  }
0x350: {  	[tilespmem:v2+s13+$0x0] =	vst.idx.add.s32.msk $0xffff, v0;
	v9 =	vand.u32 $0xFFFF, v16;
	v2 =	vand.u32 $0xFFFF, v21;
	v1 =	vmax.u32 v1, v5  }
0x351: {  	[tilespmem:v20+s13+$0x0] =	vst.idx.add.s32.msk $0xffff, v0;
	v5 =	vand.u32 $0x7FFFFFFF, v8;
	v22 =	vshrl.u32 v8, $0xF;
	v8 =	vand.u32 $0xFFFF, v17  }
0x352: {  	s23 =	simm.s32 $0x0;
	s24 =	simm.s32 $0x4DF0;
	s22 =	simm.s32 $0x4670;
	[tilespmem:v63+s13+$0x0] =	vst.idx.add.s32.msk $0xffff, v0;
	v10 =	vmax.u32 v1, v5;
	v5 =	vand.u32 $0xFFFF, v14;
	v1 =	vand.u32 $0xFFFF, v22  }
.LBB2_27:
0x353: {  	v12 =	vld [tilespmem:s24+$0xFFFFFB90];
	s23 =	sadd.s32 $0x10, s23  }
0x354: {  	p0 =	slt.u32 s23, $0x70;
	[tilespmem:v11+s13+$0x0] =	vst.idx.add.s32.msk $0xffff, v0  }
0x355: {  	v11 =	vld [tilespmem:s24+$0xFFFFFBA0]  }
0x356: {  	v13 =	vld [tilespmem:s24+$0xFFFFFBB0]  }
0x357: {  	v14 =	vld [tilespmem:s24+$0xFFFFFBC0]  }
0x358: {  	v15 =	vand.u32 $0x7FFFFFFF, v12;
	v12 =	vshrl.u32 v12, $0xF;
	v16 =	vld [tilespmem:s24+$0xFFFFFBD0]  }
0x359: {  	v12 =	vand.u32 $0xFFFF, v12;
	vm0 =	vgt.s32 v10, v15;
	v17 =	vld [tilespmem:s24+$0xFFFFFBE0]  }
0x35a: {  	v10 =	vsel vm0, v10, v15;
	v15 =	vand.u32 $0x7FFFFFFF, v11;
	v11 =	vshrl.u32 v11, $0xF;
	v18 =	vld [tilespmem:s24+$0xFFFFFBF0]  }
0x35b: {  	v10 =	vmax.u32 v10, v15;
	v15 =	vand.u32 $0x7FFFFFFF, v13;
	v13 =	vshrl.u32 v13, $0xF;
	v19 =	vld [tilespmem:s24+$0xFFFFFC00]  }
0x35c: {  	v10 =	vmax.u32 v10, v15;
	v15 =	vand.u32 $0x7FFFFFFF, v14;
	v14 =	vshrl.u32 v14, $0xF;
	v20 =	vld [tilespmem:s24+$0xFFFFFF90]  }
0x35d: {  	v10 =	vmax.u32 v10, v15;
	v15 =	vand.u32 $0x7FFFFFFF, v16;
	v16 =	vshrl.u32 v16, $0xF;
	v21 =	vld [tilespmem:s24+$0xFFFFFFA0]  }
0x35e: {  	v10 =	vmax.u32 v10, v15;
	v15 =	vand.u32 $0x7FFFFFFF, v17;
	v17 =	vshrl.u32 v17, $0xF;
	v22 =	vld [tilespmem:s24+$0xFFFFFFB0]  }
0x35f: {  	v10 =	vmax.u32 v10, v15;
	v15 =	vand.u32 $0x7FFFFFFF, v18;
	v18 =	vshrl.u32 v18, $0xF;
	v23 =	vld [tilespmem:s24+$0xFFFFFFC0]  }
0x360: {  	v10 =	vmax.u32 v10, v15;
	v15 =	vand.u32 $0x7FFFFFFF, v19;
	v19 =	vshrl.u32 v19, $0xF;
	v24 =	vld [tilespmem:s24+$0xFFFFFFD0]  }
0x361: {  	v10 =	vmax.u32 v10, v15;
	v15 =	vand.u32 $0x7FFFFFFF, v20;
	v20 =	vshrl.u32 v20, $0xF;
	v25 =	vld [tilespmem:s24+$0xFFFFFFE0]  }
0x362: {  	v10 =	vmax.u32 v10, v15;
	v15 =	vand.u32 $0x7FFFFFFF, v21;
	v21 =	vshrl.u32 v21, $0xF;
	v26 =	vld [tilespmem:s24+$0xFFFFFFF0]  }
0x363: {  	v10 =	vmax.u32 v10, v15;
	v15 =	vand.u32 $0x7FFFFFFF, v22;
	v22 =	vshrl.u32 v22, $0xF;
	v27 =	vld [tilespmem:s24+$0x0]  }
0x364: {  	[tilespmem:v12+s13+$0x0] =	vst.idx.add.s32.msk $0xffff, v0;
	v10 =	vmax.u32 v10, v15;
	v12 =	vand.u32 $0x7FFFFFFF, v23;
	v15 =	vshrl.u32 v23, $0xF  }
0x365: {  	v10 =	vmax.u32 v10, v12;
	v12 =	vand.u32 $0x7FFFFFFF, v24;
	v23 =	vshrl.u32 v24, $0xF;
	[tilespmem:v9+s13+$0x0] =	vst.idx.add.s32.msk $0xffff, v0  }
0x366: {  	v9 =	vmax.u32 v10, v12;
	v10 =	vand.u32 $0x7FFFFFFF, v25;
	v12 =	vshrl.u32 v25, $0xF;
	[tilespmem:v8+s13+$0x0] =	vst.idx.add.s32.msk $0xffff, v0  }
0x367: {  	v8 =	vmax.u32 v9, v10;
	v9 =	vand.u32 $0x7FFFFFFF, v26;
	v24 =	vshrl.u32 v26, $0xF;
	[tilespmem:v7+s13+$0x0] =	vst.idx.add.s32.msk $0xffff, v0  }
0x368: {  	v7 =	vmax.u32 v8, v9;
	v8 =	vand.u32 $0x7FFFFFFF, v27;
	v25 =	vshrl.u32 v27, $0xF;
	[tilespmem:v6+s13+$0x0] =	vst.idx.add.s32.msk $0xffff, v0  }
0x369: {  	v13 =	vand.u32 $0xFFFF, v13;
	v26 =	vand.u32 $0xFFFF, v11;
	v10 =	vmax.u32 v7, v8;
	[tilespmem:v5+s13+$0x0] =	vst.idx.add.s32.msk $0xffff, v0  }
0x36a: {  	v14 =	vand.u32 $0xFFFF, v14;
	v16 =	vand.u32 $0xFFFF, v16;
	v17 =	vand.u32 $0xFFFF, v17;
	[tilespmem:v4+s13+$0x0] =	vst.idx.add.s32.msk $0xffff, v0  }
0x36b: {  	v11 =	vand.u32 $0xFFFF, v18;
	v9 =	vand.u32 $0xFFFF, v19;
	v8 =	vand.u32 $0xFFFF, v20;
	[tilespmem:v3+s13+$0x0] =	vst.idx.add.s32.msk $0xffff, v0  }
0x36c: {  	v6 =	vand.u32 $0xFFFF, v22;
	v7 =	vand.u32 $0xFFFF, v21;
	v5 =	vand.u32 $0xFFFF, v15;
	[tilespmem:v2+s13+$0x0] =	vst.idx.add.s32.msk $0xffff, v0  }
0x36d: {  	v4 =	vand.u32 $0xFFFF, v23;
	v3 =	vand.u32 $0xFFFF, v12;
	v2 =	vand.u32 $0xFFFF, v24;
	[tilespmem:v1+s13+$0x0] =	vst.idx.add.s32.msk $0xffff, v0  }
.Ltmp12:
0x36e: {  	v1 =	vand.u32 $0xFFFF, v25;
	[tilespmem:v26+s13+$0x0] =	vst.idx.add.s32.msk $0xffff, v0;
	(pc) =	sbr.rel @p0 .LBB2_27-.Ltmp12, $4  }
0x36f: {  	[tilespmem:v13+s13+$0x0] =	vst.idx.add.s32.msk $0xffff, v0  }
0x370: {  	[tilespmem:v14+s13+$0x0] =	vst.idx.add.s32.msk $0xffff, v0  }
0x371: {  	[tilespmem:v16+s13+$0x0] =	vst.idx.add.s32.msk $0xffff, v0  }
0x372: {  	s24 =	sadd.s32 $0x800, s24;
	[tilespmem:v17+s13+$0x0] =	vst.idx.add.s32.msk $0xffff, v0  }
0x373: {  	_ =	sdelay $0x3  }
0x374: {  	[tilespmem:v11+s13+$0x0] =	vst.idx.add.s32.msk $0xffff, v0  }
0x375: {  	[tilespmem:v9+s13+$0x0] =	vst.idx.add.s32.msk $0xffff, v0  }
0x376: {  	[tilespmem:v8+s13+$0x0] =	vst.idx.add.s32.msk $0xffff, v0  }
0x377: {  	[tilespmem:v7+s13+$0x0] =	vst.idx.add.s32.msk $0xffff, v0  }
0x378: {  	[tilespmem:v6+s13+$0x0] =	vst.idx.add.s32.msk $0xffff, v0  }
0x379: {  	[tilespmem:v5+s13+$0x0] =	vst.idx.add.s32.msk $0xffff, v0  }
0x37a: {  	[tilespmem:v4+s13+$0x0] =	vst.idx.add.s32.msk $0xffff, v0  }
0x37b: {  	[tilespmem:v3+s13+$0x0] =	vst.idx.add.s32.msk $0xffff, v0  }
0x37c: {  	[tilespmem:v2+s13+$0x0] =	vst.idx.add.s32.msk $0xffff, v0  }
0x37d: {  	[tilespmem:v1+s13+$0x0] =	vst.idx.add.s32.msk $0xffff, v0  }
0x37e: {  	v1 =	vld [tilespmem:s22+$0xFFFFFB90]  }
0x37f: {  	v2 =	vld [tilespmem:s22+$0xFFFFFBA0]  }
0x380: {  	v11 =	vld [tilespmem:s22+$0xFFFFFF90]  }
0x381: {  	v14 =	vld [tilespmem:s22+$0xFFFFFFC0]  }
0x382: {  	v15 =	vld [tilespmem:s22+$0xFFFFFFD0]  }
0x383: {  	v3 =	vld [tilespmem:s22+$0xFFFFFBB0]  }
0x384: {  	v5 =	vand.u32 $0x7FFFFFFF, v1;
	v1 =	vshrl.u32 v1, $0xF  }
0x385: {  	v4 =	vld [tilespmem:s22+$0xFFFFFBC0];
	v8 =	vand.u32 $0x7FFFFFFF, v2;
	v2 =	vshrl.u32 v2, $0xF;
	v17 =	vshrl.u32 v11, $0xF  }
0x386: {  	v6 =	vld [tilespmem:s22+$0xFFFFFBD0];
	v18 =	vand.u32 $0x7FFFFFFF, v14;
	v14 =	vshrl.u32 v14, $0xF;
	vm0 =	vgt.s32 v10, v5  }
0x387: {  	v7 =	vld [tilespmem:s22+$0xFFFFFBE0];
	v61 =	vand.u32 $0x7FFFFFFF, v15;
	v15 =	vshrl.u32 v15, $0xF;
	v5 =	vsel vm0, v10, v5  }
0x388: {  	v9 =	vld [tilespmem:s22+$0xFFFFFBF0];
	v1 =	vand.u32 $0xFFFF, v1;
	v5 =	vmax.u32 v5, v8;
	v8 =	vand.u32 $0x7FFFFFFF, v3  }
0x389: {  	v2 =	vand.u32 $0xFFFF, v2;
	v10 =	vld [tilespmem:s22+$0xFFFFFC00];
	v3 =	vshrl.u32 v3, $0xF;
	v5 =	vmax.u32 v5, v8  }
0x38a: {  	v8 =	vand.u32 $0x7FFFFFFF, v4;
	v4 =	vshrl.u32 v4, $0xF;
	v3 =	vand.u32 $0xFFFF, v3  }
0x38b: {  	v5 =	vmax.u32 v5, v8;
	v8 =	vand.u32 $0x7FFFFFFF, v6;
	v6 =	vshrl.u32 v6, $0xF  }
0x38c: {  	v12 =	vld [tilespmem:s22+$0xFFFFFFA0];
	v4 =	vand.u32 $0xFFFF, v4;
	v5 =	vmax.u32 v5, v8;
	v8 =	vand.u32 $0x7FFFFFFF, v7  }
0x38d: {  	v13 =	vld [tilespmem:s22+$0xFFFFFFB0];
	v7 =	vshrl.u32 v7, $0xF;
	v5 =	vmax.u32 v5, v8;
	v8 =	vand.u32 $0x7FFFFFFF, v9  }
0x38e: {  	v20 =	vand.u32 $0xFFFF, v6;
	v5 =	vmax.u32 v5, v8;
	v8 =	vand.u32 $0x7FFFFFFF, v10  }
0x38f: {  	v16 =	vshrl.u32 v10, $0xF;
	v10 =	vld [tilespmem:s22+$0xFFFFFFE0];
	v5 =	vmax.u32 v5, v8;
	v8 =	vand.u32 $0x7FFFFFFF, v11  }
0x390: {  	v9 =	vshrl.u32 v9, $0xF;
	v63 =	vand.u32 $0xFFFF, v7;
	v11 =	vld [tilespmem:s22+$0xFFFFFFF0];
	v5 =	vmax.u32 v5, v8  }
0x391: {  	v8 =	vand.u32 $0x7FFFFFFF, v12;
	v12 =	vshrl.u32 v12, $0xF;
	[tilespmem:v4+s13+$0x0] =	vst.idx.add.s32.msk $0xffff, v0;
	v4 =	vand.u32 $0xFFFF, v15  }
0x392: {  	v5 =	vmax.u32 v5, v8;
	v8 =	vand.u32 $0x7FFFFFFF, v13;
	v13 =	vshrl.u32 v13, $0xF  }
0x393: {  	v7 =	vand.u32 $0xFFFF, v12;
	v5 =	vmax.u32 v5, v8;
	v8 =	vld [tilespmem:s22+$0x0];
	v6 =	vand.u32 $0xFFFF, v13  }
0x394: {  	v5 =	vmax.u32 v5, v18;
	v62 =	vand.u32 $0x7FFFFFFF, v10;
	v19 =	vshrl.u32 v10, $0xF  }
0x395: {  	[tilespmem:v3+s13+$0x0] =	vst.idx.add.s32.msk $0xffff, v0;
	v5 =	vmax.u32 v5, v61;
	v21 =	vshrl.u32 v11, $0xF;
	v3 =	vand.u32 $0xFFFF, v19  }
0x396: {  	[tilespmem:v1+s13+$0x0] =	vst.idx.add.s32.msk $0xffff, v0;
	v1 =	vmax.u32 v5, v62;
	v5 =	vand.u32 $0x7FFFFFFF, v11;
	v11 =	vand.u32 $0xFFFF, v9  }
0x397: {  	[tilespmem:v2+s13+$0x0] =	vst.idx.add.s32.msk $0xffff, v0;
	v9 =	vand.u32 $0xFFFF, v16;
	v2 =	vand.u32 $0xFFFF, v21;
	v1 =	vmax.u32 v1, v5  }
0x398: {  	[tilespmem:v20+s13+$0x0] =	vst.idx.add.s32.msk $0xffff, v0;
	v5 =	vand.u32 $0x7FFFFFFF, v8;
	v22 =	vshrl.u32 v8, $0xF;
	v8 =	vand.u32 $0xFFFF, v17  }
0x399: {  	s23 =	simm.s32 $0x0;
	s24 =	simm.s32 $0x4E70;
	s22 =	simm.s32 $0x46F0;
	[tilespmem:v63+s13+$0x0] =	vst.idx.add.s32.msk $0xffff, v0;
	v10 =	vmax.u32 v1, v5;
	v5 =	vand.u32 $0xFFFF, v14;
	v1 =	vand.u32 $0xFFFF, v22  }
.LBB2_29:
0x39a: {  	v12 =	vld [tilespmem:s24+$0xFFFFFB90];
	s23 =	sadd.s32 $0x10, s23  }
0x39b: {  	p0 =	slt.u32 s23, $0x70;
	[tilespmem:v11+s13+$0x0] =	vst.idx.add.s32.msk $0xffff, v0  }
0x39c: {  	v11 =	vld [tilespmem:s24+$0xFFFFFBA0]  }
0x39d: {  	v13 =	vld [tilespmem:s24+$0xFFFFFBB0]  }
0x39e: {  	v14 =	vld [tilespmem:s24+$0xFFFFFBC0]  }
0x39f: {  	v15 =	vand.u32 $0x7FFFFFFF, v12;
	v12 =	vshrl.u32 v12, $0xF;
	v16 =	vld [tilespmem:s24+$0xFFFFFBD0]  }
0x3a0: {  	v12 =	vand.u32 $0xFFFF, v12;
	vm0 =	vgt.s32 v10, v15;
	v17 =	vld [tilespmem:s24+$0xFFFFFBE0]  }
0x3a1: {  	v10 =	vsel vm0, v10, v15;
	v15 =	vand.u32 $0x7FFFFFFF, v11;
	v11 =	vshrl.u32 v11, $0xF;
	v18 =	vld [tilespmem:s24+$0xFFFFFBF0]  }
0x3a2: {  	v10 =	vmax.u32 v10, v15;
	v15 =	vand.u32 $0x7FFFFFFF, v13;
	v13 =	vshrl.u32 v13, $0xF;
	v19 =	vld [tilespmem:s24+$0xFFFFFC00]  }
0x3a3: {  	v10 =	vmax.u32 v10, v15;
	v15 =	vand.u32 $0x7FFFFFFF, v14;
	v14 =	vshrl.u32 v14, $0xF;
	v20 =	vld [tilespmem:s24+$0xFFFFFF90]  }
0x3a4: {  	v10 =	vmax.u32 v10, v15;
	v15 =	vand.u32 $0x7FFFFFFF, v16;
	v16 =	vshrl.u32 v16, $0xF;
	v21 =	vld [tilespmem:s24+$0xFFFFFFA0]  }
0x3a5: {  	v10 =	vmax.u32 v10, v15;
	v15 =	vand.u32 $0x7FFFFFFF, v17;
	v17 =	vshrl.u32 v17, $0xF;
	v22 =	vld [tilespmem:s24+$0xFFFFFFB0]  }
0x3a6: {  	v10 =	vmax.u32 v10, v15;
	v15 =	vand.u32 $0x7FFFFFFF, v18;
	v18 =	vshrl.u32 v18, $0xF;
	v23 =	vld [tilespmem:s24+$0xFFFFFFC0]  }
0x3a7: {  	v10 =	vmax.u32 v10, v15;
	v15 =	vand.u32 $0x7FFFFFFF, v19;
	v19 =	vshrl.u32 v19, $0xF;
	v24 =	vld [tilespmem:s24+$0xFFFFFFD0]  }
0x3a8: {  	v10 =	vmax.u32 v10, v15;
	v15 =	vand.u32 $0x7FFFFFFF, v20;
	v20 =	vshrl.u32 v20, $0xF;
	v25 =	vld [tilespmem:s24+$0xFFFFFFE0]  }
0x3a9: {  	v10 =	vmax.u32 v10, v15;
	v15 =	vand.u32 $0x7FFFFFFF, v21;
	v21 =	vshrl.u32 v21, $0xF;
	v26 =	vld [tilespmem:s24+$0xFFFFFFF0]  }
0x3aa: {  	v10 =	vmax.u32 v10, v15;
	v15 =	vand.u32 $0x7FFFFFFF, v22;
	v22 =	vshrl.u32 v22, $0xF;
	v27 =	vld [tilespmem:s24+$0x0]  }
0x3ab: {  	[tilespmem:v12+s13+$0x0] =	vst.idx.add.s32.msk $0xffff, v0;
	v10 =	vmax.u32 v10, v15;
	v12 =	vand.u32 $0x7FFFFFFF, v23;
	v15 =	vshrl.u32 v23, $0xF  }
0x3ac: {  	v10 =	vmax.u32 v10, v12;
	v12 =	vand.u32 $0x7FFFFFFF, v24;
	v23 =	vshrl.u32 v24, $0xF;
	[tilespmem:v9+s13+$0x0] =	vst.idx.add.s32.msk $0xffff, v0  }
0x3ad: {  	v9 =	vmax.u32 v10, v12;
	v10 =	vand.u32 $0x7FFFFFFF, v25;
	v12 =	vshrl.u32 v25, $0xF;
	[tilespmem:v8+s13+$0x0] =	vst.idx.add.s32.msk $0xffff, v0  }
0x3ae: {  	v8 =	vmax.u32 v9, v10;
	v9 =	vand.u32 $0x7FFFFFFF, v26;
	v24 =	vshrl.u32 v26, $0xF;
	[tilespmem:v7+s13+$0x0] =	vst.idx.add.s32.msk $0xffff, v0  }
0x3af: {  	v7 =	vmax.u32 v8, v9;
	v8 =	vand.u32 $0x7FFFFFFF, v27;
	v25 =	vshrl.u32 v27, $0xF;
	[tilespmem:v6+s13+$0x0] =	vst.idx.add.s32.msk $0xffff, v0  }
0x3b0: {  	v13 =	vand.u32 $0xFFFF, v13;
	v26 =	vand.u32 $0xFFFF, v11;
	v10 =	vmax.u32 v7, v8;
	[tilespmem:v5+s13+$0x0] =	vst.idx.add.s32.msk $0xffff, v0  }
0x3b1: {  	v14 =	vand.u32 $0xFFFF, v14;
	v16 =	vand.u32 $0xFFFF, v16;
	v17 =	vand.u32 $0xFFFF, v17;
	[tilespmem:v4+s13+$0x0] =	vst.idx.add.s32.msk $0xffff, v0  }
0x3b2: {  	v11 =	vand.u32 $0xFFFF, v18;
	v9 =	vand.u32 $0xFFFF, v19;
	v8 =	vand.u32 $0xFFFF, v20;
	[tilespmem:v3+s13+$0x0] =	vst.idx.add.s32.msk $0xffff, v0  }
0x3b3: {  	v6 =	vand.u32 $0xFFFF, v22;
	v7 =	vand.u32 $0xFFFF, v21;
	v5 =	vand.u32 $0xFFFF, v15;
	[tilespmem:v2+s13+$0x0] =	vst.idx.add.s32.msk $0xffff, v0  }
0x3b4: {  	v4 =	vand.u32 $0xFFFF, v23;
	v3 =	vand.u32 $0xFFFF, v12;
	v2 =	vand.u32 $0xFFFF, v24;
	[tilespmem:v1+s13+$0x0] =	vst.idx.add.s32.msk $0xffff, v0  }
.Ltmp13:
0x3b5: {  	v1 =	vand.u32 $0xFFFF, v25;
	[tilespmem:v26+s13+$0x0] =	vst.idx.add.s32.msk $0xffff, v0;
	(pc) =	sbr.rel @p0 .LBB2_29-.Ltmp13, $4  }
0x3b6: {  	[tilespmem:v13+s13+$0x0] =	vst.idx.add.s32.msk $0xffff, v0  }
0x3b7: {  	[tilespmem:v14+s13+$0x0] =	vst.idx.add.s32.msk $0xffff, v0  }
0x3b8: {  	[tilespmem:v16+s13+$0x0] =	vst.idx.add.s32.msk $0xffff, v0  }
0x3b9: {  	s24 =	sadd.s32 $0x800, s24;
	[tilespmem:v17+s13+$0x0] =	vst.idx.add.s32.msk $0xffff, v0  }
0x3ba: {  	_ =	sdelay $0x3  }
0x3bb: {  	[tilespmem:v11+s13+$0x0] =	vst.idx.add.s32.msk $0xffff, v0  }
0x3bc: {  	[tilespmem:v9+s13+$0x0] =	vst.idx.add.s32.msk $0xffff, v0  }
0x3bd: {  	[tilespmem:v8+s13+$0x0] =	vst.idx.add.s32.msk $0xffff, v0  }
0x3be: {  	[tilespmem:v7+s13+$0x0] =	vst.idx.add.s32.msk $0xffff, v0  }
0x3bf: {  	[tilespmem:v6+s13+$0x0] =	vst.idx.add.s32.msk $0xffff, v0  }
0x3c0: {  	[tilespmem:v5+s13+$0x0] =	vst.idx.add.s32.msk $0xffff, v0  }
0x3c1: {  	[tilespmem:v4+s13+$0x0] =	vst.idx.add.s32.msk $0xffff, v0  }
0x3c2: {  	[tilespmem:v3+s13+$0x0] =	vst.idx.add.s32.msk $0xffff, v0  }
0x3c3: {  	[tilespmem:v2+s13+$0x0] =	vst.idx.add.s32.msk $0xffff, v0  }
0x3c4: {  	[tilespmem:v1+s13+$0x0] =	vst.idx.add.s32.msk $0xffff, v0  }
0x3c5: {  	v1 =	vld [tilespmem:s22+$0xFFFFFB90]  }
0x3c6: {  	v2 =	vld [tilespmem:s22+$0xFFFFFBA0]  }
0x3c7: {  	v11 =	vld [tilespmem:s22+$0xFFFFFF90]  }
0x3c8: {  	v14 =	vld [tilespmem:s22+$0xFFFFFFC0]  }
0x3c9: {  	v15 =	vld [tilespmem:s22+$0xFFFFFFD0]  }
0x3ca: {  	v3 =	vld [tilespmem:s22+$0xFFFFFBB0]  }
0x3cb: {  	v5 =	vand.u32 $0x7FFFFFFF, v1;
	v1 =	vshrl.u32 v1, $0xF  }
0x3cc: {  	v4 =	vld [tilespmem:s22+$0xFFFFFBC0];
	v8 =	vand.u32 $0x7FFFFFFF, v2;
	v2 =	vshrl.u32 v2, $0xF;
	v17 =	vshrl.u32 v11, $0xF  }
0x3cd: {  	v6 =	vld [tilespmem:s22+$0xFFFFFBD0];
	v18 =	vand.u32 $0x7FFFFFFF, v14;
	v14 =	vshrl.u32 v14, $0xF;
	vm0 =	vgt.s32 v10, v5  }
0x3ce: {  	v7 =	vld [tilespmem:s22+$0xFFFFFBE0];
	v61 =	vand.u32 $0x7FFFFFFF, v15;
	v15 =	vshrl.u32 v15, $0xF;
	v5 =	vsel vm0, v10, v5  }
0x3cf: {  	v9 =	vld [tilespmem:s22+$0xFFFFFBF0];
	v1 =	vand.u32 $0xFFFF, v1;
	v5 =	vmax.u32 v5, v8;
	v8 =	vand.u32 $0x7FFFFFFF, v3  }
0x3d0: {  	v2 =	vand.u32 $0xFFFF, v2;
	v10 =	vld [tilespmem:s22+$0xFFFFFC00];
	v3 =	vshrl.u32 v3, $0xF;
	v5 =	vmax.u32 v5, v8  }
0x3d1: {  	v8 =	vand.u32 $0x7FFFFFFF, v4;
	v4 =	vshrl.u32 v4, $0xF;
	v3 =	vand.u32 $0xFFFF, v3  }
0x3d2: {  	v5 =	vmax.u32 v5, v8;
	v8 =	vand.u32 $0x7FFFFFFF, v6;
	v6 =	vshrl.u32 v6, $0xF  }
0x3d3: {  	v12 =	vld [tilespmem:s22+$0xFFFFFFA0];
	v4 =	vand.u32 $0xFFFF, v4;
	v5 =	vmax.u32 v5, v8;
	v8 =	vand.u32 $0x7FFFFFFF, v7  }
0x3d4: {  	v13 =	vld [tilespmem:s22+$0xFFFFFFB0];
	v7 =	vshrl.u32 v7, $0xF;
	v5 =	vmax.u32 v5, v8;
	v8 =	vand.u32 $0x7FFFFFFF, v9  }
0x3d5: {  	v20 =	vand.u32 $0xFFFF, v6;
	v5 =	vmax.u32 v5, v8;
	v8 =	vand.u32 $0x7FFFFFFF, v10  }
0x3d6: {  	v16 =	vshrl.u32 v10, $0xF;
	v10 =	vld [tilespmem:s22+$0xFFFFFFE0];
	v5 =	vmax.u32 v5, v8;
	v8 =	vand.u32 $0x7FFFFFFF, v11  }
0x3d7: {  	v9 =	vshrl.u32 v9, $0xF;
	v63 =	vand.u32 $0xFFFF, v7;
	v11 =	vld [tilespmem:s22+$0xFFFFFFF0];
	v5 =	vmax.u32 v5, v8  }
0x3d8: {  	v8 =	vand.u32 $0x7FFFFFFF, v12;
	v12 =	vshrl.u32 v12, $0xF;
	[tilespmem:v4+s13+$0x0] =	vst.idx.add.s32.msk $0xffff, v0;
	v4 =	vand.u32 $0xFFFF, v15  }
0x3d9: {  	v5 =	vmax.u32 v5, v8;
	v8 =	vand.u32 $0x7FFFFFFF, v13;
	v13 =	vshrl.u32 v13, $0xF  }
0x3da: {  	v7 =	vand.u32 $0xFFFF, v12;
	v5 =	vmax.u32 v5, v8;
	v8 =	vld [tilespmem:s22+$0x0];
	v6 =	vand.u32 $0xFFFF, v13  }
0x3db: {  	v5 =	vmax.u32 v5, v18;
	v62 =	vand.u32 $0x7FFFFFFF, v10;
	v19 =	vshrl.u32 v10, $0xF  }
0x3dc: {  	[tilespmem:v3+s13+$0x0] =	vst.idx.add.s32.msk $0xffff, v0;
	v5 =	vmax.u32 v5, v61;
	v21 =	vshrl.u32 v11, $0xF;
	v3 =	vand.u32 $0xFFFF, v19  }
0x3dd: {  	[tilespmem:v1+s13+$0x0] =	vst.idx.add.s32.msk $0xffff, v0;
	v1 =	vmax.u32 v5, v62;
	v5 =	vand.u32 $0x7FFFFFFF, v11;
	v11 =	vand.u32 $0xFFFF, v9  }
0x3de: {  	[tilespmem:v2+s13+$0x0] =	vst.idx.add.s32.msk $0xffff, v0;
	v9 =	vand.u32 $0xFFFF, v16;
	v2 =	vand.u32 $0xFFFF, v21;
	v1 =	vmax.u32 v1, v5  }
0x3df: {  	[tilespmem:v20+s13+$0x0] =	vst.idx.add.s32.msk $0xffff, v0;
	v5 =	vand.u32 $0x7FFFFFFF, v8;
	v22 =	vshrl.u32 v8, $0xF;
	v8 =	vand.u32 $0xFFFF, v17  }
0x3e0: {  	s23 =	simm.s32 $0x0;
	s24 =	simm.s32 $0x4EF0;
	s22 =	simm.s32 $0x4770;
	[tilespmem:v63+s13+$0x0] =	vst.idx.add.s32.msk $0xffff, v0;
	v10 =	vmax.u32 v1, v5;
	v5 =	vand.u32 $0xFFFF, v14;
	v1 =	vand.u32 $0xFFFF, v22  }
.LBB2_31:
0x3e1: {  	v12 =	vld [tilespmem:s24+$0xFFFFFB90];
	s23 =	sadd.s32 $0x10, s23  }
0x3e2: {  	p0 =	slt.u32 s23, $0x70;
	[tilespmem:v11+s13+$0x0] =	vst.idx.add.s32.msk $0xffff, v0  }
0x3e3: {  	v11 =	vld [tilespmem:s24+$0xFFFFFBA0]  }
0x3e4: {  	v13 =	vld [tilespmem:s24+$0xFFFFFBB0]  }
0x3e5: {  	v14 =	vld [tilespmem:s24+$0xFFFFFBC0]  }
0x3e6: {  	v15 =	vand.u32 $0x7FFFFFFF, v12;
	v12 =	vshrl.u32 v12, $0xF;
	v16 =	vld [tilespmem:s24+$0xFFFFFBD0]  }
0x3e7: {  	v12 =	vand.u32 $0xFFFF, v12;
	vm0 =	vgt.s32 v10, v15;
	v17 =	vld [tilespmem:s24+$0xFFFFFBE0]  }
0x3e8: {  	v10 =	vsel vm0, v10, v15;
	v15 =	vand.u32 $0x7FFFFFFF, v11;
	v11 =	vshrl.u32 v11, $0xF;
	v18 =	vld [tilespmem:s24+$0xFFFFFBF0]  }
0x3e9: {  	v10 =	vmax.u32 v10, v15;
	v15 =	vand.u32 $0x7FFFFFFF, v13;
	v13 =	vshrl.u32 v13, $0xF;
	v19 =	vld [tilespmem:s24+$0xFFFFFC00]  }
0x3ea: {  	v10 =	vmax.u32 v10, v15;
	v15 =	vand.u32 $0x7FFFFFFF, v14;
	v14 =	vshrl.u32 v14, $0xF;
	v20 =	vld [tilespmem:s24+$0xFFFFFF90]  }
0x3eb: {  	v10 =	vmax.u32 v10, v15;
	v15 =	vand.u32 $0x7FFFFFFF, v16;
	v16 =	vshrl.u32 v16, $0xF;
	v21 =	vld [tilespmem:s24+$0xFFFFFFA0]  }
0x3ec: {  	v10 =	vmax.u32 v10, v15;
	v15 =	vand.u32 $0x7FFFFFFF, v17;
	v17 =	vshrl.u32 v17, $0xF;
	v22 =	vld [tilespmem:s24+$0xFFFFFFB0]  }
0x3ed: {  	v10 =	vmax.u32 v10, v15;
	v15 =	vand.u32 $0x7FFFFFFF, v18;
	v18 =	vshrl.u32 v18, $0xF;
	v23 =	vld [tilespmem:s24+$0xFFFFFFC0]  }
0x3ee: {  	v10 =	vmax.u32 v10, v15;
	v15 =	vand.u32 $0x7FFFFFFF, v19;
	v19 =	vshrl.u32 v19, $0xF;
	v24 =	vld [tilespmem:s24+$0xFFFFFFD0]  }
0x3ef: {  	v10 =	vmax.u32 v10, v15;
	v15 =	vand.u32 $0x7FFFFFFF, v20;
	v20 =	vshrl.u32 v20, $0xF;
	v25 =	vld [tilespmem:s24+$0xFFFFFFE0]  }
0x3f0: {  	v10 =	vmax.u32 v10, v15;
	v15 =	vand.u32 $0x7FFFFFFF, v21;
	v21 =	vshrl.u32 v21, $0xF;
	v26 =	vld [tilespmem:s24+$0xFFFFFFF0]  }
0x3f1: {  	v10 =	vmax.u32 v10, v15;
	v15 =	vand.u32 $0x7FFFFFFF, v22;
	v22 =	vshrl.u32 v22, $0xF;
	v27 =	vld [tilespmem:s24+$0x0]  }
0x3f2: {  	[tilespmem:v12+s13+$0x0] =	vst.idx.add.s32.msk $0xffff, v0;
	v10 =	vmax.u32 v10, v15;
	v12 =	vand.u32 $0x7FFFFFFF, v23;
	v15 =	vshrl.u32 v23, $0xF  }
0x3f3: {  	v10 =	vmax.u32 v10, v12;
	v12 =	vand.u32 $0x7FFFFFFF, v24;
	v23 =	vshrl.u32 v24, $0xF;
	[tilespmem:v9+s13+$0x0] =	vst.idx.add.s32.msk $0xffff, v0  }
0x3f4: {  	v9 =	vmax.u32 v10, v12;
	v10 =	vand.u32 $0x7FFFFFFF, v25;
	v12 =	vshrl.u32 v25, $0xF;
	[tilespmem:v8+s13+$0x0] =	vst.idx.add.s32.msk $0xffff, v0  }
0x3f5: {  	v8 =	vmax.u32 v9, v10;
	v9 =	vand.u32 $0x7FFFFFFF, v26;
	v24 =	vshrl.u32 v26, $0xF;
	[tilespmem:v7+s13+$0x0] =	vst.idx.add.s32.msk $0xffff, v0  }
0x3f6: {  	v7 =	vmax.u32 v8, v9;
	v8 =	vand.u32 $0x7FFFFFFF, v27;
	v25 =	vshrl.u32 v27, $0xF;
	[tilespmem:v6+s13+$0x0] =	vst.idx.add.s32.msk $0xffff, v0  }
0x3f7: {  	v13 =	vand.u32 $0xFFFF, v13;
	v26 =	vand.u32 $0xFFFF, v11;
	v10 =	vmax.u32 v7, v8;
	[tilespmem:v5+s13+$0x0] =	vst.idx.add.s32.msk $0xffff, v0  }
0x3f8: {  	v14 =	vand.u32 $0xFFFF, v14;
	v16 =	vand.u32 $0xFFFF, v16;
	v17 =	vand.u32 $0xFFFF, v17;
	[tilespmem:v4+s13+$0x0] =	vst.idx.add.s32.msk $0xffff, v0  }
0x3f9: {  	v11 =	vand.u32 $0xFFFF, v18;
	v9 =	vand.u32 $0xFFFF, v19;
	v8 =	vand.u32 $0xFFFF, v20;
	[tilespmem:v3+s13+$0x0] =	vst.idx.add.s32.msk $0xffff, v0  }
0x3fa: {  	v6 =	vand.u32 $0xFFFF, v22;
	v7 =	vand.u32 $0xFFFF, v21;
	v5 =	vand.u32 $0xFFFF, v15;
	[tilespmem:v2+s13+$0x0] =	vst.idx.add.s32.msk $0xffff, v0  }
0x3fb: {  	v4 =	vand.u32 $0xFFFF, v23;
	v3 =	vand.u32 $0xFFFF, v12;
	v2 =	vand.u32 $0xFFFF, v24;
	[tilespmem:v1+s13+$0x0] =	vst.idx.add.s32.msk $0xffff, v0  }
.Ltmp14:
0x3fc: {  	v1 =	vand.u32 $0xFFFF, v25;
	[tilespmem:v26+s13+$0x0] =	vst.idx.add.s32.msk $0xffff, v0;
	(pc) =	sbr.rel @p0 .LBB2_31-.Ltmp14, $4  }
0x3fd: {  	[tilespmem:v13+s13+$0x0] =	vst.idx.add.s32.msk $0xffff, v0  }
0x3fe: {  	[tilespmem:v14+s13+$0x0] =	vst.idx.add.s32.msk $0xffff, v0  }
0x3ff: {  	[tilespmem:v16+s13+$0x0] =	vst.idx.add.s32.msk $0xffff, v0  }
0x400: {  	s24 =	sadd.s32 $0x800, s24;
	[tilespmem:v17+s13+$0x0] =	vst.idx.add.s32.msk $0xffff, v0  }
0x401: {  	_ =	sdelay $0x3  }
0x402: {  	[tilespmem:v11+s13+$0x0] =	vst.idx.add.s32.msk $0xffff, v0  }
0x403: {  	[tilespmem:v9+s13+$0x0] =	vst.idx.add.s32.msk $0xffff, v0  }
0x404: {  	[tilespmem:v8+s13+$0x0] =	vst.idx.add.s32.msk $0xffff, v0  }
0x405: {  	[tilespmem:v7+s13+$0x0] =	vst.idx.add.s32.msk $0xffff, v0  }
0x406: {  	[tilespmem:v6+s13+$0x0] =	vst.idx.add.s32.msk $0xffff, v0  }
0x407: {  	[tilespmem:v5+s13+$0x0] =	vst.idx.add.s32.msk $0xffff, v0  }
0x408: {  	[tilespmem:v4+s13+$0x0] =	vst.idx.add.s32.msk $0xffff, v0  }
0x409: {  	[tilespmem:v3+s13+$0x0] =	vst.idx.add.s32.msk $0xffff, v0  }
0x40a: {  	[tilespmem:v2+s13+$0x0] =	vst.idx.add.s32.msk $0xffff, v0  }
0x40b: {  	[tilespmem:v1+s13+$0x0] =	vst.idx.add.s32.msk $0xffff, v0  }
0x40c: {  	v1 =	vld [tilespmem:s22+$0xFFFFFB90]  }
0x40d: {  	v2 =	vld [tilespmem:s22+$0xFFFFFBA0]  }
0x40e: {  	v11 =	vld [tilespmem:s22+$0xFFFFFF90]  }
0x40f: {  	v14 =	vld [tilespmem:s22+$0xFFFFFFC0]  }
0x410: {  	v15 =	vld [tilespmem:s22+$0xFFFFFFD0]  }
0x411: {  	v3 =	vld [tilespmem:s22+$0xFFFFFBB0]  }
0x412: {  	v5 =	vand.u32 $0x7FFFFFFF, v1;
	v1 =	vshrl.u32 v1, $0xF  }
0x413: {  	v4 =	vld [tilespmem:s22+$0xFFFFFBC0];
	v8 =	vand.u32 $0x7FFFFFFF, v2;
	v2 =	vshrl.u32 v2, $0xF;
	v17 =	vshrl.u32 v11, $0xF  }
0x414: {  	v6 =	vld [tilespmem:s22+$0xFFFFFBD0];
	v18 =	vand.u32 $0x7FFFFFFF, v14;
	v14 =	vshrl.u32 v14, $0xF;
	vm0 =	vgt.s32 v10, v5  }
0x415: {  	v7 =	vld [tilespmem:s22+$0xFFFFFBE0];
	v61 =	vand.u32 $0x7FFFFFFF, v15;
	v15 =	vshrl.u32 v15, $0xF;
	v5 =	vsel vm0, v10, v5  }
0x416: {  	v9 =	vld [tilespmem:s22+$0xFFFFFBF0];
	v1 =	vand.u32 $0xFFFF, v1;
	v5 =	vmax.u32 v5, v8;
	v8 =	vand.u32 $0x7FFFFFFF, v3  }
0x417: {  	v2 =	vand.u32 $0xFFFF, v2;
	v10 =	vld [tilespmem:s22+$0xFFFFFC00];
	v3 =	vshrl.u32 v3, $0xF;
	v5 =	vmax.u32 v5, v8  }
0x418: {  	v8 =	vand.u32 $0x7FFFFFFF, v4;
	v4 =	vshrl.u32 v4, $0xF;
	v3 =	vand.u32 $0xFFFF, v3  }
0x419: {  	v5 =	vmax.u32 v5, v8;
	v8 =	vand.u32 $0x7FFFFFFF, v6;
	v6 =	vshrl.u32 v6, $0xF  }
0x41a: {  	v12 =	vld [tilespmem:s22+$0xFFFFFFA0];
	v4 =	vand.u32 $0xFFFF, v4;
	v5 =	vmax.u32 v5, v8;
	v8 =	vand.u32 $0x7FFFFFFF, v7  }
0x41b: {  	v13 =	vld [tilespmem:s22+$0xFFFFFFB0];
	v7 =	vshrl.u32 v7, $0xF;
	v5 =	vmax.u32 v5, v8;
	v8 =	vand.u32 $0x7FFFFFFF, v9  }
0x41c: {  	v20 =	vand.u32 $0xFFFF, v6;
	v5 =	vmax.u32 v5, v8;
	v8 =	vand.u32 $0x7FFFFFFF, v10  }
0x41d: {  	v16 =	vshrl.u32 v10, $0xF;
	v10 =	vld [tilespmem:s22+$0xFFFFFFE0];
	v5 =	vmax.u32 v5, v8;
	v8 =	vand.u32 $0x7FFFFFFF, v11  }
0x41e: {  	v9 =	vshrl.u32 v9, $0xF;
	v63 =	vand.u32 $0xFFFF, v7;
	v11 =	vld [tilespmem:s22+$0xFFFFFFF0];
	v5 =	vmax.u32 v5, v8  }
0x41f: {  	v8 =	vand.u32 $0x7FFFFFFF, v12;
	v12 =	vshrl.u32 v12, $0xF;
	[tilespmem:v4+s13+$0x0] =	vst.idx.add.s32.msk $0xffff, v0;
	v4 =	vand.u32 $0xFFFF, v15  }
0x420: {  	v5 =	vmax.u32 v5, v8;
	v8 =	vand.u32 $0x7FFFFFFF, v13;
	v13 =	vshrl.u32 v13, $0xF  }
0x421: {  	v7 =	vand.u32 $0xFFFF, v12;
	v5 =	vmax.u32 v5, v8;
	v8 =	vld [tilespmem:s22+$0x0];
	v6 =	vand.u32 $0xFFFF, v13  }
0x422: {  	v5 =	vmax.u32 v5, v18;
	v62 =	vand.u32 $0x7FFFFFFF, v10;
	v19 =	vshrl.u32 v10, $0xF  }
0x423: {  	[tilespmem:v3+s13+$0x0] =	vst.idx.add.s32.msk $0xffff, v0;
	v5 =	vmax.u32 v5, v61;
	v21 =	vshrl.u32 v11, $0xF;
	v3 =	vand.u32 $0xFFFF, v19  }
0x424: {  	[tilespmem:v1+s13+$0x0] =	vst.idx.add.s32.msk $0xffff, v0;
	v1 =	vmax.u32 v5, v62;
	v5 =	vand.u32 $0x7FFFFFFF, v11;
	v11 =	vand.u32 $0xFFFF, v9  }
0x425: {  	[tilespmem:v2+s13+$0x0] =	vst.idx.add.s32.msk $0xffff, v0;
	v9 =	vand.u32 $0xFFFF, v16;
	v2 =	vand.u32 $0xFFFF, v21;
	v1 =	vmax.u32 v1, v5  }
0x426: {  	[tilespmem:v20+s13+$0x0] =	vst.idx.add.s32.msk $0xffff, v0;
	v5 =	vand.u32 $0x7FFFFFFF, v8;
	v22 =	vshrl.u32 v8, $0xF;
	v8 =	vand.u32 $0xFFFF, v17  }
0x427: {  	s23 =	simm.s32 $0x0;
	s24 =	simm.s32 $0x4F70;
	s22 =	simm.s32 $0x47F0;
	[tilespmem:v63+s13+$0x0] =	vst.idx.add.s32.msk $0xffff, v0;
	v10 =	vmax.u32 v1, v5;
	v5 =	vand.u32 $0xFFFF, v14;
	v1 =	vand.u32 $0xFFFF, v22  }
.LBB2_33:
0x428: {  	v12 =	vld [tilespmem:s24+$0xFFFFFB90];
	s23 =	sadd.s32 $0x10, s23  }
0x429: {  	p0 =	slt.u32 s23, $0x70;
	[tilespmem:v11+s13+$0x0] =	vst.idx.add.s32.msk $0xffff, v0  }
0x42a: {  	v11 =	vld [tilespmem:s24+$0xFFFFFBA0]  }
0x42b: {  	v13 =	vld [tilespmem:s24+$0xFFFFFBB0]  }
0x42c: {  	v14 =	vld [tilespmem:s24+$0xFFFFFBC0]  }
0x42d: {  	v15 =	vand.u32 $0x7FFFFFFF, v12;
	v12 =	vshrl.u32 v12, $0xF;
	v16 =	vld [tilespmem:s24+$0xFFFFFBD0]  }
0x42e: {  	v12 =	vand.u32 $0xFFFF, v12;
	vm0 =	vgt.s32 v10, v15;
	v17 =	vld [tilespmem:s24+$0xFFFFFBE0]  }
0x42f: {  	v10 =	vsel vm0, v10, v15;
	v15 =	vand.u32 $0x7FFFFFFF, v11;
	v11 =	vshrl.u32 v11, $0xF;
	v18 =	vld [tilespmem:s24+$0xFFFFFBF0]  }
0x430: {  	v10 =	vmax.u32 v10, v15;
	v15 =	vand.u32 $0x7FFFFFFF, v13;
	v13 =	vshrl.u32 v13, $0xF;
	v19 =	vld [tilespmem:s24+$0xFFFFFC00]  }
0x431: {  	v10 =	vmax.u32 v10, v15;
	v15 =	vand.u32 $0x7FFFFFFF, v14;
	v14 =	vshrl.u32 v14, $0xF;
	v20 =	vld [tilespmem:s24+$0xFFFFFF90]  }
0x432: {  	v10 =	vmax.u32 v10, v15;
	v15 =	vand.u32 $0x7FFFFFFF, v16;
	v16 =	vshrl.u32 v16, $0xF;
	v21 =	vld [tilespmem:s24+$0xFFFFFFA0]  }
0x433: {  	v10 =	vmax.u32 v10, v15;
	v15 =	vand.u32 $0x7FFFFFFF, v17;
	v17 =	vshrl.u32 v17, $0xF;
	v22 =	vld [tilespmem:s24+$0xFFFFFFB0]  }
0x434: {  	v10 =	vmax.u32 v10, v15;
	v15 =	vand.u32 $0x7FFFFFFF, v18;
	v18 =	vshrl.u32 v18, $0xF;
	v23 =	vld [tilespmem:s24+$0xFFFFFFC0]  }
0x435: {  	v10 =	vmax.u32 v10, v15;
	v15 =	vand.u32 $0x7FFFFFFF, v19;
	v19 =	vshrl.u32 v19, $0xF;
	v24 =	vld [tilespmem:s24+$0xFFFFFFD0]  }
0x436: {  	v10 =	vmax.u32 v10, v15;
	v15 =	vand.u32 $0x7FFFFFFF, v20;
	v20 =	vshrl.u32 v20, $0xF;
	v25 =	vld [tilespmem:s24+$0xFFFFFFE0]  }
0x437: {  	v10 =	vmax.u32 v10, v15;
	v15 =	vand.u32 $0x7FFFFFFF, v21;
	v21 =	vshrl.u32 v21, $0xF;
	v26 =	vld [tilespmem:s24+$0xFFFFFFF0]  }
0x438: {  	v10 =	vmax.u32 v10, v15;
	v15 =	vand.u32 $0x7FFFFFFF, v22;
	v22 =	vshrl.u32 v22, $0xF;
	v27 =	vld [tilespmem:s24+$0x0]  }
0x439: {  	[tilespmem:v12+s13+$0x0] =	vst.idx.add.s32.msk $0xffff, v0;
	v10 =	vmax.u32 v10, v15;
	v12 =	vand.u32 $0x7FFFFFFF, v23;
	v15 =	vshrl.u32 v23, $0xF  }
0x43a: {  	v10 =	vmax.u32 v10, v12;
	v12 =	vand.u32 $0x7FFFFFFF, v24;
	v23 =	vshrl.u32 v24, $0xF;
	[tilespmem:v9+s13+$0x0] =	vst.idx.add.s32.msk $0xffff, v0  }
0x43b: {  	v9 =	vmax.u32 v10, v12;
	v10 =	vand.u32 $0x7FFFFFFF, v25;
	v12 =	vshrl.u32 v25, $0xF;
	[tilespmem:v8+s13+$0x0] =	vst.idx.add.s32.msk $0xffff, v0  }
0x43c: {  	v8 =	vmax.u32 v9, v10;
	v9 =	vand.u32 $0x7FFFFFFF, v26;
	v24 =	vshrl.u32 v26, $0xF;
	[tilespmem:v7+s13+$0x0] =	vst.idx.add.s32.msk $0xffff, v0  }
0x43d: {  	v7 =	vmax.u32 v8, v9;
	v8 =	vand.u32 $0x7FFFFFFF, v27;
	v25 =	vshrl.u32 v27, $0xF;
	[tilespmem:v6+s13+$0x0] =	vst.idx.add.s32.msk $0xffff, v0  }
0x43e: {  	v13 =	vand.u32 $0xFFFF, v13;
	v26 =	vand.u32 $0xFFFF, v11;
	v10 =	vmax.u32 v7, v8;
	[tilespmem:v5+s13+$0x0] =	vst.idx.add.s32.msk $0xffff, v0  }
0x43f: {  	v14 =	vand.u32 $0xFFFF, v14;
	v16 =	vand.u32 $0xFFFF, v16;
	v17 =	vand.u32 $0xFFFF, v17;
	[tilespmem:v4+s13+$0x0] =	vst.idx.add.s32.msk $0xffff, v0  }
0x440: {  	v11 =	vand.u32 $0xFFFF, v18;
	v9 =	vand.u32 $0xFFFF, v19;
	v8 =	vand.u32 $0xFFFF, v20;
	[tilespmem:v3+s13+$0x0] =	vst.idx.add.s32.msk $0xffff, v0  }
0x441: {  	v6 =	vand.u32 $0xFFFF, v22;
	v7 =	vand.u32 $0xFFFF, v21;
	v5 =	vand.u32 $0xFFFF, v15;
	[tilespmem:v2+s13+$0x0] =	vst.idx.add.s32.msk $0xffff, v0  }
0x442: {  	v4 =	vand.u32 $0xFFFF, v23;
	v3 =	vand.u32 $0xFFFF, v12;
	v2 =	vand.u32 $0xFFFF, v24;
	[tilespmem:v1+s13+$0x0] =	vst.idx.add.s32.msk $0xffff, v0  }
.Ltmp15:
0x443: {  	v1 =	vand.u32 $0xFFFF, v25;
	[tilespmem:v26+s13+$0x0] =	vst.idx.add.s32.msk $0xffff, v0;
	(pc) =	sbr.rel @p0 .LBB2_33-.Ltmp15, $4  }
0x444: {  	[tilespmem:v13+s13+$0x0] =	vst.idx.add.s32.msk $0xffff, v0  }
0x445: {  	[tilespmem:v14+s13+$0x0] =	vst.idx.add.s32.msk $0xffff, v0  }
0x446: {  	[tilespmem:v16+s13+$0x0] =	vst.idx.add.s32.msk $0xffff, v0  }
0x447: {  	s24 =	sadd.s32 $0x800, s24;
	[tilespmem:v17+s13+$0x0] =	vst.idx.add.s32.msk $0xffff, v0  }
0x448: {  	_ =	sdelay $0x3  }
0x449: {  	[tilespmem:v11+s13+$0x0] =	vst.idx.add.s32.msk $0xffff, v0  }
0x44a: {  	[tilespmem:v9+s13+$0x0] =	vst.idx.add.s32.msk $0xffff, v0  }
0x44b: {  	[tilespmem:v8+s13+$0x0] =	vst.idx.add.s32.msk $0xffff, v0  }
0x44c: {  	[tilespmem:v7+s13+$0x0] =	vst.idx.add.s32.msk $0xffff, v0  }
0x44d: {  	[tilespmem:v6+s13+$0x0] =	vst.idx.add.s32.msk $0xffff, v0  }
0x44e: {  	[tilespmem:v5+s13+$0x0] =	vst.idx.add.s32.msk $0xffff, v0  }
0x44f: {  	[tilespmem:v4+s13+$0x0] =	vst.idx.add.s32.msk $0xffff, v0  }
0x450: {  	[tilespmem:v3+s13+$0x0] =	vst.idx.add.s32.msk $0xffff, v0  }
0x451: {  	[tilespmem:v2+s13+$0x0] =	vst.idx.add.s32.msk $0xffff, v0  }
0x452: {  	[tilespmem:v1+s13+$0x0] =	vst.idx.add.s32.msk $0xffff, v0  }
0x453: {  	v1 =	vld [tilespmem:s22+$0xFFFFFB90]  }
0x454: {  	v2 =	vld [tilespmem:s22+$0xFFFFFBA0]  }
0x455: {  	v11 =	vld [tilespmem:s22+$0xFFFFFF90]  }
0x456: {  	v14 =	vld [tilespmem:s22+$0xFFFFFFC0]  }
0x457: {  	v15 =	vld [tilespmem:s22+$0xFFFFFFD0]  }
0x458: {  	v3 =	vld [tilespmem:s22+$0xFFFFFBB0]  }
0x459: {  	v5 =	vand.u32 $0x7FFFFFFF, v1;
	v1 =	vshrl.u32 v1, $0xF  }
0x45a: {  	v4 =	vld [tilespmem:s22+$0xFFFFFBC0];
	v8 =	vand.u32 $0x7FFFFFFF, v2;
	v2 =	vshrl.u32 v2, $0xF;
	v16 =	vshrl.u32 v11, $0xF  }
0x45b: {  	v6 =	vld [tilespmem:s22+$0xFFFFFBD0];
	v18 =	vand.u32 $0x7FFFFFFF, v14;
	v14 =	vshrl.u32 v14, $0xF;
	vm0 =	vgt.s32 v10, v5  }
0x45c: {  	v7 =	vld [tilespmem:s22+$0xFFFFFBE0];
	v61 =	vand.u32 $0x7FFFFFFF, v15;
	v15 =	vshrl.u32 v15, $0xF;
	v5 =	vsel vm0, v10, v5  }
0x45d: {  	v9 =	vld [tilespmem:s22+$0xFFFFFBF0];
	v1 =	vand.u32 $0xFFFF, v1;
	v5 =	vmax.u32 v5, v8;
	v8 =	vand.u32 $0x7FFFFFFF, v3  }
0x45e: {  	v2 =	vand.u32 $0xFFFF, v2;
	v10 =	vld [tilespmem:s22+$0xFFFFFC00];
	v3 =	vshrl.u32 v3, $0xF;
	v5 =	vmax.u32 v5, v8  }
0x45f: {  	v8 =	vand.u32 $0x7FFFFFFF, v4;
	v4 =	vshrl.u32 v4, $0xF;
	v3 =	vand.u32 $0xFFFF, v3  }
0x460: {  	v12 =	vld [tilespmem:s22+$0xFFFFFFA0];
	v5 =	vmax.u32 v5, v8;
	v8 =	vand.u32 $0x7FFFFFFF, v6;
	v6 =	vshrl.u32 v6, $0xF  }
0x461: {  	v13 =	vld [tilespmem:s22+$0xFFFFFFB0];
	v4 =	vand.u32 $0xFFFF, v4;
	v5 =	vmax.u32 v5, v8;
	v8 =	vand.u32 $0x7FFFFFFF, v7  }
0x462: {  	v7 =	vshrl.u32 v7, $0xF;
	v5 =	vmax.u32 v5, v8;
	v8 =	vand.u32 $0x7FFFFFFF, v9  }
0x463: {  	v20 =	vand.u32 $0xFFFF, v6;
	v5 =	vmax.u32 v5, v8;
	v8 =	vand.u32 $0x7FFFFFFF, v10  }
0x464: {  	v6 =	vand.u32 $0xFFFF, v14;
	v5 =	vmax.u32 v5, v8;
	v8 =	vand.u32 $0x7FFFFFFF, v11;
	v11 =	vld [tilespmem:s22+$0xFFFFFFE0]  }
0x465: {  	v9 =	vshrl.u32 v9, $0xF;
	v5 =	vmax.u32 v5, v8;
	v8 =	vand.u32 $0x7FFFFFFF, v12  }
0x466: {  	v17 =	vld [tilespmem:s22+$0xFFFFFFF0];
	v10 =	vshrl.u32 v10, $0xF;
	v5 =	vmax.u32 v5, v8;
	v8 =	vand.u32 $0x7FFFFFFF, v13  }
0x467: {  	v63 =	vand.u32 $0xFFFF, v7;
	v10 =	vand.u32 $0xFFFF, v10;
	v5 =	vmax.u32 v5, v8  }
0x468: {  	v12 =	vshrl.u32 v12, $0xF;
	v13 =	vshrl.u32 v13, $0xF;
	v8 =	vld [tilespmem:s22+$0x0];
	v5 =	vmax.u32 v5, v18  }
0x469: {  	[tilespmem:v1+s13+$0x0] =	vst.idx.add.s32.msk $0xffff, v0;
	v7 =	vand.u32 $0xFFFF, v13;
	v5 =	vmax.u32 v5, v61;
	v62 =	vand.u32 $0x7FFFFFFF, v11  }
0x46a: {  	[tilespmem:v2+s13+$0x0] =	vst.idx.add.s32.msk $0xffff, v0;
	v19 =	vshrl.u32 v11, $0xF;
	v11 =	vand.u32 $0xFFFF, v9;
	v9 =	vand.u32 $0xFFFF, v16  }
0x46b: {  	[tilespmem:v3+s13+$0x0] =	vst.idx.add.s32.msk $0xffff, v0;
	v1 =	vmax.u32 v5, v62;
	v5 =	vand.u32 $0x7FFFFFFF, v17;
	v17 =	vshrl.u32 v17, $0xF  }
0x46c: {  	[tilespmem:v4+s13+$0x0] =	vst.idx.add.s32.msk $0xffff, v0;
	v4 =	vand.u32 $0xFFFF, v19;
	v1 =	vmax.u32 v1, v5;
	v3 =	vand.u32 $0xFFFF, v17  }
0x46d: {  	[tilespmem:v20+s13+$0x0] =	vst.idx.add.s32.msk $0xffff, v0;
	v5 =	vand.u32 $0x7FFFFFFF, v8;
	v2 =	vshrl.u32 v8, $0xF;
	v8 =	vand.u32 $0xFFFF, v12  }
0x46e: {  	s23 =	simm.s32 $0x4FF0;
	s22 =	simm.s32 $0x0;
	[tilespmem:v63+s13+$0x0] =	vst.idx.add.s32.msk $0xffff, v0;
	v1 =	vmax.u32 v1, v5;
	v5 =	vand.u32 $0xFFFF, v15;
	v2 =	vand.u32 $0xFFFF, v2  }
.LBB2_35:
0x46f: {  	v12 =	vld [tilespmem:s23+$0xFFFFFB90];
	s22 =	sadd.s32 $0x10, s22  }
0x470: {  	p0 =	slt.u32 s22, $0x70;
	[tilespmem:v11+s13+$0x0] =	vst.idx.add.s32.msk $0xffff, v0  }
0x471: {  	v11 =	vld [tilespmem:s23+$0xFFFFFBA0]  }
0x472: {  	v13 =	vld [tilespmem:s23+$0xFFFFFBB0]  }
0x473: {  	v14 =	vld [tilespmem:s23+$0xFFFFFBC0]  }
0x474: {  	v15 =	vand.u32 $0x7FFFFFFF, v12;
	v12 =	vshrl.u32 v12, $0xF;
	v16 =	vld [tilespmem:s23+$0xFFFFFBD0]  }
0x475: {  	v12 =	vand.u32 $0xFFFF, v12;
	vm0 =	vgt.s32 v1, v15;
	v17 =	vld [tilespmem:s23+$0xFFFFFBE0]  }
0x476: {  	v1 =	vsel vm0, v1, v15;
	v15 =	vand.u32 $0x7FFFFFFF, v11;
	v11 =	vshrl.u32 v11, $0xF;
	v18 =	vld [tilespmem:s23+$0xFFFFFBF0]  }
0x477: {  	v1 =	vmax.u32 v1, v15;
	v15 =	vand.u32 $0x7FFFFFFF, v13;
	v13 =	vshrl.u32 v13, $0xF;
	v19 =	vld [tilespmem:s23+$0xFFFFFC00]  }
0x478: {  	v1 =	vmax.u32 v1, v15;
	v15 =	vand.u32 $0x7FFFFFFF, v14;
	v14 =	vshrl.u32 v14, $0xF;
	v20 =	vld [tilespmem:s23+$0xFFFFFF90]  }
0x479: {  	v1 =	vmax.u32 v1, v15;
	v15 =	vand.u32 $0x7FFFFFFF, v16;
	v16 =	vshrl.u32 v16, $0xF;
	v21 =	vld [tilespmem:s23+$0xFFFFFFA0]  }
0x47a: {  	v1 =	vmax.u32 v1, v15;
	v15 =	vand.u32 $0x7FFFFFFF, v17;
	v17 =	vshrl.u32 v17, $0xF;
	v22 =	vld [tilespmem:s23+$0xFFFFFFB0]  }
0x47b: {  	v1 =	vmax.u32 v1, v15;
	v15 =	vand.u32 $0x7FFFFFFF, v18;
	v18 =	vshrl.u32 v18, $0xF;
	v23 =	vld [tilespmem:s23+$0xFFFFFFC0]  }
0x47c: {  	v1 =	vmax.u32 v1, v15;
	v15 =	vand.u32 $0x7FFFFFFF, v19;
	v19 =	vshrl.u32 v19, $0xF;
	v24 =	vld [tilespmem:s23+$0xFFFFFFD0]  }
0x47d: {  	v1 =	vmax.u32 v1, v15;
	v15 =	vand.u32 $0x7FFFFFFF, v20;
	v20 =	vshrl.u32 v20, $0xF;
	v25 =	vld [tilespmem:s23+$0xFFFFFFE0]  }
0x47e: {  	v1 =	vmax.u32 v1, v15;
	v15 =	vand.u32 $0x7FFFFFFF, v21;
	v21 =	vshrl.u32 v21, $0xF;
	v26 =	vld [tilespmem:s23+$0xFFFFFFF0]  }
0x47f: {  	v1 =	vmax.u32 v1, v15;
	v15 =	vand.u32 $0x7FFFFFFF, v22;
	v22 =	vshrl.u32 v22, $0xF;
	v27 =	vld [tilespmem:s23+$0x0]  }
0x480: {  	[tilespmem:v12+s13+$0x0] =	vst.idx.add.s32.msk $0xffff, v0;
	v1 =	vmax.u32 v1, v15;
	v12 =	vand.u32 $0x7FFFFFFF, v23;
	v15 =	vshrl.u32 v23, $0xF  }
0x481: {  	v1 =	vmax.u32 v1, v12;
	v12 =	vand.u32 $0x7FFFFFFF, v24;
	v23 =	vshrl.u32 v24, $0xF;
	[tilespmem:v10+s13+$0x0] =	vst.idx.add.s32.msk $0xffff, v0  }
0x482: {  	v1 =	vmax.u32 v1, v12;
	v10 =	vand.u32 $0x7FFFFFFF, v25;
	v12 =	vshrl.u32 v25, $0xF;
	[tilespmem:v9+s13+$0x0] =	vst.idx.add.s32.msk $0xffff, v0  }
0x483: {  	v1 =	vmax.u32 v1, v10;
	v9 =	vand.u32 $0x7FFFFFFF, v26;
	v24 =	vshrl.u32 v26, $0xF;
	[tilespmem:v8+s13+$0x0] =	vst.idx.add.s32.msk $0xffff, v0  }
0x484: {  	v1 =	vmax.u32 v1, v9;
	v8 =	vand.u32 $0x7FFFFFFF, v27;
	v25 =	vshrl.u32 v27, $0xF;
	[tilespmem:v7+s13+$0x0] =	vst.idx.add.s32.msk $0xffff, v0  }
0x485: {  	v13 =	vand.u32 $0xFFFF, v13;
	v26 =	vand.u32 $0xFFFF, v11;
	v1 =	vmax.u32 v1, v8;
	[tilespmem:v6+s13+$0x0] =	vst.idx.add.s32.msk $0xffff, v0  }
0x486: {  	v14 =	vand.u32 $0xFFFF, v14;
	v16 =	vand.u32 $0xFFFF, v16;
	v17 =	vand.u32 $0xFFFF, v17;
	[tilespmem:v5+s13+$0x0] =	vst.idx.add.s32.msk $0xffff, v0  }
0x487: {  	v11 =	vand.u32 $0xFFFF, v18;
	v10 =	vand.u32 $0xFFFF, v19;
	v9 =	vand.u32 $0xFFFF, v20;
	[tilespmem:v4+s13+$0x0] =	vst.idx.add.s32.msk $0xffff, v0  }
0x488: {  	v7 =	vand.u32 $0xFFFF, v22;
	v8 =	vand.u32 $0xFFFF, v21;
	v6 =	vand.u32 $0xFFFF, v15;
	[tilespmem:v3+s13+$0x0] =	vst.idx.add.s32.msk $0xffff, v0  }
0x489: {  	v5 =	vand.u32 $0xFFFF, v23;
	v4 =	vand.u32 $0xFFFF, v12;
	v3 =	vand.u32 $0xFFFF, v24;
	[tilespmem:v2+s13+$0x0] =	vst.idx.add.s32.msk $0xffff, v0  }
.Ltmp16:
0x48a: {  	v2 =	vand.u32 $0xFFFF, v25;
	[tilespmem:v26+s13+$0x0] =	vst.idx.add.s32.msk $0xffff, v0;
	(pc) =	sbr.rel @p0 .LBB2_35-.Ltmp16, $4  }
0x48b: {  	[tilespmem:v13+s13+$0x0] =	vst.idx.add.s32.msk $0xffff, v0  }
0x48c: {  	[tilespmem:v14+s13+$0x0] =	vst.idx.add.s32.msk $0xffff, v0  }
0x48d: {  	[tilespmem:v16+s13+$0x0] =	vst.idx.add.s32.msk $0xffff, v0  }
0x48e: {  	s23 =	sadd.s32 $0x800, s23;
	[tilespmem:v17+s13+$0x0] =	vst.idx.add.s32.msk $0xffff, v0  }
0x48f: {  	_ =	sdelay $0x3  }
0x490: {  	[tilespmem:v11+s13+$0x0] =	vst.idx.add.s32.msk $0xffff, v0  }
0x491: {  	[tilespmem:v10+s13+$0x0] =	vst.idx.add.s32.msk $0xffff, v0  }
0x492: {  	[tilespmem:v9+s13+$0x0] =	vst.idx.add.s32.msk $0xffff, v0  }
0x493: {  	[tilespmem:v8+s13+$0x0] =	vst.idx.add.s32.msk $0xffff, v0  }
0x494: {  	[tilespmem:v7+s13+$0x0] =	vst.idx.add.s32.msk $0xffff, v0;
	s20 =	sadd.s32 $0x1, s20  }
0x495: {  	[tilespmem:v6+s13+$0x0] =	vst.idx.add.s32.msk $0xffff, v0;
	p0 =	sne.s32 s20, $0x10  }
.Ltmp17:
0x496: {  	[tilespmem:v5+s13+$0x0] =	vst.idx.add.s32.msk $0xffff, v0;
	s21 =	sadd.s32 s21, s7;
	(pc) =	sbr.rel @p0 .LBB2_4-.Ltmp17, $4  }
0x497: {  	[tilespmem:v4+s13+$0x0] =	vst.idx.add.s32.msk $0xffff, v0;
	s21 =	smin.u32 s21, $0x1FF8  }
0x498: {  	[tilespmem:v3+s13+$0x0] =	vst.idx.add.s32.msk $0xffff, v0;
	s21 =	sshll.u32 s21, $0x8  }
0x499: {  	[tilespmem:v2+s13+$0x0] =	vst.idx.add.s32.msk $0xffff, v0;
	s21 =	sadd.s32 s2, s21  }
0x49a: {  	[tilespmem:s11], [sflag:$0x2] =	stream.linear.gather [hbm4b:s21+s3], $0x4000, $0x38;
	[tilespmem:$0x18080] =	vst v63  }
0x49b: {  	_ =	swait.ge [sflag:s12], $0x4000  }
0x49c: {  	[sflag:s12] =	ssyncset.done $0x0  }
0x49d: {  	[sflag:s12] =	ssyncadd.s32 $0xFFFFC000  }
0x49e: {  	_ =	swait.ge [sflag:s14], $0x4000  }
0x49f: {  	[sflag:s14] =	ssyncset.done $0x0  }
0x4a0: {  	[sflag:s14] =	ssyncadd.s32 $0xFFFFC000  }
0x4a1: {  	[tilespmem:$0x18000] =	vst v1  }
0x4a2: {  	[hbm4b:s8+s3] =	stream.linear.scatter [tilespmem:s15], [sflag:$0x3], $0x80, $0x38;
	[tilespmem:$0x18080] =	vst v63  }
0x4a3: {  	s19 =	sadd.s32 $0x1, s19;
	_ =	swait.ge [sflag:s16], $0x80  }
0x4a4: {  	p0 =	sne.s32 s19, s10;
	[sflag:s16] =	ssyncset.done $0x0  }
.Ltmp18:
0x4a5: {  	[sflag:s16] =	ssyncadd.s32 $0xFFFFFF80;
	(pc) =	sbr.rel @p0 .LBB2_1-.Ltmp18, $4  }
0x4a6: {  	[hbm4b:s9+s17] =	stream.strided.scatter [tilespmem:s13], [sflag:$0x3], $0x10000, s18, s17, $0x38;
	[tilespmem:$0x18080] =	vst v63  }
0x4a7: {  	_ =	swait.ge [sflag:s16], $0x10000  }
0x4a8: {  	[sflag:s16] =	ssyncset.done $0x0  }
0x4a9: {  	[sflag:s16] =	ssyncadd.s32 $0xFFFF0000  }
0x4aa: {  	_ =	sfence.sel $0x180000  }
0x4ab: {  	[bflag:$0x0] =	sbarrier.arrive $0xFFFF  }
0x4ac: {  	p0 =	sne.s32 s0, $0x0;
	_ =	strace $0x90000047  }
0x4ad: {  	s0 =	sadd.s32 @!p0 $0x100000, s1;
	[bflag:$0x2] =	sbarrier.arrive $0xFFFF  }
0x4ae: {  	[sflag:s0] =	ssyncadd.tile.s32 @!p0 $0x1;
	_ =	shalt  }
.Lfunc_end2:
_tile_overlayer_lowered:
.L_overlay_start_2:
0x4af: {  	(tag) =	ssettag $0x2  }
0x4b0: {  	s0 =	rddreg [dreg:$0x0];
	s2 =	stileid.u32  }
0x4b1: {  	s1 =	rddreg [dreg:$0x1];
	p0 =	sne.s32 s2, $0x0  }
0x4b2: {  	s3 =	rddreg [dreg:$0x2];
	[bflag:$0x3] =	sbarrier.arrive $0xFFFF;
	s2 =	simm.s32 @!p0 $0x1C03  }
0x4b3: {  	[timem:s3], [sflag:s2] =	dma.local @!p0 [hbm:s0], s1  }
0x4b4: {  	s0 =	simm.s32 @!p0 $0x3  }
0x4b5: {  	_ =	swait.ge @!p0 [sflag:s0], s1  }
0x4b6: {  	s1 =	ssub.s32 @!p0 $0x0, s1;
	[sflag:s0] =	ssyncset.done @!p0 $0x0  }
0x4b7: {  	[sflag:s0] =	ssyncadd.s32 @!p0 s1  }
0x4b8: {  	[bflag:$0x3] =	sbarrier.arrive $0xFFFF  }
0x4b9: {  	_ =	shalt  }

</sc_bundles>
